<compile_context>
chip_gen: v7x
topology: tpu7x:2x2x1
jax: 0.10.2.dev20260603
libtpu: 0.0.44.dev20260713+nightly
codegen_flags: <defaults>
</compile_context>

<pallas_src>
import functools

import jax
import jax.numpy as jnp
from jax import lax
from jax.experimental import pallas as pl
from jax.experimental.pallas import tpu as pltpu
from jax.experimental.pallas import tpu_sc as plsc

NUM_ROLES = 16
D = 1024
N = 4 * 8192
NC = 2
NS = 16
NW = NC * NS
ROWS_PER_W = N // NW
K = 16
N_CHUNKS = ROWS_PER_W // K
L = 16
UNROLL = 1
NBUF = 4
DIST = 3
assert N_CHUNKS % NBUF == 0


@functools.partial(
    pl.kernel,
    out_type=jax.ShapeDtypeStruct((N, D), jnp.float32),
    mesh=plsc.VectorSubcoreMesh(
        core_axis_name="c", subcore_axis_name="s",
        num_cores=NC, num_subcores=NS,
    ),
    scratch_types=[
        pltpu.VMEM((NBUF, K, D), jnp.float32),
        pltpu.VMEM((NUM_ROLES, D), jnp.float32),
        pltpu.VMEM((N_CHUNKS, K), jnp.int32),
        pltpu.SemaphoreType.DMA((NBUF,)),
        pltpu.SemaphoreType.DMA((NBUF,)),
    ],
)
def _sc_add_embed(x_hbm, idx_hbm, tbl_hbm, out_hbm,
                  buf, tbl_v, idx_v, sem_in, sem_out):
    cid = lax.axis_index("c")
    sid = lax.axis_index("s")
    wid = sid * NC + cid
    base = wid * ROWS_PER_W

    pltpu.sync_copy(tbl_hbm, tbl_v)
    pltpu.sync_copy(idx_hbm.at[wid], idx_v)

    for b in range(DIST):
        pltpu.async_copy(
            x_hbm.at[pl.ds(base + b * K, K)], buf.at[b], sem_in.at[b])

    def add_rows(g, b, lo, hi):
        idx_vec = idx_v[g]
        roles = [idx_vec[j] for j in range(lo, hi)]

        @plsc.parallel_loop(0, D // L, 1, unroll=UNROLL)
        def _(cc):
            sl = pl.ds(cc * L, L)
            for j, role in zip(range(lo, hi), roles):
                plsc.addupdate(buf.at[b, j, sl], tbl_v[role, sl])

    def step(i, carry):
        for b in range(NBUF):
            g = i * NBUF + b
            pltpu.make_async_copy(
                x_hbm.at[pl.ds(base, K)], buf.at[b], sem_in.at[b]).wait()

            b2 = (b + DIST) % NBUF

            @pl.when(g + DIST < N_CHUNKS)
            def _():
                @pl.when(g >= NBUF - DIST)
                def _():
                    pltpu.make_async_copy(
                        buf.at[b2], out_hbm.at[pl.ds(base, K)], sem_out.at[b2]
                    ).wait()

                pltpu.async_copy(
                    x_hbm.at[pl.ds(base + (g + DIST) * K, K)], buf.at[b2],
                    sem_in.at[b2])

            add_rows(g, b, 0, K // 2)
            pltpu.async_copy(
                buf.at[b, : K // 2],
                out_hbm.at[pl.ds(base + g * K, K // 2)], sem_out.at[b])
            add_rows(g, b, K // 2, K)
            pltpu.async_copy(
                buf.at[b, K // 2 :],
                out_hbm.at[pl.ds(base + g * K + K // 2, K // 2)],
                sem_out.at[b])
        return carry

    lax.fori_loop(0, N_CHUNKS // NBUF, step, 0)

    for b in range(NBUF):
        pltpu.make_async_copy(
            buf.at[b], out_hbm.at[pl.ds(base, K)], sem_out.at[b]).wait()


def kernel(byte_embeds, role_ids, role_table):
    x = byte_embeds.reshape(N, D)
    idx = role_ids.reshape(NW, N_CHUNKS, K).astype(jnp.int32)
    out = _sc_add_embed(x, idx, role_table)
    return out.reshape(byte_embeds.shape)

# --- scband reference (transcript-rebuilt; emitter-appended) ---
"""Pipeline reference for scband-boundary-side-embedding-56143812494007 (READ-ONLY COPY).

The authoritative reference and input builder live on the scoring server;
editing this copy changes nothing except your own understanding.
"""

import jax, jax.numpy as jnp
import numpy as np

NUM_ROLES = 16
D_MODEL = 1024
BATCH = 4
SEQ = 8192
ROLE_PAD = 0

def setup_inputs(seed: int = 0) -> dict:
    key = jax.random.key(seed)
    k1, k2, k3 = jax.random.split(key, 3)
    byte_embeds = jax.random.normal(k1, (BATCH, SEQ, D_MODEL), dtype=jnp.float32)
    role_ids = jax.random.randint(k2, (BATCH, SEQ), 0, NUM_ROLES, dtype=jnp.int64 if jax.config.jax_enable_x64 else jnp.int32)
    role_table = 0.01 * jax.random.normal(k3, (NUM_ROLES, D_MODEL), dtype=jnp.float32)
    role_table = role_table.at[ROLE_PAD].set(0.0)
    return {"byte_embeds": byte_embeds, "role_ids": role_ids, "role_table": role_table}

def reference(byte_embeds, role_ids, role_table):
    # combine_mode == 'add': embedding gather + elementwise add
    role_embeds = jnp.take(role_table, role_ids, axis=0)
    return byte_embeds + role_embeds

if __name__ == "__main__":
    import jax
    _d = setup_inputs()
    print(jax.jit(kernel)(*tuple(_d.values())))

</pallas_src>

<mosaic_0001>
#map = affine_map<(d0, d1) -> (0, 0)>
#map1 = affine_map<(d0, d1) -> (0, 0, 0)>
module attributes {stable_mosaic.version = 14 : i64} {
  func.func @_sc_add_embed(%arg0: i32, %arg1: i32, %arg2: memref<32768x1024xf32, #tpu.memory_space<hbm>>, %arg3: memref<32x64x16xi32, #tpu.memory_space<hbm>>, %arg4: memref<16x1024xf32, #tpu.memory_space<hbm>>, %arg5: memref<32768x1024xf32, #tpu.memory_space<hbm>>, %arg6: memref<4x16x1024xf32, #tpu.memory_space<vmem>>, %arg7: memref<16x1024xf32, #tpu.memory_space<vmem>>, %arg8: memref<64x16xi32, #tpu.memory_space<vmem>>, %arg9: memref<4x!tpu.dma_semaphore, #tpu.memory_space<semaphore_mem>>, %arg10: memref<4x!tpu.dma_semaphore, #tpu.memory_space<semaphore_mem>>) attributes {dimension_semantics = [#tpu.dimension_semantics<core_parallel>, #tpu.dimension_semantics<subcore_parallel>], iteration_bounds = array<i64: 2, 16>, scalar_prefetch = 0 : i64, scratch_operands = 5 : i64, tpu.core_type = #tpu.core_type<sc_vector_subcore>, window_params = [{transform_indices = #map}, {transform_indices = #map1}, {transform_indices = #map}, {transform_indices = #map}]} {
    %mul3A = arith.constant 2 : i32
    %mul3A_0 = arith.muli %arg1, %mul3A : i32
    %add3A = arith.addi %mul3A_0, %arg0 : i32
    %mul3A_1 = arith.constant 1024 : i32
    %mul3A_2 = arith.muli %add3A, %mul3A_1 : i32
    "tpu.region"() ({
      %run_scoped3A = tpu.sem_alloc : memref<!tpu.dma_semaphore, #tpu.memory_space<semaphore_mem>>
      tpu.enqueue_dma source(%arg4 : memref<16x1024xf32, #tpu.memory_space<hbm>>) target(%arg7 : memref<16x1024xf32, #tpu.memory_space<vmem>>) target_semaphore(%run_scoped3A : memref<!tpu.dma_semaphore, #tpu.memory_space<semaphore_mem>>)
      tpu.wait_dma2 semaphore(%run_scoped3A : memref<!tpu.dma_semaphore, #tpu.memory_space<semaphore_mem>>) src(%arg4 : memref<16x1024xf32, #tpu.memory_space<hbm>>) dst(%arg7 : memref<16x1024xf32, #tpu.memory_space<vmem>>)
      tpu.yield
    }) : () -> ()
    "tpu.region"() ({
      %run_scoped3A = tpu.sem_alloc : memref<!tpu.dma_semaphore, #tpu.memory_space<semaphore_mem>>
      %dma_start3A_124 = arith.constant 0 : i32
      %dma_start3A_125 = arith.constant 0 : i32
      %dma_start3A_126 = tpu.memref_slice %arg3[%add3A, %dma_start3A_124, %dma_start3A_125] : memref<32x64x16xi32, #tpu.memory_space<hbm>> -> memref<1x64x16xi32, #tpu.memory_space<hbm>>
      %dma_start3A_127 = tpu.memref_squeeze %dma_start3A_126 : memref<1x64x16xi32, #tpu.memory_space<hbm>> -> memref<64x16xi32, #tpu.memory_space<hbm>>
      %dma_start3A_128 = arith.constant 0 : i32
      %dma_start3A_129 = arith.constant 0 : i32
      %dma_start3A_130 = tpu.memref_slice %arg3[%add3A, %dma_start3A_128, %dma_start3A_129] : memref<32x64x16xi32, #tpu.memory_space<hbm>> -> memref<1x64x16xi32, #tpu.memory_space<hbm>>
      %dma_start3A_131 = tpu.memref_squeeze %dma_start3A_130 : memref<1x64x16xi32, #tpu.memory_space<hbm>> -> memref<64x16xi32, #tpu.memory_space<hbm>>
      tpu.enqueue_dma source(%dma_start3A_131 : memref<64x16xi32, #tpu.memory_space<hbm>>) target(%arg8 : memref<64x16xi32, #tpu.memory_space<vmem>>) target_semaphore(%run_scoped3A : memref<!tpu.dma_semaphore, #tpu.memory_space<semaphore_mem>>)
      %dma_wait3A_132 = arith.constant 0 : i32
      %dma_wait3A_133 = arith.constant 0 : i32
      %dma_wait3A_134 = tpu.memref_slice %arg3[%add3A, %dma_wait3A_132, %dma_wait3A_133] : memref<32x64x16xi32, #tpu.memory_space<hbm>> -> memref<1x64x16xi32, #tpu.memory_space<hbm>>
      %dma_wait3A_135 = tpu.memref_squeeze %dma_wait3A_134 : memref<1x64x16xi32, #tpu.memory_space<hbm>> -> memref<64x16xi32, #tpu.memory_space<hbm>>
      %dma_wait3A_136 = arith.constant 0 : i32
      %dma_wait3A_137 = arith.constant 0 : i32
      %dma_wait3A_138 = tpu.memref_slice %arg3[%add3A, %dma_wait3A_136, %dma_wait3A_137] : memref<32x64x16xi32, #tpu.memory_space<hbm>> -> memref<1x64x16xi32, #tpu.memory_space<hbm>>
      %dma_wait3A_139 = tpu.memref_squeeze %dma_wait3A_138 : memref<1x64x16xi32, #tpu.memory_space<hbm>> -> memref<64x16xi32, #tpu.memory_space<hbm>>
      tpu.wait_dma2 semaphore(%run_scoped3A : memref<!tpu.dma_semaphore, #tpu.memory_space<semaphore_mem>>) src(%dma_wait3A_139 : memref<64x16xi32, #tpu.memory_space<hbm>>) dst(%arg8 : memref<64x16xi32, #tpu.memory_space<vmem>>)
      tpu.yield
    }) : () -> ()
    %add3A_3 = arith.constant 0 : i32
    %add3A_4 = arith.addi %mul3A_2, %add3A_3 : i32
    %dma_start3A = arith.constant 0 : i32
    %dma_start3A_5 = arith.constant 0 : i32
    %dma_start3A_6 = arith.constant 0 : i32
    %dma_start3A_7 = arith.constant 0 : i32
    %dma_start3A_8 = tpu.memref_slice %arg6[%dma_start3A, %dma_start3A_6, %dma_start3A_7] : memref<4x16x1024xf32, #tpu.memory_space<vmem>> -> memref<1x16x1024xf32, #tpu.memory_space<vmem>>
    %dma_start3A_9 = tpu.memref_squeeze %dma_start3A_8 : memref<1x16x1024xf32, #tpu.memory_space<vmem>> -> memref<16x1024xf32, #tpu.memory_space<vmem>>
    %dma_start3A_10 = arith.constant 0 : i32
    %dma_start3A_11 = tpu.memref_slice %arg2[%add3A_4, %dma_start3A_10] : memref<32768x1024xf32, #tpu.memory_space<hbm>> -> memref<16x1024xf32, #tpu.memory_space<hbm>>
    %dma_start3A_12 = tpu.memref_slice %arg9[%dma_start3A_5] : memref<4x!tpu.dma_semaphore, #tpu.memory_space<semaphore_mem>> -> memref<1x!tpu.dma_semaphore, #tpu.memory_space<semaphore_mem>>
    %dma_start3A_13 = tpu.memref_squeeze %dma_start3A_12 : memref<1x!tpu.dma_semaphore, #tpu.memory_space<semaphore_mem>> -> memref<!tpu.dma_semaphore, #tpu.memory_space<semaphore_mem>>
    %dma_start3A_14 = arith.constant 0 : i32
    %dma_start3A_15 = arith.constant 0 : i32
    %dma_start3A_16 = tpu.memref_slice %arg6[%dma_start3A, %dma_start3A_14, %dma_start3A_15] : memref<4x16x1024xf32, #tpu.memory_space<vmem>> -> memref<1x16x1024xf32, #tpu.memory_space<vmem>>
    %dma_start3A_17 = tpu.memref_squeeze %dma_start3A_16 : memref<1x16x1024xf32, #tpu.memory_space<vmem>> -> memref<16x1024xf32, #tpu.memory_space<vmem>>
    %dma_start3A_18 = arith.constant 0 : i32
    %dma_start3A_19 = tpu.memref_slice %arg2[%add3A_4, %dma_start3A_18] : memref<32768x1024xf32, #tpu.memory_space<hbm>> -> memref<16x1024xf32, #tpu.memory_space<hbm>>
    tpu.enqueue_dma source(%dma_start3A_19 : memref<16x1024xf32, #tpu.memory_space<hbm>>) target(%dma_start3A_17 : memref<16x1024xf32, #tpu.memory_space<vmem>>) target_semaphore(%dma_start3A_13 : memref<!tpu.dma_semaphore, #tpu.memory_space<semaphore_mem>>)
    %add3A_20 = arith.constant 16 : i32
    %add3A_21 = arith.addi %mul3A_2, %add3A_20 : i32
    %dma_start3A_22 = arith.constant 1 : i32
    %dma_start3A_23 = arith.constant 1 : i32
    %dma_start3A_24 = arith.constant 0 : i32
    %dma_start3A_25 = arith.constant 0 : i32
    %dma_start3A_26 = tpu.memref_slice %arg6[%dma_start3A_22, %dma_start3A_24, %dma_start3A_25] : memref<4x16x1024xf32, #tpu.memory_space<vmem>> -> memref<1x16x1024xf32, #tpu.memory_space<vmem>>
    %dma_start3A_27 = tpu.memref_squeeze %dma_start3A_26 : memref<1x16x1024xf32, #tpu.memory_space<vmem>> -> memref<16x1024xf32, #tpu.memory_space<vmem>>
    %dma_start3A_28 = arith.constant 0 : i32
    %dma_start3A_29 = tpu.memref_slice %arg2[%add3A_21, %dma_start3A_28] : memref<32768x1024xf32, #tpu.memory_space<hbm>> -> memref<16x1024xf32, #tpu.memory_space<hbm>>
    %dma_start3A_30 = tpu.memref_slice %arg9[%dma_start3A_23] : memref<4x!tpu.dma_semaphore, #tpu.memory_space<semaphore_mem>> -> memref<1x!tpu.dma_semaphore, #tpu.memory_space<semaphore_mem>>
    %dma_start3A_31 = tpu.memref_squeeze %dma_start3A_30 : memref<1x!tpu.dma_semaphore, #tpu.memory_space<semaphore_mem>> -> memref<!tpu.dma_semaphore, #tpu.memory_space<semaphore_mem>>
    %dma_start3A_32 = arith.constant 0 : i32
    %dma_start3A_33 = arith.constant 0 : i32
    %dma_start3A_34 = tpu.memref_slice %arg6[%dma_start3A_22, %dma_start3A_32, %dma_start3A_33] : memref<4x16x1024xf32, #tpu.memory_space<vmem>> -> memref<1x16x1024xf32, #tpu.memory_space<vmem>>
    %dma_start3A_35 = tpu.memref_squeeze %dma_start3A_34 : memref<1x16x1024xf32, #tpu.memory_space<vmem>> -> memref<16x1024xf32, #tpu.memory_space<vmem>>
    %dma_start3A_36 = arith.constant 0 : i32
    %dma_start3A_37 = tpu.memref_slice %arg2[%add3A_21, %dma_start3A_36] : memref<32768x1024xf32, #tpu.memory_space<hbm>> -> memref<16x1024xf32, #tpu.memory_space<hbm>>
    tpu.enqueue_dma source(%dma_start3A_37 : memref<16x1024xf32, #tpu.memory_space<hbm>>) target(%dma_start3A_35 : memref<16x1024xf32, #tpu.memory_space<vmem>>) target_semaphore(%dma_start3A_31 : memref<!tpu.dma_semaphore, #tpu.memory_space<semaphore_mem>>)
    %add3A_38 = arith.constant 32 : i32
    %add3A_39 = arith.addi %mul3A_2, %add3A_38 : i32
    %dma_start3A_40 = arith.constant 2 : i32
    %dma_start3A_41 = arith.constant 2 : i32
    %dma_start3A_42 = arith.constant 0 : i32
    %dma_start3A_43 = arith.constant 0 : i32
    %dma_start3A_44 = tpu.memref_slice %arg6[%dma_start3A_40, %dma_start3A_42, %dma_start3A_43] : memref<4x16x1024xf32, #tpu.memory_space<vmem>> -> memref<1x16x1024xf32, #tpu.memory_space<vmem>>
    %dma_start3A_45 = tpu.memref_squeeze %dma_start3A_44 : memref<1x16x1024xf32, #tpu.memory_space<vmem>> -> memref<16x1024xf32, #tpu.memory_space<vmem>>
    %dma_start3A_46 = arith.constant 0 : i32
    %dma_start3A_47 = tpu.memref_slice %arg2[%add3A_39, %dma_start3A_46] : memref<32768x1024xf32, #tpu.memory_space<hbm>> -> memref<16x1024xf32, #tpu.memory_space<hbm>>
    %dma_start3A_48 = tpu.memref_slice %arg9[%dma_start3A_41] : memref<4x!tpu.dma_semaphore, #tpu.memory_space<semaphore_mem>> -> memref<1x!tpu.dma_semaphore, #tpu.memory_space<semaphore_mem>>
    %dma_start3A_49 = tpu.memref_squeeze %dma_start3A_48 : memref<1x!tpu.dma_semaphore, #tpu.memory_space<semaphore_mem>> -> memref<!tpu.dma_semaphore, #tpu.memory_space<semaphore_mem>>
    %dma_start3A_50 = arith.constant 0 : i32
    %dma_start3A_51 = arith.constant 0 : i32
    %dma_start3A_52 = tpu.memref_slice %arg6[%dma_start3A_40, %dma_start3A_50, %dma_start3A_51] : memref<4x16x1024xf32, #tpu.memory_space<vmem>> -> memref<1x16x1024xf32, #tpu.memory_space<vmem>>
    %dma_start3A_53 = tpu.memref_squeeze %dma_start3A_52 : memref<1x16x1024xf32, #tpu.memory_space<vmem>> -> memref<16x1024xf32, #tpu.memory_space<vmem>>
    %dma_start3A_54 = arith.constant 0 : i32
    %dma_start3A_55 = tpu.memref_slice %arg2[%add3A_39, %dma_start3A_54] : memref<32768x1024xf32, #tpu.memory_space<hbm>> -> memref<16x1024xf32, #tpu.memory_space<hbm>>
    tpu.enqueue_dma source(%dma_start3A_55 : memref<16x1024xf32, #tpu.memory_space<hbm>>) target(%dma_start3A_53 : memref<16x1024xf32, #tpu.memory_space<vmem>>) target_semaphore(%dma_start3A_49 : memref<!tpu.dma_semaphore, #tpu.memory_space<semaphore_mem>>)
    %scan3A = arith.constant 0 : i32
    %scan3A_56 = arith.constant 0 : i32
    %scan3A_57 = arith.constant 16 : i32
    %scan3A_58 = arith.addi %scan3A_56, %scan3A_57 : i32
    %scan3A_59 = arith.constant 1 : i32
    scf.for %scan3A_124 = %scan3A_56 to %scan3A_58 step %scan3A_59  : i32 {
      %mul3A_125 = arith.constant 4 : i32
      %mul3A_126 = arith.muli %scan3A_124, %mul3A_125 : i32
      %add3A_127 = arith.constant 0 : i32
      %add3A_128 = arith.addi %mul3A_126, %add3A_127 : i32
      %dma_wait3A_129 = arith.constant 0 : i32
      %dma_wait3A_130 = arith.constant 0 : i32
      %dma_wait3A_131 = arith.constant 0 : i32
      %dma_wait3A_132 = arith.constant 0 : i32
      %dma_wait3A_133 = tpu.memref_slice %arg6[%dma_wait3A_129, %dma_wait3A_131, %dma_wait3A_132] : memref<4x16x1024xf32, #tpu.memory_space<vmem>> -> memref<1x16x1024xf32, #tpu.memory_space<vmem>>
      %dma_wait3A_134 = tpu.memref_squeeze %dma_wait3A_133 : memref<1x16x1024xf32, #tpu.memory_space<vmem>> -> memref<16x1024xf32, #tpu.memory_space<vmem>>
      %dma_wait3A_135 = arith.constant 0 : i32
      %dma_wait3A_136 = tpu.memref_slice %arg2[%mul3A_2, %dma_wait3A_135] : memref<32768x1024xf32, #tpu.memory_space<hbm>> -> memref<16x1024xf32, #tpu.memory_space<hbm>>
      %dma_wait3A_137 = tpu.memref_slice %arg9[%dma_wait3A_130] : memref<4x!tpu.dma_semaphore, #tpu.memory_space<semaphore_mem>> -> memref<1x!tpu.dma_semaphore, #tpu.memory_space<semaphore_mem>>
      %dma_wait3A_138 = tpu.memref_squeeze %dma_wait3A_137 : memref<1x!tpu.dma_semaphore, #tpu.memory_space<semaphore_mem>> -> memref<!tpu.dma_semaphore, #tpu.memory_space<semaphore_mem>>
      %dma_wait3A_139 = arith.constant 0 : i32
      %dma_wait3A_140 = arith.constant 0 : i32
      %dma_wait3A_141 = tpu.memref_slice %arg6[%dma_wait3A_129, %dma_wait3A_139, %dma_wait3A_140] : memref<4x16x1024xf32, #tpu.memory_space<vmem>> -> memref<1x16x1024xf32, #tpu.memory_space<vmem>>
      %dma_wait3A_142 = tpu.memref_squeeze %dma_wait3A_141 : memref<1x16x1024xf32, #tpu.memory_space<vmem>> -> memref<16x1024xf32, #tpu.memory_space<vmem>>
      %dma_wait3A_143 = arith.constant 0 : i32
      %dma_wait3A_144 = tpu.memref_slice %arg2[%mul3A_2, %dma_wait3A_143] : memref<32768x1024xf32, #tpu.memory_space<hbm>> -> memref<16x1024xf32, #tpu.memory_space<hbm>>
      tpu.wait_dma2 semaphore(%dma_wait3A_138 : memref<!tpu.dma_semaphore, #tpu.memory_space<semaphore_mem>>) src(%dma_wait3A_144 : memref<16x1024xf32, #tpu.memory_space<hbm>>) dst(%dma_wait3A_142 : memref<16x1024xf32, #tpu.memory_space<vmem>>)
      %add3A_145 = arith.constant 3 : i32
      %add3A_146 = arith.addi %add3A_128, %add3A_145 : i32
      %lt3A = arith.constant 64 : i32
      %lt3A_147 = arith.cmpi slt, %add3A_146, %lt3A : i32
      %convert_element_type3A = arith.extui %lt3A_147 : i1 to i32
      %cond3A = arith.constant 0 : i32
      %cond3A_148 = arith.cmpi ne, %convert_element_type3A, %cond3A : i32
      scf.if %cond3A_148 {
        %ge3A = arith.constant 1 : i32
        %ge3A_570 = arith.cmpi sge, %add3A_128, %ge3A : i32
        %convert_element_type3A_571 = arith.extui %ge3A_570 : i1 to i32
        %cond3A_572 = arith.constant 0 : i32
        %cond3A_573 = arith.cmpi ne, %convert_element_type3A_571, %cond3A_572 : i32
        scf.if %cond3A_573 {
          %dma_wait3A_595 = arith.constant 3 : i32
          %dma_wait3A_596 = arith.constant 3 : i32
          %dma_wait3A_597 = arith.constant 0 : i32
          %dma_wait3A_598 = arith.constant 0 : i32
          %dma_wait3A_599 = tpu.memref_slice %arg6[%dma_wait3A_595, %dma_wait3A_597, %dma_wait3A_598] : memref<4x16x1024xf32, #tpu.memory_space<vmem>> -> memref<1x16x1024xf32, #tpu.memory_space<vmem>>
          %dma_wait3A_600 = tpu.memref_squeeze %dma_wait3A_599 : memref<1x16x1024xf32, #tpu.memory_space<vmem>> -> memref<16x1024xf32, #tpu.memory_space<vmem>>
          %dma_wait3A_601 = arith.constant 0 : i32
          %dma_wait3A_602 = tpu.memref_slice %arg5[%mul3A_2, %dma_wait3A_601] : memref<32768x1024xf32, #tpu.memory_space<hbm>> -> memref<16x1024xf32, #tpu.memory_space<hbm>>
          %dma_wait3A_603 = tpu.memref_slice %arg10[%dma_wait3A_596] : memref<4x!tpu.dma_semaphore, #tpu.memory_space<semaphore_mem>> -> memref<1x!tpu.dma_semaphore, #tpu.memory_space<semaphore_mem>>
          %dma_wait3A_604 = tpu.memref_squeeze %dma_wait3A_603 : memref<1x!tpu.dma_semaphore, #tpu.memory_space<semaphore_mem>> -> memref<!tpu.dma_semaphore, #tpu.memory_space<semaphore_mem>>
          %dma_wait3A_605 = arith.constant 0 : i32
          %dma_wait3A_606 = tpu.memref_slice %arg5[%mul3A_2, %dma_wait3A_605] : memref<32768x1024xf32, #tpu.memory_space<hbm>> -> memref<16x1024xf32, #tpu.memory_space<hbm>>
          %dma_wait3A_607 = arith.constant 0 : i32
          %dma_wait3A_608 = arith.constant 0 : i32
          %dma_wait3A_609 = tpu.memref_slice %arg6[%dma_wait3A_595, %dma_wait3A_607, %dma_wait3A_608] : memref<4x16x1024xf32, #tpu.memory_space<vmem>> -> memref<1x16x1024xf32, #tpu.memory_space<vmem>>
          %dma_wait3A_610 = tpu.memref_squeeze %dma_wait3A_609 : memref<1x16x1024xf32, #tpu.memory_space<vmem>> -> memref<16x1024xf32, #tpu.memory_space<vmem>>
          tpu.wait_dma2 semaphore(%dma_wait3A_604 : memref<!tpu.dma_semaphore, #tpu.memory_space<semaphore_mem>>) src(%dma_wait3A_610 : memref<16x1024xf32, #tpu.memory_space<vmem>>) dst(%dma_wait3A_606 : memref<16x1024xf32, #tpu.memory_space<hbm>>)
        } else {
        }
        %add3A_574 = arith.constant 3 : i32
        %add3A_575 = arith.addi %add3A_128, %add3A_574 : i32
        %mul3A_576 = arith.constant 16 : i32
        %mul3A_577 = arith.muli %add3A_575, %mul3A_576 : i32
        %add3A_578 = arith.addi %mul3A_2, %mul3A_577 : i32
        %dma_start3A_579 = arith.constant 3 : i32
        %dma_start3A_580 = arith.constant 3 : i32
        %dma_start3A_581 = arith.constant 0 : i32
        %dma_start3A_582 = arith.constant 0 : i32
        %dma_start3A_583 = tpu.memref_slice %arg6[%dma_start3A_579, %dma_start3A_581, %dma_start3A_582] : memref<4x16x1024xf32, #tpu.memory_space<vmem>> -> memref<1x16x1024xf32, #tpu.memory_space<vmem>>
        %dma_start3A_584 = tpu.memref_squeeze %dma_start3A_583 : memref<1x16x1024xf32, #tpu.memory_space<vmem>> -> memref<16x1024xf32, #tpu.memory_space<vmem>>
        %dma_start3A_585 = arith.constant 0 : i32
        %dma_start3A_586 = tpu.memref_slice %arg2[%add3A_578, %dma_start3A_585] : memref<32768x1024xf32, #tpu.memory_space<hbm>> -> memref<16x1024xf32, #tpu.memory_space<hbm>>
        %dma_start3A_587 = tpu.memref_slice %arg9[%dma_start3A_580] : memref<4x!tpu.dma_semaphore, #tpu.memory_space<semaphore_mem>> -> memref<1x!tpu.dma_semaphore, #tpu.memory_space<semaphore_mem>>
        %dma_start3A_588 = tpu.memref_squeeze %dma_start3A_587 : memref<1x!tpu.dma_semaphore, #tpu.memory_space<semaphore_mem>> -> memref<!tpu.dma_semaphore, #tpu.memory_space<semaphore_mem>>
        %dma_start3A_589 = arith.constant 0 : i32
        %dma_start3A_590 = arith.constant 0 : i32
        %dma_start3A_591 = tpu.memref_slice %arg6[%dma_start3A_579, %dma_start3A_589, %dma_start3A_590] : memref<4x16x1024xf32, #tpu.memory_space<vmem>> -> memref<1x16x1024xf32, #tpu.memory_space<vmem>>
        %dma_start3A_592 = tpu.memref_squeeze %dma_start3A_591 : memref<1x16x1024xf32, #tpu.memory_space<vmem>> -> memref<16x1024xf32, #tpu.memory_space<vmem>>
        %dma_start3A_593 = arith.constant 0 : i32
        %dma_start3A_594 = tpu.memref_slice %arg2[%add3A_578, %dma_start3A_593] : memref<32768x1024xf32, #tpu.memory_space<hbm>> -> memref<16x1024xf32, #tpu.memory_space<hbm>>
        tpu.enqueue_dma source(%dma_start3A_594 : memref<16x1024xf32, #tpu.memory_space<hbm>>) target(%dma_start3A_592 : memref<16x1024xf32, #tpu.memory_space<vmem>>) target_semaphore(%dma_start3A_588 : memref<!tpu.dma_semaphore, #tpu.memory_space<semaphore_mem>>)
      } else {
      }
      %get3A = arith.index_cast %add3A_128 : i32 to index
      %get3A_149 = arith.constant 0 : index
      %get3A_150 = tpu.vector_load %arg8[%get3A, %get3A_149] {strides = array<i32>} : memref<64x16xi32, #tpu.memory_space<vmem>>, vector<1x16xi32>,
      %get3A_151 = vector.shape_cast %get3A_150 : vector<1x16xi32> to vector<16xi32>
      %slice3A = vector.extract_strided_slice %get3A_151 {offsets = [0], sizes = [1], strides = [1]} : vector<16xi32> to vector<1xi32>
      %squeeze3A = vector.extract %slice3A[0] : i32 from vector<1xi32>
      %slice3A_152 = vector.extract_strided_slice %get3A_151 {offsets = [1], sizes = [1], strides = [1]} : vector<16xi32> to vector<1xi32>
      %squeeze3A_153 = vector.extract %slice3A_152[0] : i32 from vector<1xi32>
      %slice3A_154 = vector.extract_strided_slice %get3A_151 {offsets = [2], sizes = [1], strides = [1]} : vector<16xi32> to vector<1xi32>
      %squeeze3A_155 = vector.extract %slice3A_154[0] : i32 from vector<1xi32>
      %slice3A_156 = vector.extract_strided_slice %get3A_151 {offsets = [3], sizes = [1], strides = [1]} : vector<16xi32> to vector<1xi32>
      %squeeze3A_157 = vector.extract %slice3A_156[0] : i32 from vector<1xi32>
      %slice3A_158 = vector.extract_strided_slice %get3A_151 {offsets = [4], sizes = [1], strides = [1]} : vector<16xi32> to vector<1xi32>
      %squeeze3A_159 = vector.extract %slice3A_158[0] : i32 from vector<1xi32>
      %slice3A_160 = vector.extract_strided_slice %get3A_151 {offsets = [5], sizes = [1], strides = [1]} : vector<16xi32> to vector<1xi32>
      %squeeze3A_161 = vector.extract %slice3A_160[0] : i32 from vector<1xi32>
      %slice3A_162 = vector.extract_strided_slice %get3A_151 {offsets = [6], sizes = [1], strides = [1]} : vector<16xi32> to vector<1xi32>
      %squeeze3A_163 = vector.extract %slice3A_162[0] : i32 from vector<1xi32>
      %slice3A_164 = vector.extract_strided_slice %get3A_151 {offsets = [7], sizes = [1], strides = [1]} : vector<16xi32> to vector<1xi32>
      %squeeze3A_165 = vector.extract %slice3A_164[0] : i32 from vector<1xi32>
      %parallel_loop3A = arith.constant 0 : i32
      %parallel_loop3A_166 = arith.constant 64 : i32
      %parallel_loop3A_167 = arith.constant 1 : i32
      scf.for %parallel_loop3A_570 = %parallel_loop3A to %parallel_loop3A_166 step %parallel_loop3A_167  : i32 {
        %parallel_loop3A_571 = arith.constant 16 : i32
        %parallel_loop3A_572 = arith.muli %parallel_loop3A_570, %parallel_loop3A_571 : i32
        %parallel_loop3A_573 = arith.index_cast %squeeze3A : i32 to index
        %parallel_loop3A_574 = arith.index_cast %parallel_loop3A_572 : i32 to index
        %parallel_loop3A_575 = tpu.vector_load %arg7[%parallel_loop3A_573, %parallel_loop3A_574] {strides = array<i32>} : memref<16x1024xf32, #tpu.memory_space<vmem>>, vector<1x16xf32>,
        %parallel_loop3A_576 = vector.shape_cast %parallel_loop3A_575 : vector<1x16xf32> to vector<16xf32>
        %parallel_loop3A_577 = arith.constant 0 : i32
        %parallel_loop3A_578 = arith.constant 0 : i32
        %parallel_loop3A_579 = arith.index_cast %parallel_loop3A_577 : i32 to index
        %parallel_loop3A_580 = arith.index_cast %parallel_loop3A_578 : i32 to index
        %parallel_loop3A_581 = arith.index_cast %parallel_loop3A_572 : i32 to index
        %parallel_loop3A_582 = tpu.vector_load %arg6[%parallel_loop3A_579, %parallel_loop3A_580, %parallel_loop3A_581] {strides = array<i32>} : memref<4x16x1024xf32, #tpu.memory_space<vmem>>, vector<1x1x16xf32>,
        %parallel_loop3A_583 = vector.shape_cast %parallel_loop3A_582 : vector<1x1x16xf32> to vector<16xf32>
        %parallel_loop3A_584 = vector.shape_cast %parallel_loop3A_576 : vector<16xf32> to vector<1x1x16xf32>
        tpu.vector_store %arg6[%parallel_loop3A_579, %parallel_loop3A_580, %parallel_loop3A_581], %parallel_loop3A_584 {add = true, strides = array<i32>} : memref<4x16x1024xf32, #tpu.memory_space<vmem>>, vector<1x1x16xf32>,
        %parallel_loop3A_585 = arith.index_cast %squeeze3A_153 : i32 to index
        %parallel_loop3A_586 = arith.index_cast %parallel_loop3A_572 : i32 to index
        %parallel_loop3A_587 = tpu.vector_load %arg7[%parallel_loop3A_585, %parallel_loop3A_586] {strides = array<i32>} : memref<16x1024xf32, #tpu.memory_space<vmem>>, vector<1x16xf32>,
        %parallel_loop3A_588 = vector.shape_cast %parallel_loop3A_587 : vector<1x16xf32> to vector<16xf32>
        %parallel_loop3A_589 = arith.constant 0 : i32
        %parallel_loop3A_590 = arith.constant 1 : i32
        %parallel_loop3A_591 = arith.index_cast %parallel_loop3A_589 : i32 to index
        %parallel_loop3A_592 = arith.index_cast %parallel_loop3A_590 : i32 to index
        %parallel_loop3A_593 = arith.index_cast %parallel_loop3A_572 : i32 to index
        %parallel_loop3A_594 = tpu.vector_load %arg6[%parallel_loop3A_591, %parallel_loop3A_592, %parallel_loop3A_593] {strides = array<i32>} : memref<4x16x1024xf32, #tpu.memory_space<vmem>>, vector<1x1x16xf32>,
        %parallel_loop3A_595 = vector.shape_cast %parallel_loop3A_594 : vector<1x1x16xf32> to vector<16xf32>
        %parallel_loop3A_596 = vector.shape_cast %parallel_loop3A_588 : vector<16xf32> to vector<1x1x16xf32>
        tpu.vector_store %arg6[%parallel_loop3A_591, %parallel_loop3A_592, %parallel_loop3A_593], %parallel_loop3A_596 {add = true, strides = array<i32>} : memref<4x16x1024xf32, #tpu.memory_space<vmem>>, vector<1x1x16xf32>,
        %parallel_loop3A_597 = arith.index_cast %squeeze3A_155 : i32 to index
        %parallel_loop3A_598 = arith.index_cast %parallel_loop3A_572 : i32 to index
        %parallel_loop3A_599 = tpu.vector_load %arg7[%parallel_loop3A_597, %parallel_loop3A_598] {strides = array<i32>} : memref<16x1024xf32, #tpu.memory_space<vmem>>, vector<1x16xf32>,
        %parallel_loop3A_600 = vector.shape_cast %parallel_loop3A_599 : vector<1x16xf32> to vector<16xf32>
        %parallel_loop3A_601 = arith.constant 0 : i32
        %parallel_loop3A_602 = arith.constant 2 : i32
        %parallel_loop3A_603 = arith.index_cast %parallel_loop3A_601 : i32 to index
        %parallel_loop3A_604 = arith.index_cast %parallel_loop3A_602 : i32 to index
        %parallel_loop3A_605 = arith.index_cast %parallel_loop3A_572 : i32 to index
        %parallel_loop3A_606 = tpu.vector_load %arg6[%parallel_loop3A_603, %parallel_loop3A_604, %parallel_loop3A_605] {strides = array<i32>} : memref<4x16x1024xf32, #tpu.memory_space<vmem>>, vector<1x1x16xf32>,
        %parallel_loop3A_607 = vector.shape_cast %parallel_loop3A_606 : vector<1x1x16xf32> to vector<16xf32>
        %parallel_loop3A_608 = vector.shape_cast %parallel_loop3A_600 : vector<16xf32> to vector<1x1x16xf32>
        tpu.vector_store %arg6[%parallel_loop3A_603, %parallel_loop3A_604, %parallel_loop3A_605], %parallel_loop3A_608 {add = true, strides = array<i32>} : memref<4x16x1024xf32, #tpu.memory_space<vmem>>, vector<1x1x16xf32>,
        %parallel_loop3A_609 = arith.index_cast %squeeze3A_157 : i32 to index
        %parallel_loop3A_610 = arith.index_cast %parallel_loop3A_572 : i32 to index
        %parallel_loop3A_611 = tpu.vector_load %arg7[%parallel_loop3A_609, %parallel_loop3A_610] {strides = array<i32>} : memref<16x1024xf32, #tpu.memory_space<vmem>>, vector<1x16xf32>,
        %parallel_loop3A_612 = vector.shape_cast %parallel_loop3A_611 : vector<1x16xf32> to vector<16xf32>
        %parallel_loop3A_613 = arith.constant 0 : i32
        %parallel_loop3A_614 = arith.constant 3 : i32
        %parallel_loop3A_615 = arith.index_cast %parallel_loop3A_613 : i32 to index
        %parallel_loop3A_616 = arith.index_cast %parallel_loop3A_614 : i32 to index
        %parallel_loop3A_617 = arith.index_cast %parallel_loop3A_572 : i32 to index
        %parallel_loop3A_618 = tpu.vector_load %arg6[%parallel_loop3A_615, %parallel_loop3A_616, %parallel_loop3A_617] {strides = array<i32>} : memref<4x16x1024xf32, #tpu.memory_space<vmem>>, vector<1x1x16xf32>,
        %parallel_loop3A_619 = vector.shape_cast %parallel_loop3A_618 : vector<1x1x16xf32> to vector<16xf32>
        %parallel_loop3A_620 = vector.shape_cast %parallel_loop3A_612 : vector<16xf32> to vector<1x1x16xf32>
        tpu.vector_store %arg6[%parallel_loop3A_615, %parallel_loop3A_616, %parallel_loop3A_617], %parallel_loop3A_620 {add = true, strides = array<i32>} : memref<4x16x1024xf32, #tpu.memory_space<vmem>>, vector<1x1x16xf32>,
        %parallel_loop3A_621 = arith.index_cast %squeeze3A_159 : i32 to index
        %parallel_loop3A_622 = arith.index_cast %parallel_loop3A_572 : i32 to index
        %parallel_loop3A_623 = tpu.vector_load %arg7[%parallel_loop3A_621, %parallel_loop3A_622] {strides = array<i32>} : memref<16x1024xf32, #tpu.memory_space<vmem>>, vector<1x16xf32>,
        %parallel_loop3A_624 = vector.shape_cast %parallel_loop3A_623 : vector<1x16xf32> to vector<16xf32>
        %parallel_loop3A_625 = arith.constant 0 : i32
        %parallel_loop3A_626 = arith.constant 4 : i32
        %parallel_loop3A_627 = arith.index_cast %parallel_loop3A_625 : i32 to index
        %parallel_loop3A_628 = arith.index_cast %parallel_loop3A_626 : i32 to index
        %parallel_loop3A_629 = arith.index_cast %parallel_loop3A_572 : i32 to index
        %parallel_loop3A_630 = tpu.vector_load %arg6[%parallel_loop3A_627, %parallel_loop3A_628, %parallel_loop3A_629] {strides = array<i32>} : memref<4x16x1024xf32, #tpu.memory_space<vmem>>, vector<1x1x16xf32>,
        %parallel_loop3A_631 = vector.shape_cast %parallel_loop3A_630 : vector<1x1x16xf32> to vector<16xf32>
        %parallel_loop3A_632 = vector.shape_cast %parallel_loop3A_624 : vector<16xf32> to vector<1x1x16xf32>
        tpu.vector_store %arg6[%parallel_loop3A_627, %parallel_loop3A_628, %parallel_loop3A_629], %parallel_loop3A_632 {add = true, strides = array<i32>} : memref<4x16x1024xf32, #tpu.memory_space<vmem>>, vector<1x1x16xf32>,
        %parallel_loop3A_633 = arith.index_cast %squeeze3A_161 : i32 to index
        %parallel_loop3A_634 = arith.index_cast %parallel_loop3A_572 : i32 to index
        %parallel_loop3A_635 = tpu.vector_load %arg7[%parallel_loop3A_633, %parallel_loop3A_634] {strides = array<i32>} : memref<16x1024xf32, #tpu.memory_space<vmem>>, vector<1x16xf32>,
        %parallel_loop3A_636 = vector.shape_cast %parallel_loop3A_635 : vector<1x16xf32> to vector<16xf32>
        %parallel_loop3A_637 = arith.constant 0 : i32
        %parallel_loop3A_638 = arith.constant 5 : i32
        %parallel_loop3A_639 = arith.index_cast %parallel_loop3A_637 : i32 to index
        %parallel_loop3A_640 = arith.index_cast %parallel_loop3A_638 : i32 to index
        %parallel_loop3A_641 = arith.index_cast %parallel_loop3A_572 : i32 to index
        %parallel_loop3A_642 = tpu.vector_load %arg6[%parallel_loop3A_639, %parallel_loop3A_640, %parallel_loop3A_641] {strides = array<i32>} : memref<4x16x1024xf32, #tpu.memory_space<vmem>>, vector<1x1x16xf32>,
        %parallel_loop3A_643 = vector.shape_cast %parallel_loop3A_642 : vector<1x1x16xf32> to vector<16xf32>
        %parallel_loop3A_644 = vector.shape_cast %parallel_loop3A_636 : vector<16xf32> to vector<1x1x16xf32>
        tpu.vector_store %arg6[%parallel_loop3A_639, %parallel_loop3A_640, %parallel_loop3A_641], %parallel_loop3A_644 {add = true, strides = array<i32>} : memref<4x16x1024xf32, #tpu.memory_space<vmem>>, vector<1x1x16xf32>,
        %parallel_loop3A_645 = arith.index_cast %squeeze3A_163 : i32 to index
        %parallel_loop3A_646 = arith.index_cast %parallel_loop3A_572 : i32 to index
        %parallel_loop3A_647 = tpu.vector_load %arg7[%parallel_loop3A_645, %parallel_loop3A_646] {strides = array<i32>} : memref<16x1024xf32, #tpu.memory_space<vmem>>, vector<1x16xf32>,
        %parallel_loop3A_648 = vector.shape_cast %parallel_loop3A_647 : vector<1x16xf32> to vector<16xf32>
        %parallel_loop3A_649 = arith.constant 0 : i32
        %parallel_loop3A_650 = arith.constant 6 : i32
        %parallel_loop3A_651 = arith.index_cast %parallel_loop3A_649 : i32 to index
        %parallel_loop3A_652 = arith.index_cast %parallel_loop3A_650 : i32 to index
        %parallel_loop3A_653 = arith.index_cast %parallel_loop3A_572 : i32 to index
        %parallel_loop3A_654 = tpu.vector_load %arg6[%parallel_loop3A_651, %parallel_loop3A_652, %parallel_loop3A_653] {strides = array<i32>} : memref<4x16x1024xf32, #tpu.memory_space<vmem>>, vector<1x1x16xf32>,
        %parallel_loop3A_655 = vector.shape_cast %parallel_loop3A_654 : vector<1x1x16xf32> to vector<16xf32>
        %parallel_loop3A_656 = vector.shape_cast %parallel_loop3A_648 : vector<16xf32> to vector<1x1x16xf32>
        tpu.vector_store %arg6[%parallel_loop3A_651, %parallel_loop3A_652, %parallel_loop3A_653], %parallel_loop3A_656 {add = true, strides = array<i32>} : memref<4x16x1024xf32, #tpu.memory_space<vmem>>, vector<1x1x16xf32>,
        %parallel_loop3A_657 = arith.index_cast %squeeze3A_165 : i32 to index
        %parallel_loop3A_658 = arith.index_cast %parallel_loop3A_572 : i32 to index
        %parallel_loop3A_659 = tpu.vector_load %arg7[%parallel_loop3A_657, %parallel_loop3A_658] {strides = array<i32>} : memref<16x1024xf32, #tpu.memory_space<vmem>>, vector<1x16xf32>,
        %parallel_loop3A_660 = vector.shape_cast %parallel_loop3A_659 : vector<1x16xf32> to vector<16xf32>
        %parallel_loop3A_661 = arith.constant 0 : i32
        %parallel_loop3A_662 = arith.constant 7 : i32
        %parallel_loop3A_663 = arith.index_cast %parallel_loop3A_661 : i32 to index
        %parallel_loop3A_664 = arith.index_cast %parallel_loop3A_662 : i32 to index
        %parallel_loop3A_665 = arith.index_cast %parallel_loop3A_572 : i32 to index
        %parallel_loop3A_666 = tpu.vector_load %arg6[%parallel_loop3A_663, %parallel_loop3A_664, %parallel_loop3A_665] {strides = array<i32>} : memref<4x16x1024xf32, #tpu.memory_space<vmem>>, vector<1x1x16xf32>,
        %parallel_loop3A_667 = vector.shape_cast %parallel_loop3A_666 : vector<1x1x16xf32> to vector<16xf32>
        %parallel_loop3A_668 = vector.shape_cast %parallel_loop3A_660 : vector<16xf32> to vector<1x1x16xf32>
        tpu.vector_store %arg6[%parallel_loop3A_663, %parallel_loop3A_664, %parallel_loop3A_665], %parallel_loop3A_668 {add = true, strides = array<i32>} : memref<4x16x1024xf32, #tpu.memory_space<vmem>>, vector<1x1x16xf32>,
      } {sc.loop_unroll_factor = 1 : i64, sc.parallel_access}
      %mul3A_168 = arith.constant 16 : i32
      %mul3A_169 = arith.muli %add3A_128, %mul3A_168 : i32
      %add3A_170 = arith.addi %mul3A_2, %mul3A_169 : i32
      %dma_start3A_171 = arith.constant 0 : i32
      %dma_start3A_172 = arith.constant 0 : i32
      %dma_start3A_173 = arith.constant 0 : i32
      %dma_start3A_174 = arith.constant 0 : i32
      %dma_start3A_175 = tpu.memref_slice %arg6[%dma_start3A_171, %dma_start3A_173, %dma_start3A_174] : memref<4x16x1024xf32, #tpu.memory_space<vmem>> -> memref<1x8x1024xf32, #tpu.memory_space<vmem>>
      %dma_start3A_176 = tpu.memref_squeeze %dma_start3A_175 : memref<1x8x1024xf32, #tpu.memory_space<vmem>> -> memref<8x1024xf32, #tpu.memory_space<vmem>>
      %dma_start3A_177 = arith.constant 0 : i32
      %dma_start3A_178 = tpu.memref_slice %arg5[%add3A_170, %dma_start3A_177] : memref<32768x1024xf32, #tpu.memory_space<hbm>> -> memref<8x1024xf32, #tpu.memory_space<hbm>>
      %dma_start3A_179 = tpu.memref_slice %arg10[%dma_start3A_172] : memref<4x!tpu.dma_semaphore, #tpu.memory_space<semaphore_mem>> -> memref<1x!tpu.dma_semaphore, #tpu.memory_space<semaphore_mem>>
      %dma_start3A_180 = tpu.memref_squeeze %dma_start3A_179 : memref<1x!tpu.dma_semaphore, #tpu.memory_space<semaphore_mem>> -> memref<!tpu.dma_semaphore, #tpu.memory_space<semaphore_mem>>
      %dma_start3A_181 = arith.constant 0 : i32
      %dma_start3A_182 = tpu.memref_slice %arg5[%add3A_170, %dma_start3A_181] : memref<32768x1024xf32, #tpu.memory_space<hbm>> -> memref<8x1024xf32, #tpu.memory_space<hbm>>
      %dma_start3A_183 = arith.constant 0 : i32
      %dma_start3A_184 = arith.constant 0 : i32
      %dma_start3A_185 = tpu.memref_slice %arg6[%dma_start3A_171, %dma_start3A_183, %dma_start3A_184] : memref<4x16x1024xf32, #tpu.memory_space<vmem>> -> memref<1x8x1024xf32, #tpu.memory_space<vmem>>
      %dma_start3A_186 = tpu.memref_squeeze %dma_start3A_185 : memref<1x8x1024xf32, #tpu.memory_space<vmem>> -> memref<8x1024xf32, #tpu.memory_space<vmem>>
      tpu.enqueue_dma source(%dma_start3A_186 : memref<8x1024xf32, #tpu.memory_space<vmem>>) target(%dma_start3A_182 : memref<8x1024xf32, #tpu.memory_space<hbm>>) target_semaphore(%dma_start3A_180 : memref<!tpu.dma_semaphore, #tpu.memory_space<semaphore_mem>>)
      %get3A_187 = arith.index_cast %add3A_128 : i32 to index
      %get3A_188 = arith.constant 0 : index
      %get3A_189 = tpu.vector_load %arg8[%get3A_187, %get3A_188] {strides = array<i32>} : memref<64x16xi32, #tpu.memory_space<vmem>>, vector<1x16xi32>,
      %get3A_190 = vector.shape_cast %get3A_189 : vector<1x16xi32> to vector<16xi32>
      %slice3A_191 = vector.extract_strided_slice %get3A_190 {offsets = [8], sizes = [1], strides = [1]} : vector<16xi32> to vector<1xi32>
      %squeeze3A_192 = vector.extract %slice3A_191[0] : i32 from vector<1xi32>
      %slice3A_193 = vector.extract_strided_slice %get3A_190 {offsets = [9], sizes = [1], strides = [1]} : vector<16xi32> to vector<1xi32>
      %squeeze3A_194 = vector.extract %slice3A_193[0] : i32 from vector<1xi32>
      %slice3A_195 = vector.extract_strided_slice %get3A_190 {offsets = [10], sizes = [1], strides = [1]} : vector<16xi32> to vector<1xi32>
      %squeeze3A_196 = vector.extract %slice3A_195[0] : i32 from vector<1xi32>
      %slice3A_197 = vector.extract_strided_slice %get3A_190 {offsets = [11], sizes = [1], strides = [1]} : vector<16xi32> to vector<1xi32>
      %squeeze3A_198 = vector.extract %slice3A_197[0] : i32 from vector<1xi32>
      %slice3A_199 = vector.extract_strided_slice %get3A_190 {offsets = [12], sizes = [1], strides = [1]} : vector<16xi32> to vector<1xi32>
      %squeeze3A_200 = vector.extract %slice3A_199[0] : i32 from vector<1xi32>
      %slice3A_201 = vector.extract_strided_slice %get3A_190 {offsets = [13], sizes = [1], strides = [1]} : vector<16xi32> to vector<1xi32>
      %squeeze3A_202 = vector.extract %slice3A_201[0] : i32 from vector<1xi32>
      %slice3A_203 = vector.extract_strided_slice %get3A_190 {offsets = [14], sizes = [1], strides = [1]} : vector<16xi32> to vector<1xi32>
      %squeeze3A_204 = vector.extract %slice3A_203[0] : i32 from vector<1xi32>
      %slice3A_205 = vector.extract_strided_slice %get3A_190 {offsets = [15], sizes = [1], strides = [1]} : vector<16xi32> to vector<1xi32>
      %squeeze3A_206 = vector.extract %slice3A_205[0] : i32 from vector<1xi32>
      %parallel_loop3A_207 = arith.constant 0 : i32
      %parallel_loop3A_208 = arith.constant 64 : i32
      %parallel_loop3A_209 = arith.constant 1 : i32
      scf.for %parallel_loop3A_570 = %parallel_loop3A_207 to %parallel_loop3A_208 step %parallel_loop3A_209  : i32 {
        %parallel_loop3A_571 = arith.constant 16 : i32
        %parallel_loop3A_572 = arith.muli %parallel_loop3A_570, %parallel_loop3A_571 : i32
        %parallel_loop3A_573 = arith.index_cast %squeeze3A_192 : i32 to index
        %parallel_loop3A_574 = arith.index_cast %parallel_loop3A_572 : i32 to index
        %parallel_loop3A_575 = tpu.vector_load %arg7[%parallel_loop3A_573, %parallel_loop3A_574] {strides = array<i32>} : memref<16x1024xf32, #tpu.memory_space<vmem>>, vector<1x16xf32>,
        %parallel_loop3A_576 = vector.shape_cast %parallel_loop3A_575 : vector<1x16xf32> to vector<16xf32>
        %parallel_loop3A_577 = arith.constant 0 : i32
        %parallel_loop3A_578 = arith.constant 8 : i32
        %parallel_loop3A_579 = arith.index_cast %parallel_loop3A_577 : i32 to index
        %parallel_loop3A_580 = arith.index_cast %parallel_loop3A_578 : i32 to index
        %parallel_loop3A_581 = arith.index_cast %parallel_loop3A_572 : i32 to index
        %parallel_loop3A_582 = tpu.vector_load %arg6[%parallel_loop3A_579, %parallel_loop3A_580, %parallel_loop3A_581] {strides = array<i32>} : memref<4x16x1024xf32, #tpu.memory_space<vmem>>, vector<1x1x16xf32>,
        %parallel_loop3A_583 = vector.shape_cast %parallel_loop3A_582 : vector<1x1x16xf32> to vector<16xf32>
        %parallel_loop3A_584 = vector.shape_cast %parallel_loop3A_576 : vector<16xf32> to vector<1x1x16xf32>
        tpu.vector_store %arg6[%parallel_loop3A_579, %parallel_loop3A_580, %parallel_loop3A_581], %parallel_loop3A_584 {add = true, strides = array<i32>} : memref<4x16x1024xf32, #tpu.memory_space<vmem>>, vector<1x1x16xf32>,
        %parallel_loop3A_585 = arith.index_cast %squeeze3A_194 : i32 to index
        %parallel_loop3A_586 = arith.index_cast %parallel_loop3A_572 : i32 to index
        %parallel_loop3A_587 = tpu.vector_load %arg7[%parallel_loop3A_585, %parallel_loop3A_586] {strides = array<i32>} : memref<16x1024xf32, #tpu.memory_space<vmem>>, vector<1x16xf32>,
        %parallel_loop3A_588 = vector.shape_cast %parallel_loop3A_587 : vector<1x16xf32> to vector<16xf32>
        %parallel_loop3A_589 = arith.constant 0 : i32
        %parallel_loop3A_590 = arith.constant 9 : i32
        %parallel_loop3A_591 = arith.index_cast %parallel_loop3A_589 : i32 to index
        %parallel_loop3A_592 = arith.index_cast %parallel_loop3A_590 : i32 to index
        %parallel_loop3A_593 = arith.index_cast %parallel_loop3A_572 : i32 to index
        %parallel_loop3A_594 = tpu.vector_load %arg6[%parallel_loop3A_591, %parallel_loop3A_592, %parallel_loop3A_593] {strides = array<i32>} : memref<4x16x1024xf32, #tpu.memory_space<vmem>>, vector<1x1x16xf32>,
        %parallel_loop3A_595 = vector.shape_cast %parallel_loop3A_594 : vector<1x1x16xf32> to vector<16xf32>
        %parallel_loop3A_596 = vector.shape_cast %parallel_loop3A_588 : vector<16xf32> to vector<1x1x16xf32>
        tpu.vector_store %arg6[%parallel_loop3A_591, %parallel_loop3A_592, %parallel_loop3A_593], %parallel_loop3A_596 {add = true, strides = array<i32>} : memref<4x16x1024xf32, #tpu.memory_space<vmem>>, vector<1x1x16xf32>,
        %parallel_loop3A_597 = arith.index_cast %squeeze3A_196 : i32 to index
        %parallel_loop3A_598 = arith.index_cast %parallel_loop3A_572 : i32 to index
        %parallel_loop3A_599 = tpu.vector_load %arg7[%parallel_loop3A_597, %parallel_loop3A_598] {strides = array<i32>} : memref<16x1024xf32, #tpu.memory_space<vmem>>, vector<1x16xf32>,
        %parallel_loop3A_600 = vector.shape_cast %parallel_loop3A_599 : vector<1x16xf32> to vector<16xf32>
        %parallel_loop3A_601 = arith.constant 0 : i32
        %parallel_loop3A_602 = arith.constant 10 : i32
        %parallel_loop3A_603 = arith.index_cast %parallel_loop3A_601 : i32 to index
        %parallel_loop3A_604 = arith.index_cast %parallel_loop3A_602 : i32 to index
        %parallel_loop3A_605 = arith.index_cast %parallel_loop3A_572 : i32 to index
        %parallel_loop3A_606 = tpu.vector_load %arg6[%parallel_loop3A_603, %parallel_loop3A_604, %parallel_loop3A_605] {strides = array<i32>} : memref<4x16x1024xf32, #tpu.memory_space<vmem>>, vector<1x1x16xf32>,
        %parallel_loop3A_607 = vector.shape_cast %parallel_loop3A_606 : vector<1x1x16xf32> to vector<16xf32>
        %parallel_loop3A_608 = vector.shape_cast %parallel_loop3A_600 : vector<16xf32> to vector<1x1x16xf32>
        tpu.vector_store %arg6[%parallel_loop3A_603, %parallel_loop3A_604, %parallel_loop3A_605], %parallel_loop3A_608 {add = true, strides = array<i32>} : memref<4x16x1024xf32, #tpu.memory_space<vmem>>, vector<1x1x16xf32>,
        %parallel_loop3A_609 = arith.index_cast %squeeze3A_198 : i32 to index
        %parallel_loop3A_610 = arith.index_cast %parallel_loop3A_572 : i32 to index
        %parallel_loop3A_611 = tpu.vector_load %arg7[%parallel_loop3A_609, %parallel_loop3A_610] {strides = array<i32>} : memref<16x1024xf32, #tpu.memory_space<vmem>>, vector<1x16xf32>,
        %parallel_loop3A_612 = vector.shape_cast %parallel_loop3A_611 : vector<1x16xf32> to vector<16xf32>
        %parallel_loop3A_613 = arith.constant 0 : i32
        %parallel_loop3A_614 = arith.constant 11 : i32
        %parallel_loop3A_615 = arith.index_cast %parallel_loop3A_613 : i32 to index
        %parallel_loop3A_616 = arith.index_cast %parallel_loop3A_614 : i32 to index
        %parallel_loop3A_617 = arith.index_cast %parallel_loop3A_572 : i32 to index
        %parallel_loop3A_618 = tpu.vector_load %arg6[%parallel_loop3A_615, %parallel_loop3A_616, %parallel_loop3A_617] {strides = array<i32>} : memref<4x16x1024xf32, #tpu.memory_space<vmem>>, vector<1x1x16xf32>,
        %parallel_loop3A_619 = vector.shape_cast %parallel_loop3A_618 : vector<1x1x16xf32> to vector<16xf32>
        %parallel_loop3A_620 = vector.shape_cast %parallel_loop3A_612 : vector<16xf32> to vector<1x1x16xf32>
        tpu.vector_store %arg6[%parallel_loop3A_615, %parallel_loop3A_616, %parallel_loop3A_617], %parallel_loop3A_620 {add = true, strides = array<i32>} : memref<4x16x1024xf32, #tpu.memory_space<vmem>>, vector<1x1x16xf32>,
        %parallel_loop3A_621 = arith.index_cast %squeeze3A_200 : i32 to index
        %parallel_loop3A_622 = arith.index_cast %parallel_loop3A_572 : i32 to index
        %parallel_loop3A_623 = tpu.vector_load %arg7[%parallel_loop3A_621, %parallel_loop3A_622] {strides = array<i32>} : memref<16x1024xf32, #tpu.memory_space<vmem>>, vector<1x16xf32>,
        %parallel_loop3A_624 = vector.shape_cast %parallel_loop3A_623 : vector<1x16xf32> to vector<16xf32>
        %parallel_loop3A_625 = arith.constant 0 : i32
        %parallel_loop3A_626 = arith.constant 12 : i32
        %parallel_loop3A_627 = arith.index_cast %parallel_loop3A_625 : i32 to index
        %parallel_loop3A_628 = arith.index_cast %parallel_loop3A_626 : i32 to index
        %parallel_loop3A_629 = arith.index_cast %parallel_loop3A_572 : i32 to index
        %parallel_loop3A_630 = tpu.vector_load %arg6[%parallel_loop3A_627, %parallel_loop3A_628, %parallel_loop3A_629] {strides = array<i32>} : memref<4x16x1024xf32, #tpu.memory_space<vmem>>, vector<1x1x16xf32>,
        %parallel_loop3A_631 = vector.shape_cast %parallel_loop3A_630 : vector<1x1x16xf32> to vector<16xf32>
        %parallel_loop3A_632 = vector.shape_cast %parallel_loop3A_624 : vector<16xf32> to vector<1x1x16xf32>
        tpu.vector_store %arg6[%parallel_loop3A_627, %parallel_loop3A_628, %parallel_loop3A_629], %parallel_loop3A_632 {add = true, strides = array<i32>} : memref<4x16x1024xf32, #tpu.memory_space<vmem>>, vector<1x1x16xf32>,
        %parallel_loop3A_633 = arith.index_cast %squeeze3A_202 : i32 to index
        %parallel_loop3A_634 = arith.index_cast %parallel_loop3A_572 : i32 to index
        %parallel_loop3A_635 = tpu.vector_load %arg7[%parallel_loop3A_633, %parallel_loop3A_634] {strides = array<i32>} : memref<16x1024xf32, #tpu.memory_space<vmem>>, vector<1x16xf32>,
        %parallel_loop3A_636 = vector.shape_cast %parallel_loop3A_635 : vector<1x16xf32> to vector<16xf32>
        %parallel_loop3A_637 = arith.constant 0 : i32
        %parallel_loop3A_638 = arith.constant 13 : i32
        %parallel_loop3A_639 = arith.index_cast %parallel_loop3A_637 : i32 to index
        %parallel_loop3A_640 = arith.index_cast %parallel_loop3A_638 : i32 to index
        %parallel_loop3A_641 = arith.index_cast %parallel_loop3A_572 : i32 to index
        %parallel_loop3A_642 = tpu.vector_load %arg6[%parallel_loop3A_639, %parallel_loop3A_640, %parallel_loop3A_641] {strides = array<i32>} : memref<4x16x1024xf32, #tpu.memory_space<vmem>>, vector<1x1x16xf32>,
        %parallel_loop3A_643 = vector.shape_cast %parallel_loop3A_642 : vector<1x1x16xf32> to vector<16xf32>
        %parallel_loop3A_644 = vector.shape_cast %parallel_loop3A_636 : vector<16xf32> to vector<1x1x16xf32>
        tpu.vector_store %arg6[%parallel_loop3A_639, %parallel_loop3A_640, %parallel_loop3A_641], %parallel_loop3A_644 {add = true, strides = array<i32>} : memref<4x16x1024xf32, #tpu.memory_space<vmem>>, vector<1x1x16xf32>,
        %parallel_loop3A_645 = arith.index_cast %squeeze3A_204 : i32 to index
        %parallel_loop3A_646 = arith.index_cast %parallel_loop3A_572 : i32 to index
        %parallel_loop3A_647 = tpu.vector_load %arg7[%parallel_loop3A_645, %parallel_loop3A_646] {strides = array<i32>} : memref<16x1024xf32, #tpu.memory_space<vmem>>, vector<1x16xf32>,
        %parallel_loop3A_648 = vector.shape_cast %parallel_loop3A_647 : vector<1x16xf32> to vector<16xf32>
        %parallel_loop3A_649 = arith.constant 0 : i32
        %parallel_loop3A_650 = arith.constant 14 : i32
        %parallel_loop3A_651 = arith.index_cast %parallel_loop3A_649 : i32 to index
        %parallel_loop3A_652 = arith.index_cast %parallel_loop3A_650 : i32 to index
        %parallel_loop3A_653 = arith.index_cast %parallel_loop3A_572 : i32 to index
        %parallel_loop3A_654 = tpu.vector_load %arg6[%parallel_loop3A_651, %parallel_loop3A_652, %parallel_loop3A_653] {strides = array<i32>} : memref<4x16x1024xf32, #tpu.memory_space<vmem>>, vector<1x1x16xf32>,
        %parallel_loop3A_655 = vector.shape_cast %parallel_loop3A_654 : vector<1x1x16xf32> to vector<16xf32>
        %parallel_loop3A_656 = vector.shape_cast %parallel_loop3A_648 : vector<16xf32> to vector<1x1x16xf32>
        tpu.vector_store %arg6[%parallel_loop3A_651, %parallel_loop3A_652, %parallel_loop3A_653], %parallel_loop3A_656 {add = true, strides = array<i32>} : memref<4x16x1024xf32, #tpu.memory_space<vmem>>, vector<1x1x16xf32>,
        %parallel_loop3A_657 = arith.index_cast %squeeze3A_206 : i32 to index
        %parallel_loop3A_658 = arith.index_cast %parallel_loop3A_572 : i32 to index
        %parallel_loop3A_659 = tpu.vector_load %arg7[%parallel_loop3A_657, %parallel_loop3A_658] {strides = array<i32>} : memref<16x1024xf32, #tpu.memory_space<vmem>>, vector<1x16xf32>,
        %parallel_loop3A_660 = vector.shape_cast %parallel_loop3A_659 : vector<1x16xf32> to vector<16xf32>
        %parallel_loop3A_661 = arith.constant 0 : i32
        %parallel_loop3A_662 = arith.constant 15 : i32
        %parallel_loop3A_663 = arith.index_cast %parallel_loop3A_661 : i32 to index
        %parallel_loop3A_664 = arith.index_cast %parallel_loop3A_662 : i32 to index
        %parallel_loop3A_665 = arith.index_cast %parallel_loop3A_572 : i32 to index
        %parallel_loop3A_666 = tpu.vector_load %arg6[%parallel_loop3A_663, %parallel_loop3A_664, %parallel_loop3A_665] {strides = array<i32>} : memref<4x16x1024xf32, #tpu.memory_space<vmem>>, vector<1x1x16xf32>,
        %parallel_loop3A_667 = vector.shape_cast %parallel_loop3A_666 : vector<1x1x16xf32> to vector<16xf32>
        %parallel_loop3A_668 = vector.shape_cast %parallel_loop3A_660 : vector<16xf32> to vector<1x1x16xf32>
        tpu.vector_store %arg6[%parallel_loop3A_663, %parallel_loop3A_664, %parallel_loop3A_665], %parallel_loop3A_668 {add = true, strides = array<i32>} : memref<4x16x1024xf32, #tpu.memory_space<vmem>>, vector<1x1x16xf32>,
      } {sc.loop_unroll_factor = 1 : i64, sc.parallel_access}
      %mul3A_210 = arith.constant 16 : i32
      %mul3A_211 = arith.muli %add3A_128, %mul3A_210 : i32
      %add3A_212 = arith.addi %mul3A_2, %mul3A_211 : i32
      %add3A_213 = arith.constant 8 : i32
      %add3A_214 = arith.addi %add3A_212, %add3A_213 : i32
      %dma_start3A_215 = arith.constant 0 : i32
      %dma_start3A_216 = arith.constant 0 : i32
      %dma_start3A_217 = arith.constant 8 : i32
      %dma_start3A_218 = arith.constant 0 : i32
      %dma_start3A_219 = tpu.memref_slice %arg6[%dma_start3A_215, %dma_start3A_217, %dma_start3A_218] : memref<4x16x1024xf32, #tpu.memory_space<vmem>> -> memref<1x8x1024xf32, #tpu.memory_space<vmem>>
      %dma_start3A_220 = tpu.memref_squeeze %dma_start3A_219 : memref<1x8x1024xf32, #tpu.memory_space<vmem>> -> memref<8x1024xf32, #tpu.memory_space<vmem>>
      %dma_start3A_221 = arith.constant 0 : i32
      %dma_start3A_222 = tpu.memref_slice %arg5[%add3A_214, %dma_start3A_221] : memref<32768x1024xf32, #tpu.memory_space<hbm>> -> memref<8x1024xf32, #tpu.memory_space<hbm>>
      %dma_start3A_223 = tpu.memref_slice %arg10[%dma_start3A_216] : memref<4x!tpu.dma_semaphore, #tpu.memory_space<semaphore_mem>> -> memref<1x!tpu.dma_semaphore, #tpu.memory_space<semaphore_mem>>
      %dma_start3A_224 = tpu.memref_squeeze %dma_start3A_223 : memref<1x!tpu.dma_semaphore, #tpu.memory_space<semaphore_mem>> -> memref<!tpu.dma_semaphore, #tpu.memory_space<semaphore_mem>>
      %dma_start3A_225 = arith.constant 0 : i32
      %dma_start3A_226 = tpu.memref_slice %arg5[%add3A_214, %dma_start3A_225] : memref<32768x1024xf32, #tpu.memory_space<hbm>> -> memref<8x1024xf32, #tpu.memory_space<hbm>>
      %dma_start3A_227 = arith.constant 8 : i32
      %dma_start3A_228 = arith.constant 0 : i32
      %dma_start3A_229 = tpu.memref_slice %arg6[%dma_start3A_215, %dma_start3A_227, %dma_start3A_228] : memref<4x16x1024xf32, #tpu.memory_space<vmem>> -> memref<1x8x1024xf32, #tpu.memory_space<vmem>>
      %dma_start3A_230 = tpu.memref_squeeze %dma_start3A_229 : memref<1x8x1024xf32, #tpu.memory_space<vmem>> -> memref<8x1024xf32, #tpu.memory_space<vmem>>
      tpu.enqueue_dma source(%dma_start3A_230 : memref<8x1024xf32, #tpu.memory_space<vmem>>) target(%dma_start3A_226 : memref<8x1024xf32, #tpu.memory_space<hbm>>) target_semaphore(%dma_start3A_224 : memref<!tpu.dma_semaphore, #tpu.memory_space<semaphore_mem>>)
      %mul3A_231 = arith.constant 4 : i32
      %mul3A_232 = arith.muli %scan3A_124, %mul3A_231 : i32
      %add3A_233 = arith.constant 1 : i32
      %add3A_234 = arith.addi %mul3A_232, %add3A_233 : i32
      %dma_wait3A_235 = arith.constant 1 : i32
      %dma_wait3A_236 = arith.constant 1 : i32
      %dma_wait3A_237 = arith.constant 0 : i32
      %dma_wait3A_238 = arith.constant 0 : i32
      %dma_wait3A_239 = tpu.memref_slice %arg6[%dma_wait3A_235, %dma_wait3A_237, %dma_wait3A_238] : memref<4x16x1024xf32, #tpu.memory_space<vmem>> -> memref<1x16x1024xf32, #tpu.memory_space<vmem>>
      %dma_wait3A_240 = tpu.memref_squeeze %dma_wait3A_239 : memref<1x16x1024xf32, #tpu.memory_space<vmem>> -> memref<16x1024xf32, #tpu.memory_space<vmem>>
      %dma_wait3A_241 = arith.constant 0 : i32
      %dma_wait3A_242 = tpu.memref_slice %arg2[%mul3A_2, %dma_wait3A_241] : memref<32768x1024xf32, #tpu.memory_space<hbm>> -> memref<16x1024xf32, #tpu.memory_space<hbm>>
      %dma_wait3A_243 = tpu.memref_slice %arg9[%dma_wait3A_236] : memref<4x!tpu.dma_semaphore, #tpu.memory_space<semaphore_mem>> -> memref<1x!tpu.dma_semaphore, #tpu.memory_space<semaphore_mem>>
      %dma_wait3A_244 = tpu.memref_squeeze %dma_wait3A_243 : memref<1x!tpu.dma_semaphore, #tpu.memory_space<semaphore_mem>> -> memref<!tpu.dma_semaphore, #tpu.memory_space<semaphore_mem>>
      %dma_wait3A_245 = arith.constant 0 : i32
      %dma_wait3A_246 = arith.constant 0 : i32
      %dma_wait3A_247 = tpu.memref_slice %arg6[%dma_wait3A_235, %dma_wait3A_245, %dma_wait3A_246] : memref<4x16x1024xf32, #tpu.memory_space<vmem>> -> memref<1x16x1024xf32, #tpu.memory_space<vmem>>
      %dma_wait3A_248 = tpu.memref_squeeze %dma_wait3A_247 : memref<1x16x1024xf32, #tpu.memory_space<vmem>> -> memref<16x1024xf32, #tpu.memory_space<vmem>>
      %dma_wait3A_249 = arith.constant 0 : i32
      %dma_wait3A_250 = tpu.memref_slice %arg2[%mul3A_2, %dma_wait3A_249] : memref<32768x1024xf32, #tpu.memory_space<hbm>> -> memref<16x1024xf32, #tpu.memory_space<hbm>>
      tpu.wait_dma2 semaphore(%dma_wait3A_244 : memref<!tpu.dma_semaphore, #tpu.memory_space<semaphore_mem>>) src(%dma_wait3A_250 : memref<16x1024xf32, #tpu.memory_space<hbm>>) dst(%dma_wait3A_248 : memref<16x1024xf32, #tpu.memory_space<vmem>>)
      %add3A_251 = arith.constant 3 : i32
      %add3A_252 = arith.addi %add3A_234, %add3A_251 : i32
      %lt3A_253 = arith.constant 64 : i32
      %lt3A_254 = arith.cmpi slt, %add3A_252, %lt3A_253 : i32
      %convert_element_type3A_255 = arith.extui %lt3A_254 : i1 to i32
      %cond3A_256 = arith.constant 0 : i32
      %cond3A_257 = arith.cmpi ne, %convert_element_type3A_255, %cond3A_256 : i32
      scf.if %cond3A_257 {
        %ge3A = arith.constant 1 : i32
        %ge3A_570 = arith.cmpi sge, %add3A_234, %ge3A : i32
        %convert_element_type3A_571 = arith.extui %ge3A_570 : i1 to i32
        %cond3A_572 = arith.constant 0 : i32
        %cond3A_573 = arith.cmpi ne, %convert_element_type3A_571, %cond3A_572 : i32
        scf.if %cond3A_573 {
          %dma_wait3A_595 = arith.constant 0 : i32
          %dma_wait3A_596 = arith.constant 0 : i32
          %dma_wait3A_597 = arith.constant 0 : i32
          %dma_wait3A_598 = arith.constant 0 : i32
          %dma_wait3A_599 = tpu.memref_slice %arg6[%dma_wait3A_595, %dma_wait3A_597, %dma_wait3A_598] : memref<4x16x1024xf32, #tpu.memory_space<vmem>> -> memref<1x16x1024xf32, #tpu.memory_space<vmem>>
          %dma_wait3A_600 = tpu.memref_squeeze %dma_wait3A_599 : memref<1x16x1024xf32, #tpu.memory_space<vmem>> -> memref<16x1024xf32, #tpu.memory_space<vmem>>
          %dma_wait3A_601 = arith.constant 0 : i32
          %dma_wait3A_602 = tpu.memref_slice %arg5[%mul3A_2, %dma_wait3A_601] : memref<32768x1024xf32, #tpu.memory_space<hbm>> -> memref<16x1024xf32, #tpu.memory_space<hbm>>
          %dma_wait3A_603 = tpu.memref_slice %arg10[%dma_wait3A_596] : memref<4x!tpu.dma_semaphore, #tpu.memory_space<semaphore_mem>> -> memref<1x!tpu.dma_semaphore, #tpu.memory_space<semaphore_mem>>
          %dma_wait3A_604 = tpu.memref_squeeze %dma_wait3A_603 : memref<1x!tpu.dma_semaphore, #tpu.memory_space<semaphore_mem>> -> memref<!tpu.dma_semaphore, #tpu.memory_space<semaphore_mem>>
          %dma_wait3A_605 = arith.constant 0 : i32
          %dma_wait3A_606 = tpu.memref_slice %arg5[%mul3A_2, %dma_wait3A_605] : memref<32768x1024xf32, #tpu.memory_space<hbm>> -> memref<16x1024xf32, #tpu.memory_space<hbm>>
          %dma_wait3A_607 = arith.constant 0 : i32
          %dma_wait3A_608 = arith.constant 0 : i32
          %dma_wait3A_609 = tpu.memref_slice %arg6[%dma_wait3A_595, %dma_wait3A_607, %dma_wait3A_608] : memref<4x16x1024xf32, #tpu.memory_space<vmem>> -> memref<1x16x1024xf32, #tpu.memory_space<vmem>>
          %dma_wait3A_610 = tpu.memref_squeeze %dma_wait3A_609 : memref<1x16x1024xf32, #tpu.memory_space<vmem>> -> memref<16x1024xf32, #tpu.memory_space<vmem>>
          tpu.wait_dma2 semaphore(%dma_wait3A_604 : memref<!tpu.dma_semaphore, #tpu.memory_space<semaphore_mem>>) src(%dma_wait3A_610 : memref<16x1024xf32, #tpu.memory_space<vmem>>) dst(%dma_wait3A_606 : memref<16x1024xf32, #tpu.memory_space<hbm>>)
        } else {
        }
        %add3A_574 = arith.constant 3 : i32
        %add3A_575 = arith.addi %add3A_234, %add3A_574 : i32
        %mul3A_576 = arith.constant 16 : i32
        %mul3A_577 = arith.muli %add3A_575, %mul3A_576 : i32
        %add3A_578 = arith.addi %mul3A_2, %mul3A_577 : i32
        %dma_start3A_579 = arith.constant 0 : i32
        %dma_start3A_580 = arith.constant 0 : i32
        %dma_start3A_581 = arith.constant 0 : i32
        %dma_start3A_582 = arith.constant 0 : i32
        %dma_start3A_583 = tpu.memref_slice %arg6[%dma_start3A_579, %dma_start3A_581, %dma_start3A_582] : memref<4x16x1024xf32, #tpu.memory_space<vmem>> -> memref<1x16x1024xf32, #tpu.memory_space<vmem>>
        %dma_start3A_584 = tpu.memref_squeeze %dma_start3A_583 : memref<1x16x1024xf32, #tpu.memory_space<vmem>> -> memref<16x1024xf32, #tpu.memory_space<vmem>>
        %dma_start3A_585 = arith.constant 0 : i32
        %dma_start3A_586 = tpu.memref_slice %arg2[%add3A_578, %dma_start3A_585] : memref<32768x1024xf32, #tpu.memory_space<hbm>> -> memref<16x1024xf32, #tpu.memory_space<hbm>>
        %dma_start3A_587 = tpu.memref_slice %arg9[%dma_start3A_580] : memref<4x!tpu.dma_semaphore, #tpu.memory_space<semaphore_mem>> -> memref<1x!tpu.dma_semaphore, #tpu.memory_space<semaphore_mem>>
        %dma_start3A_588 = tpu.memref_squeeze %dma_start3A_587 : memref<1x!tpu.dma_semaphore, #tpu.memory_space<semaphore_mem>> -> memref<!tpu.dma_semaphore, #tpu.memory_space<semaphore_mem>>
        %dma_start3A_589 = arith.constant 0 : i32
        %dma_start3A_590 = arith.constant 0 : i32
        %dma_start3A_591 = tpu.memref_slice %arg6[%dma_start3A_579, %dma_start3A_589, %dma_start3A_590] : memref<4x16x1024xf32, #tpu.memory_space<vmem>> -> memref<1x16x1024xf32, #tpu.memory_space<vmem>>
        %dma_start3A_592 = tpu.memref_squeeze %dma_start3A_591 : memref<1x16x1024xf32, #tpu.memory_space<vmem>> -> memref<16x1024xf32, #tpu.memory_space<vmem>>
        %dma_start3A_593 = arith.constant 0 : i32
        %dma_start3A_594 = tpu.memref_slice %arg2[%add3A_578, %dma_start3A_593] : memref<32768x1024xf32, #tpu.memory_space<hbm>> -> memref<16x1024xf32, #tpu.memory_space<hbm>>
        tpu.enqueue_dma source(%dma_start3A_594 : memref<16x1024xf32, #tpu.memory_space<hbm>>) target(%dma_start3A_592 : memref<16x1024xf32, #tpu.memory_space<vmem>>) target_semaphore(%dma_start3A_588 : memref<!tpu.dma_semaphore, #tpu.memory_space<semaphore_mem>>)
      } else {
      }
      %get3A_258 = arith.index_cast %add3A_234 : i32 to index
      %get3A_259 = arith.constant 0 : index
      %get3A_260 = tpu.vector_load %arg8[%get3A_258, %get3A_259] {strides = array<i32>} : memref<64x16xi32, #tpu.memory_space<vmem>>, vector<1x16xi32>,
      %get3A_261 = vector.shape_cast %get3A_260 : vector<1x16xi32> to vector<16xi32>
      %slice3A_262 = vector.extract_strided_slice %get3A_261 {offsets = [0], sizes = [1], strides = [1]} : vector<16xi32> to vector<1xi32>
      %squeeze3A_263 = vector.extract %slice3A_262[0] : i32 from vector<1xi32>
      %slice3A_264 = vector.extract_strided_slice %get3A_261 {offsets = [1], sizes = [1], strides = [1]} : vector<16xi32> to vector<1xi32>
      %squeeze3A_265 = vector.extract %slice3A_264[0] : i32 from vector<1xi32>
      %slice3A_266 = vector.extract_strided_slice %get3A_261 {offsets = [2], sizes = [1], strides = [1]} : vector<16xi32> to vector<1xi32>
      %squeeze3A_267 = vector.extract %slice3A_266[0] : i32 from vector<1xi32>
      %slice3A_268 = vector.extract_strided_slice %get3A_261 {offsets = [3], sizes = [1], strides = [1]} : vector<16xi32> to vector<1xi32>
      %squeeze3A_269 = vector.extract %slice3A_268[0] : i32 from vector<1xi32>
      %slice3A_270 = vector.extract_strided_slice %get3A_261 {offsets = [4], sizes = [1], strides = [1]} : vector<16xi32> to vector<1xi32>
      %squeeze3A_271 = vector.extract %slice3A_270[0] : i32 from vector<1xi32>
      %slice3A_272 = vector.extract_strided_slice %get3A_261 {offsets = [5], sizes = [1], strides = [1]} : vector<16xi32> to vector<1xi32>
      %squeeze3A_273 = vector.extract %slice3A_272[0] : i32 from vector<1xi32>
      %slice3A_274 = vector.extract_strided_slice %get3A_261 {offsets = [6], sizes = [1], strides = [1]} : vector<16xi32> to vector<1xi32>
      %squeeze3A_275 = vector.extract %slice3A_274[0] : i32 from vector<1xi32>
      %slice3A_276 = vector.extract_strided_slice %get3A_261 {offsets = [7], sizes = [1], strides = [1]} : vector<16xi32> to vector<1xi32>
      %squeeze3A_277 = vector.extract %slice3A_276[0] : i32 from vector<1xi32>
      %parallel_loop3A_278 = arith.constant 0 : i32
      %parallel_loop3A_279 = arith.constant 64 : i32
      %parallel_loop3A_280 = arith.constant 1 : i32
      scf.for %parallel_loop3A_570 = %parallel_loop3A_278 to %parallel_loop3A_279 step %parallel_loop3A_280  : i32 {
        %parallel_loop3A_571 = arith.constant 16 : i32
        %parallel_loop3A_572 = arith.muli %parallel_loop3A_570, %parallel_loop3A_571 : i32
        %parallel_loop3A_573 = arith.index_cast %squeeze3A_263 : i32 to index
        %parallel_loop3A_574 = arith.index_cast %parallel_loop3A_572 : i32 to index
        %parallel_loop3A_575 = tpu.vector_load %arg7[%parallel_loop3A_573, %parallel_loop3A_574] {strides = array<i32>} : memref<16x1024xf32, #tpu.memory_space<vmem>>, vector<1x16xf32>,
        %parallel_loop3A_576 = vector.shape_cast %parallel_loop3A_575 : vector<1x16xf32> to vector<16xf32>
        %parallel_loop3A_577 = arith.constant 1 : i32
        %parallel_loop3A_578 = arith.constant 0 : i32
        %parallel_loop3A_579 = arith.index_cast %parallel_loop3A_577 : i32 to index
        %parallel_loop3A_580 = arith.index_cast %parallel_loop3A_578 : i32 to index
        %parallel_loop3A_581 = arith.index_cast %parallel_loop3A_572 : i32 to index
        %parallel_loop3A_582 = tpu.vector_load %arg6[%parallel_loop3A_579, %parallel_loop3A_580, %parallel_loop3A_581] {strides = array<i32>} : memref<4x16x1024xf32, #tpu.memory_space<vmem>>, vector<1x1x16xf32>,
        %parallel_loop3A_583 = vector.shape_cast %parallel_loop3A_582 : vector<1x1x16xf32> to vector<16xf32>
        %parallel_loop3A_584 = vector.shape_cast %parallel_loop3A_576 : vector<16xf32> to vector<1x1x16xf32>
        tpu.vector_store %arg6[%parallel_loop3A_579, %parallel_loop3A_580, %parallel_loop3A_581], %parallel_loop3A_584 {add = true, strides = array<i32>} : memref<4x16x1024xf32, #tpu.memory_space<vmem>>, vector<1x1x16xf32>,
        %parallel_loop3A_585 = arith.index_cast %squeeze3A_265 : i32 to index
        %parallel_loop3A_586 = arith.index_cast %parallel_loop3A_572 : i32 to index
        %parallel_loop3A_587 = tpu.vector_load %arg7[%parallel_loop3A_585, %parallel_loop3A_586] {strides = array<i32>} : memref<16x1024xf32, #tpu.memory_space<vmem>>, vector<1x16xf32>,
        %parallel_loop3A_588 = vector.shape_cast %parallel_loop3A_587 : vector<1x16xf32> to vector<16xf32>
        %parallel_loop3A_589 = arith.constant 1 : i32
        %parallel_loop3A_590 = arith.constant 1 : i32
        %parallel_loop3A_591 = arith.index_cast %parallel_loop3A_589 : i32 to index
        %parallel_loop3A_592 = arith.index_cast %parallel_loop3A_590 : i32 to index
        %parallel_loop3A_593 = arith.index_cast %parallel_loop3A_572 : i32 to index
        %parallel_loop3A_594 = tpu.vector_load %arg6[%parallel_loop3A_591, %parallel_loop3A_592, %parallel_loop3A_593] {strides = array<i32>} : memref<4x16x1024xf32, #tpu.memory_space<vmem>>, vector<1x1x16xf32>,
        %parallel_loop3A_595 = vector.shape_cast %parallel_loop3A_594 : vector<1x1x16xf32> to vector<16xf32>
        %parallel_loop3A_596 = vector.shape_cast %parallel_loop3A_588 : vector<16xf32> to vector<1x1x16xf32>
        tpu.vector_store %arg6[%parallel_loop3A_591, %parallel_loop3A_592, %parallel_loop3A_593], %parallel_loop3A_596 {add = true, strides = array<i32>} : memref<4x16x1024xf32, #tpu.memory_space<vmem>>, vector<1x1x16xf32>,
        %parallel_loop3A_597 = arith.index_cast %squeeze3A_267 : i32 to index
        %parallel_loop3A_598 = arith.index_cast %parallel_loop3A_572 : i32 to index
        %parallel_loop3A_599 = tpu.vector_load %arg7[%parallel_loop3A_597, %parallel_loop3A_598] {strides = array<i32>} : memref<16x1024xf32, #tpu.memory_space<vmem>>, vector<1x16xf32>,
        %parallel_loop3A_600 = vector.shape_cast %parallel_loop3A_599 : vector<1x16xf32> to vector<16xf32>
        %parallel_loop3A_601 = arith.constant 1 : i32
        %parallel_loop3A_602 = arith.constant 2 : i32
        %parallel_loop3A_603 = arith.index_cast %parallel_loop3A_601 : i32 to index
        %parallel_loop3A_604 = arith.index_cast %parallel_loop3A_602 : i32 to index
        %parallel_loop3A_605 = arith.index_cast %parallel_loop3A_572 : i32 to index
        %parallel_loop3A_606 = tpu.vector_load %arg6[%parallel_loop3A_603, %parallel_loop3A_604, %parallel_loop3A_605] {strides = array<i32>} : memref<4x16x1024xf32, #tpu.memory_space<vmem>>, vector<1x1x16xf32>,
        %parallel_loop3A_607 = vector.shape_cast %parallel_loop3A_606 : vector<1x1x16xf32> to vector<16xf32>
        %parallel_loop3A_608 = vector.shape_cast %parallel_loop3A_600 : vector<16xf32> to vector<1x1x16xf32>
        tpu.vector_store %arg6[%parallel_loop3A_603, %parallel_loop3A_604, %parallel_loop3A_605], %parallel_loop3A_608 {add = true, strides = array<i32>} : memref<4x16x1024xf32, #tpu.memory_space<vmem>>, vector<1x1x16xf32>,
        %parallel_loop3A_609 = arith.index_cast %squeeze3A_269 : i32 to index
        %parallel_loop3A_610 = arith.index_cast %parallel_loop3A_572 : i32 to index
        %parallel_loop3A_611 = tpu.vector_load %arg7[%parallel_loop3A_609, %parallel_loop3A_610] {strides = array<i32>} : memref<16x1024xf32, #tpu.memory_space<vmem>>, vector<1x16xf32>,
        %parallel_loop3A_612 = vector.shape_cast %parallel_loop3A_611 : vector<1x16xf32> to vector<16xf32>
        %parallel_loop3A_613 = arith.constant 1 : i32
        %parallel_loop3A_614 = arith.constant 3 : i32
        %parallel_loop3A_615 = arith.index_cast %parallel_loop3A_613 : i32 to index
        %parallel_loop3A_616 = arith.index_cast %parallel_loop3A_614 : i32 to index
        %parallel_loop3A_617 = arith.index_cast %parallel_loop3A_572 : i32 to index
        %parallel_loop3A_618 = tpu.vector_load %arg6[%parallel_loop3A_615, %parallel_loop3A_616, %parallel_loop3A_617] {strides = array<i32>} : memref<4x16x1024xf32, #tpu.memory_space<vmem>>, vector<1x1x16xf32>,
        %parallel_loop3A_619 = vector.shape_cast %parallel_loop3A_618 : vector<1x1x16xf32> to vector<16xf32>
        %parallel_loop3A_620 = vector.shape_cast %parallel_loop3A_612 : vector<16xf32> to vector<1x1x16xf32>
        tpu.vector_store %arg6[%parallel_loop3A_615, %parallel_loop3A_616, %parallel_loop3A_617], %parallel_loop3A_620 {add = true, strides = array<i32>} : memref<4x16x1024xf32, #tpu.memory_space<vmem>>, vector<1x1x16xf32>,
        %parallel_loop3A_621 = arith.index_cast %squeeze3A_271 : i32 to index
        %parallel_loop3A_622 = arith.index_cast %parallel_loop3A_572 : i32 to index
        %parallel_loop3A_623 = tpu.vector_load %arg7[%parallel_loop3A_621, %parallel_loop3A_622] {strides = array<i32>} : memref<16x1024xf32, #tpu.memory_space<vmem>>, vector<1x16xf32>,
        %parallel_loop3A_624 = vector.shape_cast %parallel_loop3A_623 : vector<1x16xf32> to vector<16xf32>
        %parallel_loop3A_625 = arith.constant 1 : i32
        %parallel_loop3A_626 = arith.constant 4 : i32
        %parallel_loop3A_627 = arith.index_cast %parallel_loop3A_625 : i32 to index
        %parallel_loop3A_628 = arith.index_cast %parallel_loop3A_626 : i32 to index
        %parallel_loop3A_629 = arith.index_cast %parallel_loop3A_572 : i32 to index
        %parallel_loop3A_630 = tpu.vector_load %arg6[%parallel_loop3A_627, %parallel_loop3A_628, %parallel_loop3A_629] {strides = array<i32>} : memref<4x16x1024xf32, #tpu.memory_space<vmem>>, vector<1x1x16xf32>,
        %parallel_loop3A_631 = vector.shape_cast %parallel_loop3A_630 : vector<1x1x16xf32> to vector<16xf32>
        %parallel_loop3A_632 = vector.shape_cast %parallel_loop3A_624 : vector<16xf32> to vector<1x1x16xf32>
        tpu.vector_store %arg6[%parallel_loop3A_627, %parallel_loop3A_628, %parallel_loop3A_629], %parallel_loop3A_632 {add = true, strides = array<i32>} : memref<4x16x1024xf32, #tpu.memory_space<vmem>>, vector<1x1x16xf32>,
        %parallel_loop3A_633 = arith.index_cast %squeeze3A_273 : i32 to index
        %parallel_loop3A_634 = arith.index_cast %parallel_loop3A_572 : i32 to index
        %parallel_loop3A_635 = tpu.vector_load %arg7[%parallel_loop3A_633, %parallel_loop3A_634] {strides = array<i32>} : memref<16x1024xf32, #tpu.memory_space<vmem>>, vector<1x16xf32>,
        %parallel_loop3A_636 = vector.shape_cast %parallel_loop3A_635 : vector<1x16xf32> to vector<16xf32>
        %parallel_loop3A_637 = arith.constant 1 : i32
        %parallel_loop3A_638 = arith.constant 5 : i32
        %parallel_loop3A_639 = arith.index_cast %parallel_loop3A_637 : i32 to index
        %parallel_loop3A_640 = arith.index_cast %parallel_loop3A_638 : i32 to index
        %parallel_loop3A_641 = arith.index_cast %parallel_loop3A_572 : i32 to index
        %parallel_loop3A_642 = tpu.vector_load %arg6[%parallel_loop3A_639, %parallel_loop3A_640, %parallel_loop3A_641] {strides = array<i32>} : memref<4x16x1024xf32, #tpu.memory_space<vmem>>, vector<1x1x16xf32>,
        %parallel_loop3A_643 = vector.shape_cast %parallel_loop3A_642 : vector<1x1x16xf32> to vector<16xf32>
        %parallel_loop3A_644 = vector.shape_cast %parallel_loop3A_636 : vector<16xf32> to vector<1x1x16xf32>
        tpu.vector_store %arg6[%parallel_loop3A_639, %parallel_loop3A_640, %parallel_loop3A_641], %parallel_loop3A_644 {add = true, strides = array<i32>} : memref<4x16x1024xf32, #tpu.memory_space<vmem>>, vector<1x1x16xf32>,
        %parallel_loop3A_645 = arith.index_cast %squeeze3A_275 : i32 to index
        %parallel_loop3A_646 = arith.index_cast %parallel_loop3A_572 : i32 to index
        %parallel_loop3A_647 = tpu.vector_load %arg7[%parallel_loop3A_645, %parallel_loop3A_646] {strides = array<i32>} : memref<16x1024xf32, #tpu.memory_space<vmem>>, vector<1x16xf32>,
        %parallel_loop3A_648 = vector.shape_cast %parallel_loop3A_647 : vector<1x16xf32> to vector<16xf32>
        %parallel_loop3A_649 = arith.constant 1 : i32
        %parallel_loop3A_650 = arith.constant 6 : i32
        %parallel_loop3A_651 = arith.index_cast %parallel_loop3A_649 : i32 to index
        %parallel_loop3A_652 = arith.index_cast %parallel_loop3A_650 : i32 to index
        %parallel_loop3A_653 = arith.index_cast %parallel_loop3A_572 : i32 to index
        %parallel_loop3A_654 = tpu.vector_load %arg6[%parallel_loop3A_651, %parallel_loop3A_652, %parallel_loop3A_653] {strides = array<i32>} : memref<4x16x1024xf32, #tpu.memory_space<vmem>>, vector<1x1x16xf32>,
        %parallel_loop3A_655 = vector.shape_cast %parallel_loop3A_654 : vector<1x1x16xf32> to vector<16xf32>
        %parallel_loop3A_656 = vector.shape_cast %parallel_loop3A_648 : vector<16xf32> to vector<1x1x16xf32>
        tpu.vector_store %arg6[%parallel_loop3A_651, %parallel_loop3A_652, %parallel_loop3A_653], %parallel_loop3A_656 {add = true, strides = array<i32>} : memref<4x16x1024xf32, #tpu.memory_space<vmem>>, vector<1x1x16xf32>,
        %parallel_loop3A_657 = arith.index_cast %squeeze3A_277 : i32 to index
        %parallel_loop3A_658 = arith.index_cast %parallel_loop3A_572 : i32 to index
        %parallel_loop3A_659 = tpu.vector_load %arg7[%parallel_loop3A_657, %parallel_loop3A_658] {strides = array<i32>} : memref<16x1024xf32, #tpu.memory_space<vmem>>, vector<1x16xf32>,
        %parallel_loop3A_660 = vector.shape_cast %parallel_loop3A_659 : vector<1x16xf32> to vector<16xf32>
        %parallel_loop3A_661 = arith.constant 1 : i32
        %parallel_loop3A_662 = arith.constant 7 : i32
        %parallel_loop3A_663 = arith.index_cast %parallel_loop3A_661 : i32 to index
        %parallel_loop3A_664 = arith.index_cast %parallel_loop3A_662 : i32 to index
        %parallel_loop3A_665 = arith.index_cast %parallel_loop3A_572 : i32 to index
        %parallel_loop3A_666 = tpu.vector_load %arg6[%parallel_loop3A_663, %parallel_loop3A_664, %parallel_loop3A_665] {strides = array<i32>} : memref<4x16x1024xf32, #tpu.memory_space<vmem>>, vector<1x1x16xf32>,
        %parallel_loop3A_667 = vector.shape_cast %parallel_loop3A_666 : vector<1x1x16xf32> to vector<16xf32>
        %parallel_loop3A_668 = vector.shape_cast %parallel_loop3A_660 : vector<16xf32> to vector<1x1x16xf32>
        tpu.vector_store %arg6[%parallel_loop3A_663, %parallel_loop3A_664, %parallel_loop3A_665], %parallel_loop3A_668 {add = true, strides = array<i32>} : memref<4x16x1024xf32, #tpu.memory_space<vmem>>, vector<1x1x16xf32>,
      } {sc.loop_unroll_factor = 1 : i64, sc.parallel_access}
      %mul3A_281 = arith.constant 16 : i32
      %mul3A_282 = arith.muli %add3A_234, %mul3A_281 : i32
      %add3A_283 = arith.addi %mul3A_2, %mul3A_282 : i32
      %dma_start3A_284 = arith.constant 1 : i32
      %dma_start3A_285 = arith.constant 1 : i32
      %dma_start3A_286 = arith.constant 0 : i32
      %dma_start3A_287 = arith.constant 0 : i32
      %dma_start3A_288 = tpu.memref_slice %arg6[%dma_start3A_284, %dma_start3A_286, %dma_start3A_287] : memref<4x16x1024xf32, #tpu.memory_space<vmem>> -> memref<1x8x1024xf32, #tpu.memory_space<vmem>>
      %dma_start3A_289 = tpu.memref_squeeze %dma_start3A_288 : memref<1x8x1024xf32, #tpu.memory_space<vmem>> -> memref<8x1024xf32, #tpu.memory_space<vmem>>
      %dma_start3A_290 = arith.constant 0 : i32
      %dma_start3A_291 = tpu.memref_slice %arg5[%add3A_283, %dma_start3A_290] : memref<32768x1024xf32, #tpu.memory_space<hbm>> -> memref<8x1024xf32, #tpu.memory_space<hbm>>
      %dma_start3A_292 = tpu.memref_slice %arg10[%dma_start3A_285] : memref<4x!tpu.dma_semaphore, #tpu.memory_space<semaphore_mem>> -> memref<1x!tpu.dma_semaphore, #tpu.memory_space<semaphore_mem>>
      %dma_start3A_293 = tpu.memref_squeeze %dma_start3A_292 : memref<1x!tpu.dma_semaphore, #tpu.memory_space<semaphore_mem>> -> memref<!tpu.dma_semaphore, #tpu.memory_space<semaphore_mem>>
      %dma_start3A_294 = arith.constant 0 : i32
      %dma_start3A_295 = tpu.memref_slice %arg5[%add3A_283, %dma_start3A_294] : memref<32768x1024xf32, #tpu.memory_space<hbm>> -> memref<8x1024xf32, #tpu.memory_space<hbm>>
      %dma_start3A_296 = arith.constant 0 : i32
      %dma_start3A_297 = arith.constant 0 : i32
      %dma_start3A_298 = tpu.memref_slice %arg6[%dma_start3A_284, %dma_start3A_296, %dma_start3A_297] : memref<4x16x1024xf32, #tpu.memory_space<vmem>> -> memref<1x8x1024xf32, #tpu.memory_space<vmem>>
      %dma_start3A_299 = tpu.memref_squeeze %dma_start3A_298 : memref<1x8x1024xf32, #tpu.memory_space<vmem>> -> memref<8x1024xf32, #tpu.memory_space<vmem>>
      tpu.enqueue_dma source(%dma_start3A_299 : memref<8x1024xf32, #tpu.memory_space<vmem>>) target(%dma_start3A_295 : memref<8x1024xf32, #tpu.memory_space<hbm>>) target_semaphore(%dma_start3A_293 : memref<!tpu.dma_semaphore, #tpu.memory_space<semaphore_mem>>)
      %get3A_300 = arith.index_cast %add3A_234 : i32 to index
      %get3A_301 = arith.constant 0 : index
      %get3A_302 = tpu.vector_load %arg8[%get3A_300, %get3A_301] {strides = array<i32>} : memref<64x16xi32, #tpu.memory_space<vmem>>, vector<1x16xi32>,
      %get3A_303 = vector.shape_cast %get3A_302 : vector<1x16xi32> to vector<16xi32>
      %slice3A_304 = vector.extract_strided_slice %get3A_303 {offsets = [8], sizes = [1], strides = [1]} : vector<16xi32> to vector<1xi32>
      %squeeze3A_305 = vector.extract %slice3A_304[0] : i32 from vector<1xi32>
      %slice3A_306 = vector.extract_strided_slice %get3A_303 {offsets = [9], sizes = [1], strides = [1]} : vector<16xi32> to vector<1xi32>
      %squeeze3A_307 = vector.extract %slice3A_306[0] : i32 from vector<1xi32>
      %slice3A_308 = vector.extract_strided_slice %get3A_303 {offsets = [10], sizes = [1], strides = [1]} : vector<16xi32> to vector<1xi32>
      %squeeze3A_309 = vector.extract %slice3A_308[0] : i32 from vector<1xi32>
      %slice3A_310 = vector.extract_strided_slice %get3A_303 {offsets = [11], sizes = [1], strides = [1]} : vector<16xi32> to vector<1xi32>
      %squeeze3A_311 = vector.extract %slice3A_310[0] : i32 from vector<1xi32>
      %slice3A_312 = vector.extract_strided_slice %get3A_303 {offsets = [12], sizes = [1], strides = [1]} : vector<16xi32> to vector<1xi32>
      %squeeze3A_313 = vector.extract %slice3A_312[0] : i32 from vector<1xi32>
      %slice3A_314 = vector.extract_strided_slice %get3A_303 {offsets = [13], sizes = [1], strides = [1]} : vector<16xi32> to vector<1xi32>
      %squeeze3A_315 = vector.extract %slice3A_314[0] : i32 from vector<1xi32>
      %slice3A_316 = vector.extract_strided_slice %get3A_303 {offsets = [14], sizes = [1], strides = [1]} : vector<16xi32> to vector<1xi32>
      %squeeze3A_317 = vector.extract %slice3A_316[0] : i32 from vector<1xi32>
      %slice3A_318 = vector.extract_strided_slice %get3A_303 {offsets = [15], sizes = [1], strides = [1]} : vector<16xi32> to vector<1xi32>
      %squeeze3A_319 = vector.extract %slice3A_318[0] : i32 from vector<1xi32>
      %parallel_loop3A_320 = arith.constant 0 : i32
      %parallel_loop3A_321 = arith.constant 64 : i32
      %parallel_loop3A_322 = arith.constant 1 : i32
      scf.for %parallel_loop3A_570 = %parallel_loop3A_320 to %parallel_loop3A_321 step %parallel_loop3A_322  : i32 {
        %parallel_loop3A_571 = arith.constant 16 : i32
        %parallel_loop3A_572 = arith.muli %parallel_loop3A_570, %parallel_loop3A_571 : i32
        %parallel_loop3A_573 = arith.index_cast %squeeze3A_305 : i32 to index
        %parallel_loop3A_574 = arith.index_cast %parallel_loop3A_572 : i32 to index
        %parallel_loop3A_575 = tpu.vector_load %arg7[%parallel_loop3A_573, %parallel_loop3A_574] {strides = array<i32>} : memref<16x1024xf32, #tpu.memory_space<vmem>>, vector<1x16xf32>,
        %parallel_loop3A_576 = vector.shape_cast %parallel_loop3A_575 : vector<1x16xf32> to vector<16xf32>
        %parallel_loop3A_577 = arith.constant 1 : i32
        %parallel_loop3A_578 = arith.constant 8 : i32
        %parallel_loop3A_579 = arith.index_cast %parallel_loop3A_577 : i32 to index
        %parallel_loop3A_580 = arith.index_cast %parallel_loop3A_578 : i32 to index
        %parallel_loop3A_581 = arith.index_cast %parallel_loop3A_572 : i32 to index
        %parallel_loop3A_582 = tpu.vector_load %arg6[%parallel_loop3A_579, %parallel_loop3A_580, %parallel_loop3A_581] {strides = array<i32>} : memref<4x16x1024xf32, #tpu.memory_space<vmem>>, vector<1x1x16xf32>,
        %parallel_loop3A_583 = vector.shape_cast %parallel_loop3A_582 : vector<1x1x16xf32> to vector<16xf32>
        %parallel_loop3A_584 = vector.shape_cast %parallel_loop3A_576 : vector<16xf32> to vector<1x1x16xf32>
        tpu.vector_store %arg6[%parallel_loop3A_579, %parallel_loop3A_580, %parallel_loop3A_581], %parallel_loop3A_584 {add = true, strides = array<i32>} : memref<4x16x1024xf32, #tpu.memory_space<vmem>>, vector<1x1x16xf32>,
        %parallel_loop3A_585 = arith.index_cast %squeeze3A_307 : i32 to index
        %parallel_loop3A_586 = arith.index_cast %parallel_loop3A_572 : i32 to index
        %parallel_loop3A_587 = tpu.vector_load %arg7[%parallel_loop3A_585, %parallel_loop3A_586] {strides = array<i32>} : memref<16x1024xf32, #tpu.memory_space<vmem>>, vector<1x16xf32>,
        %parallel_loop3A_588 = vector.shape_cast %parallel_loop3A_587 : vector<1x16xf32> to vector<16xf32>
        %parallel_loop3A_589 = arith.constant 1 : i32
        %parallel_loop3A_590 = arith.constant 9 : i32
        %parallel_loop3A_591 = arith.index_cast %parallel_loop3A_589 : i32 to index
        %parallel_loop3A_592 = arith.index_cast %parallel_loop3A_590 : i32 to index
        %parallel_loop3A_593 = arith.index_cast %parallel_loop3A_572 : i32 to index
        %parallel_loop3A_594 = tpu.vector_load %arg6[%parallel_loop3A_591, %parallel_loop3A_592, %parallel_loop3A_593] {strides = array<i32>} : memref<4x16x1024xf32, #tpu.memory_space<vmem>>, vector<1x1x16xf32>,
        %parallel_loop3A_595 = vector.shape_cast %parallel_loop3A_594 : vector<1x1x16xf32> to vector<16xf32>
        %parallel_loop3A_596 = vector.shape_cast %parallel_loop3A_588 : vector<16xf32> to vector<1x1x16xf32>
        tpu.vector_store %arg6[%parallel_loop3A_591, %parallel_loop3A_592, %parallel_loop3A_593], %parallel_loop3A_596 {add = true, strides = array<i32>} : memref<4x16x1024xf32, #tpu.memory_space<vmem>>, vector<1x1x16xf32>,
        %parallel_loop3A_597 = arith.index_cast %squeeze3A_309 : i32 to index
        %parallel_loop3A_598 = arith.index_cast %parallel_loop3A_572 : i32 to index
        %parallel_loop3A_599 = tpu.vector_load %arg7[%parallel_loop3A_597, %parallel_loop3A_598] {strides = array<i32>} : memref<16x1024xf32, #tpu.memory_space<vmem>>, vector<1x16xf32>,
        %parallel_loop3A_600 = vector.shape_cast %parallel_loop3A_599 : vector<1x16xf32> to vector<16xf32>
        %parallel_loop3A_601 = arith.constant 1 : i32
        %parallel_loop3A_602 = arith.constant 10 : i32
        %parallel_loop3A_603 = arith.index_cast %parallel_loop3A_601 : i32 to index
        %parallel_loop3A_604 = arith.index_cast %parallel_loop3A_602 : i32 to index
        %parallel_loop3A_605 = arith.index_cast %parallel_loop3A_572 : i32 to index
        %parallel_loop3A_606 = tpu.vector_load %arg6[%parallel_loop3A_603, %parallel_loop3A_604, %parallel_loop3A_605] {strides = array<i32>} : memref<4x16x1024xf32, #tpu.memory_space<vmem>>, vector<1x1x16xf32>,
        %parallel_loop3A_607 = vector.shape_cast %parallel_loop3A_606 : vector<1x1x16xf32> to vector<16xf32>
        %parallel_loop3A_608 = vector.shape_cast %parallel_loop3A_600 : vector<16xf32> to vector<1x1x16xf32>
        tpu.vector_store %arg6[%parallel_loop3A_603, %parallel_loop3A_604, %parallel_loop3A_605], %parallel_loop3A_608 {add = true, strides = array<i32>} : memref<4x16x1024xf32, #tpu.memory_space<vmem>>, vector<1x1x16xf32>,
        %parallel_loop3A_609 = arith.index_cast %squeeze3A_311 : i32 to index
        %parallel_loop3A_610 = arith.index_cast %parallel_loop3A_572 : i32 to index
        %parallel_loop3A_611 = tpu.vector_load %arg7[%parallel_loop3A_609, %parallel_loop3A_610] {strides = array<i32>} : memref<16x1024xf32, #tpu.memory_space<vmem>>, vector<1x16xf32>,
        %parallel_loop3A_612 = vector.shape_cast %parallel_loop3A_611 : vector<1x16xf32> to vector<16xf32>
        %parallel_loop3A_613 = arith.constant 1 : i32
        %parallel_loop3A_614 = arith.constant 11 : i32
        %parallel_loop3A_615 = arith.index_cast %parallel_loop3A_613 : i32 to index
        %parallel_loop3A_616 = arith.index_cast %parallel_loop3A_614 : i32 to index
        %parallel_loop3A_617 = arith.index_cast %parallel_loop3A_572 : i32 to index
        %parallel_loop3A_618 = tpu.vector_load %arg6[%parallel_loop3A_615, %parallel_loop3A_616, %parallel_loop3A_617] {strides = array<i32>} : memref<4x16x1024xf32, #tpu.memory_space<vmem>>, vector<1x1x16xf32>,
        %parallel_loop3A_619 = vector.shape_cast %parallel_loop3A_618 : vector<1x1x16xf32> to vector<16xf32>
        %parallel_loop3A_620 = vector.shape_cast %parallel_loop3A_612 : vector<16xf32> to vector<1x1x16xf32>
        tpu.vector_store %arg6[%parallel_loop3A_615, %parallel_loop3A_616, %parallel_loop3A_617], %parallel_loop3A_620 {add = true, strides = array<i32>} : memref<4x16x1024xf32, #tpu.memory_space<vmem>>, vector<1x1x16xf32>,
        %parallel_loop3A_621 = arith.index_cast %squeeze3A_313 : i32 to index
        %parallel_loop3A_622 = arith.index_cast %parallel_loop3A_572 : i32 to index
        %parallel_loop3A_623 = tpu.vector_load %arg7[%parallel_loop3A_621, %parallel_loop3A_622] {strides = array<i32>} : memref<16x1024xf32, #tpu.memory_space<vmem>>, vector<1x16xf32>,
        %parallel_loop3A_624 = vector.shape_cast %parallel_loop3A_623 : vector<1x16xf32> to vector<16xf32>
        %parallel_loop3A_625 = arith.constant 1 : i32
        %parallel_loop3A_626 = arith.constant 12 : i32
        %parallel_loop3A_627 = arith.index_cast %parallel_loop3A_625 : i32 to index
        %parallel_loop3A_628 = arith.index_cast %parallel_loop3A_626 : i32 to index
        %parallel_loop3A_629 = arith.index_cast %parallel_loop3A_572 : i32 to index
        %parallel_loop3A_630 = tpu.vector_load %arg6[%parallel_loop3A_627, %parallel_loop3A_628, %parallel_loop3A_629] {strides = array<i32>} : memref<4x16x1024xf32, #tpu.memory_space<vmem>>, vector<1x1x16xf32>,
        %parallel_loop3A_631 = vector.shape_cast %parallel_loop3A_630 : vector<1x1x16xf32> to vector<16xf32>
        %parallel_loop3A_632 = vector.shape_cast %parallel_loop3A_624 : vector<16xf32> to vector<1x1x16xf32>
        tpu.vector_store %arg6[%parallel_loop3A_627, %parallel_loop3A_628, %parallel_loop3A_629], %parallel_loop3A_632 {add = true, strides = array<i32>} : memref<4x16x1024xf32, #tpu.memory_space<vmem>>, vector<1x1x16xf32>,
        %parallel_loop3A_633 = arith.index_cast %squeeze3A_315 : i32 to index
        %parallel_loop3A_634 = arith.index_cast %parallel_loop3A_572 : i32 to index
        %parallel_loop3A_635 = tpu.vector_load %arg7[%parallel_loop3A_633, %parallel_loop3A_634] {strides = array<i32>} : memref<16x1024xf32, #tpu.memory_space<vmem>>, vector<1x16xf32>,
        %parallel_loop3A_636 = vector.shape_cast %parallel_loop3A_635 : vector<1x16xf32> to vector<16xf32>
        %parallel_loop3A_637 = arith.constant 1 : i32
        %parallel_loop3A_638 = arith.constant 13 : i32
        %parallel_loop3A_639 = arith.index_cast %parallel_loop3A_637 : i32 to index
        %parallel_loop3A_640 = arith.index_cast %parallel_loop3A_638 : i32 to index
        %parallel_loop3A_641 = arith.index_cast %parallel_loop3A_572 : i32 to index
        %parallel_loop3A_642 = tpu.vector_load %arg6[%parallel_loop3A_639, %parallel_loop3A_640, %parallel_loop3A_641] {strides = array<i32>} : memref<4x16x1024xf32, #tpu.memory_space<vmem>>, vector<1x1x16xf32>,
        %parallel_loop3A_643 = vector.shape_cast %parallel_loop3A_642 : vector<1x1x16xf32> to vector<16xf32>
        %parallel_loop3A_644 = vector.shape_cast %parallel_loop3A_636 : vector<16xf32> to vector<1x1x16xf32>
        tpu.vector_store %arg6[%parallel_loop3A_639, %parallel_loop3A_640, %parallel_loop3A_641], %parallel_loop3A_644 {add = true, strides = array<i32>} : memref<4x16x1024xf32, #tpu.memory_space<vmem>>, vector<1x1x16xf32>,
        %parallel_loop3A_645 = arith.index_cast %squeeze3A_317 : i32 to index
        %parallel_loop3A_646 = arith.index_cast %parallel_loop3A_572 : i32 to index
        %parallel_loop3A_647 = tpu.vector_load %arg7[%parallel_loop3A_645, %parallel_loop3A_646] {strides = array<i32>} : memref<16x1024xf32, #tpu.memory_space<vmem>>, vector<1x16xf32>,
        %parallel_loop3A_648 = vector.shape_cast %parallel_loop3A_647 : vector<1x16xf32> to vector<16xf32>
        %parallel_loop3A_649 = arith.constant 1 : i32
        %parallel_loop3A_650 = arith.constant 14 : i32
        %parallel_loop3A_651 = arith.index_cast %parallel_loop3A_649 : i32 to index
        %parallel_loop3A_652 = arith.index_cast %parallel_loop3A_650 : i32 to index
        %parallel_loop3A_653 = arith.index_cast %parallel_loop3A_572 : i32 to index
        %parallel_loop3A_654 = tpu.vector_load %arg6[%parallel_loop3A_651, %parallel_loop3A_652, %parallel_loop3A_653] {strides = array<i32>} : memref<4x16x1024xf32, #tpu.memory_space<vmem>>, vector<1x1x16xf32>,
        %parallel_loop3A_655 = vector.shape_cast %parallel_loop3A_654 : vector<1x1x16xf32> to vector<16xf32>
        %parallel_loop3A_656 = vector.shape_cast %parallel_loop3A_648 : vector<16xf32> to vector<1x1x16xf32>
        tpu.vector_store %arg6[%parallel_loop3A_651, %parallel_loop3A_652, %parallel_loop3A_653], %parallel_loop3A_656 {add = true, strides = array<i32>} : memref<4x16x1024xf32, #tpu.memory_space<vmem>>, vector<1x1x16xf32>,
        %parallel_loop3A_657 = arith.index_cast %squeeze3A_319 : i32 to index
        %parallel_loop3A_658 = arith.index_cast %parallel_loop3A_572 : i32 to index
        %parallel_loop3A_659 = tpu.vector_load %arg7[%parallel_loop3A_657, %parallel_loop3A_658] {strides = array<i32>} : memref<16x1024xf32, #tpu.memory_space<vmem>>, vector<1x16xf32>,
        %parallel_loop3A_660 = vector.shape_cast %parallel_loop3A_659 : vector<1x16xf32> to vector<16xf32>
        %parallel_loop3A_661 = arith.constant 1 : i32
        %parallel_loop3A_662 = arith.constant 15 : i32
        %parallel_loop3A_663 = arith.index_cast %parallel_loop3A_661 : i32 to index
        %parallel_loop3A_664 = arith.index_cast %parallel_loop3A_662 : i32 to index
        %parallel_loop3A_665 = arith.index_cast %parallel_loop3A_572 : i32 to index
        %parallel_loop3A_666 = tpu.vector_load %arg6[%parallel_loop3A_663, %parallel_loop3A_664, %parallel_loop3A_665] {strides = array<i32>} : memref<4x16x1024xf32, #tpu.memory_space<vmem>>, vector<1x1x16xf32>,
        %parallel_loop3A_667 = vector.shape_cast %parallel_loop3A_666 : vector<1x1x16xf32> to vector<16xf32>
        %parallel_loop3A_668 = vector.shape_cast %parallel_loop3A_660 : vector<16xf32> to vector<1x1x16xf32>
        tpu.vector_store %arg6[%parallel_loop3A_663, %parallel_loop3A_664, %parallel_loop3A_665], %parallel_loop3A_668 {add = true, strides = array<i32>} : memref<4x16x1024xf32, #tpu.memory_space<vmem>>, vector<1x1x16xf32>,
      } {sc.loop_unroll_factor = 1 : i64, sc.parallel_access}
      %mul3A_323 = arith.constant 16 : i32
      %mul3A_324 = arith.muli %add3A_234, %mul3A_323 : i32
      %add3A_325 = arith.addi %mul3A_2, %mul3A_324 : i32
      %add3A_326 = arith.constant 8 : i32
      %add3A_327 = arith.addi %add3A_325, %add3A_326 : i32
      %dma_start3A_328 = arith.constant 1 : i32
      %dma_start3A_329 = arith.constant 1 : i32
      %dma_start3A_330 = arith.constant 8 : i32
      %dma_start3A_331 = arith.constant 0 : i32
      %dma_start3A_332 = tpu.memref_slice %arg6[%dma_start3A_328, %dma_start3A_330, %dma_start3A_331] : memref<4x16x1024xf32, #tpu.memory_space<vmem>> -> memref<1x8x1024xf32, #tpu.memory_space<vmem>>
      %dma_start3A_333 = tpu.memref_squeeze %dma_start3A_332 : memref<1x8x1024xf32, #tpu.memory_space<vmem>> -> memref<8x1024xf32, #tpu.memory_space<vmem>>
      %dma_start3A_334 = arith.constant 0 : i32
      %dma_start3A_335 = tpu.memref_slice %arg5[%add3A_327, %dma_start3A_334] : memref<32768x1024xf32, #tpu.memory_space<hbm>> -> memref<8x1024xf32, #tpu.memory_space<hbm>>
      %dma_start3A_336 = tpu.memref_slice %arg10[%dma_start3A_329] : memref<4x!tpu.dma_semaphore, #tpu.memory_space<semaphore_mem>> -> memref<1x!tpu.dma_semaphore, #tpu.memory_space<semaphore_mem>>
      %dma_start3A_337 = tpu.memref_squeeze %dma_start3A_336 : memref<1x!tpu.dma_semaphore, #tpu.memory_space<semaphore_mem>> -> memref<!tpu.dma_semaphore, #tpu.memory_space<semaphore_mem>>
      %dma_start3A_338 = arith.constant 0 : i32
      %dma_start3A_339 = tpu.memref_slice %arg5[%add3A_327, %dma_start3A_338] : memref<32768x1024xf32, #tpu.memory_space<hbm>> -> memref<8x1024xf32, #tpu.memory_space<hbm>>
      %dma_start3A_340 = arith.constant 8 : i32
      %dma_start3A_341 = arith.constant 0 : i32
      %dma_start3A_342 = tpu.memref_slice %arg6[%dma_start3A_328, %dma_start3A_340, %dma_start3A_341] : memref<4x16x1024xf32, #tpu.memory_space<vmem>> -> memref<1x8x1024xf32, #tpu.memory_space<vmem>>
      %dma_start3A_343 = tpu.memref_squeeze %dma_start3A_342 : memref<1x8x1024xf32, #tpu.memory_space<vmem>> -> memref<8x1024xf32, #tpu.memory_space<vmem>>
      tpu.enqueue_dma source(%dma_start3A_343 : memref<8x1024xf32, #tpu.memory_space<vmem>>) target(%dma_start3A_339 : memref<8x1024xf32, #tpu.memory_space<hbm>>) target_semaphore(%dma_start3A_337 : memref<!tpu.dma_semaphore, #tpu.memory_space<semaphore_mem>>)
      %mul3A_344 = arith.constant 4 : i32
      %mul3A_345 = arith.muli %scan3A_124, %mul3A_344 : i32
      %add3A_346 = arith.constant 2 : i32
      %add3A_347 = arith.addi %mul3A_345, %add3A_346 : i32
      %dma_wait3A_348 = arith.constant 2 : i32
      %dma_wait3A_349 = arith.constant 2 : i32
      %dma_wait3A_350 = arith.constant 0 : i32
      %dma_wait3A_351 = arith.constant 0 : i32
      %dma_wait3A_352 = tpu.memref_slice %arg6[%dma_wait3A_348, %dma_wait3A_350, %dma_wait3A_351] : memref<4x16x1024xf32, #tpu.memory_space<vmem>> -> memref<1x16x1024xf32, #tpu.memory_space<vmem>>
      %dma_wait3A_353 = tpu.memref_squeeze %dma_wait3A_352 : memref<1x16x1024xf32, #tpu.memory_space<vmem>> -> memref<16x1024xf32, #tpu.memory_space<vmem>>
      %dma_wait3A_354 = arith.constant 0 : i32
      %dma_wait3A_355 = tpu.memref_slice %arg2[%mul3A_2, %dma_wait3A_354] : memref<32768x1024xf32, #tpu.memory_space<hbm>> -> memref<16x1024xf32, #tpu.memory_space<hbm>>
      %dma_wait3A_356 = tpu.memref_slice %arg9[%dma_wait3A_349] : memref<4x!tpu.dma_semaphore, #tpu.memory_space<semaphore_mem>> -> memref<1x!tpu.dma_semaphore, #tpu.memory_space<semaphore_mem>>
      %dma_wait3A_357 = tpu.memref_squeeze %dma_wait3A_356 : memref<1x!tpu.dma_semaphore, #tpu.memory_space<semaphore_mem>> -> memref<!tpu.dma_semaphore, #tpu.memory_space<semaphore_mem>>
      %dma_wait3A_358 = arith.constant 0 : i32
      %dma_wait3A_359 = arith.constant 0 : i32
      %dma_wait3A_360 = tpu.memref_slice %arg6[%dma_wait3A_348, %dma_wait3A_358, %dma_wait3A_359] : memref<4x16x1024xf32, #tpu.memory_space<vmem>> -> memref<1x16x1024xf32, #tpu.memory_space<vmem>>
      %dma_wait3A_361 = tpu.memref_squeeze %dma_wait3A_360 : memref<1x16x1024xf32, #tpu.memory_space<vmem>> -> memref<16x1024xf32, #tpu.memory_space<vmem>>
      %dma_wait3A_362 = arith.constant 0 : i32
      %dma_wait3A_363 = tpu.memref_slice %arg2[%mul3A_2, %dma_wait3A_362] : memref<32768x1024xf32, #tpu.memory_space<hbm>> -> memref<16x1024xf32, #tpu.memory_space<hbm>>
      tpu.wait_dma2 semaphore(%dma_wait3A_357 : memref<!tpu.dma_semaphore, #tpu.memory_space<semaphore_mem>>) src(%dma_wait3A_363 : memref<16x1024xf32, #tpu.memory_space<hbm>>) dst(%dma_wait3A_361 : memref<16x1024xf32, #tpu.memory_space<vmem>>)
      %add3A_364 = arith.constant 3 : i32
      %add3A_365 = arith.addi %add3A_347, %add3A_364 : i32
      %lt3A_366 = arith.constant 64 : i32
      %lt3A_367 = arith.cmpi slt, %add3A_365, %lt3A_366 : i32
      %convert_element_type3A_368 = arith.extui %lt3A_367 : i1 to i32
      %cond3A_369 = arith.constant 0 : i32
      %cond3A_370 = arith.cmpi ne, %convert_element_type3A_368, %cond3A_369 : i32
      scf.if %cond3A_370 {
        %ge3A = arith.constant 1 : i32
        %ge3A_570 = arith.cmpi sge, %add3A_347, %ge3A : i32
        %convert_element_type3A_571 = arith.extui %ge3A_570 : i1 to i32
        %cond3A_572 = arith.constant 0 : i32
        %cond3A_573 = arith.cmpi ne, %convert_element_type3A_571, %cond3A_572 : i32
        scf.if %cond3A_573 {
          %dma_wait3A_595 = arith.constant 1 : i32
          %dma_wait3A_596 = arith.constant 1 : i32
          %dma_wait3A_597 = arith.constant 0 : i32
          %dma_wait3A_598 = arith.constant 0 : i32
          %dma_wait3A_599 = tpu.memref_slice %arg6[%dma_wait3A_595, %dma_wait3A_597, %dma_wait3A_598] : memref<4x16x1024xf32, #tpu.memory_space<vmem>> -> memref<1x16x1024xf32, #tpu.memory_space<vmem>>
          %dma_wait3A_600 = tpu.memref_squeeze %dma_wait3A_599 : memref<1x16x1024xf32, #tpu.memory_space<vmem>> -> memref<16x1024xf32, #tpu.memory_space<vmem>>
          %dma_wait3A_601 = arith.constant 0 : i32
          %dma_wait3A_602 = tpu.memref_slice %arg5[%mul3A_2, %dma_wait3A_601] : memref<32768x1024xf32, #tpu.memory_space<hbm>> -> memref<16x1024xf32, #tpu.memory_space<hbm>>
          %dma_wait3A_603 = tpu.memref_slice %arg10[%dma_wait3A_596] : memref<4x!tpu.dma_semaphore, #tpu.memory_space<semaphore_mem>> -> memref<1x!tpu.dma_semaphore, #tpu.memory_space<semaphore_mem>>
          %dma_wait3A_604 = tpu.memref_squeeze %dma_wait3A_603 : memref<1x!tpu.dma_semaphore, #tpu.memory_space<semaphore_mem>> -> memref<!tpu.dma_semaphore, #tpu.memory_space<semaphore_mem>>
          %dma_wait3A_605 = arith.constant 0 : i32
          %dma_wait3A_606 = tpu.memref_slice %arg5[%mul3A_2, %dma_wait3A_605] : memref<32768x1024xf32, #tpu.memory_space<hbm>> -> memref<16x1024xf32, #tpu.memory_space<hbm>>
          %dma_wait3A_607 = arith.constant 0 : i32
          %dma_wait3A_608 = arith.constant 0 : i32
          %dma_wait3A_609 = tpu.memref_slice %arg6[%dma_wait3A_595, %dma_wait3A_607, %dma_wait3A_608] : memref<4x16x1024xf32, #tpu.memory_space<vmem>> -> memref<1x16x1024xf32, #tpu.memory_space<vmem>>
          %dma_wait3A_610 = tpu.memref_squeeze %dma_wait3A_609 : memref<1x16x1024xf32, #tpu.memory_space<vmem>> -> memref<16x1024xf32, #tpu.memory_space<vmem>>
          tpu.wait_dma2 semaphore(%dma_wait3A_604 : memref<!tpu.dma_semaphore, #tpu.memory_space<semaphore_mem>>) src(%dma_wait3A_610 : memref<16x1024xf32, #tpu.memory_space<vmem>>) dst(%dma_wait3A_606 : memref<16x1024xf32, #tpu.memory_space<hbm>>)
        } else {
        }
        %add3A_574 = arith.constant 3 : i32
        %add3A_575 = arith.addi %add3A_347, %add3A_574 : i32
        %mul3A_576 = arith.constant 16 : i32
        %mul3A_577 = arith.muli %add3A_575, %mul3A_576 : i32
        %add3A_578 = arith.addi %mul3A_2, %mul3A_577 : i32
        %dma_start3A_579 = arith.constant 1 : i32
        %dma_start3A_580 = arith.constant 1 : i32
        %dma_start3A_581 = arith.constant 0 : i32
        %dma_start3A_582 = arith.constant 0 : i32
        %dma_start3A_583 = tpu.memref_slice %arg6[%dma_start3A_579, %dma_start3A_581, %dma_start3A_582] : memref<4x16x1024xf32, #tpu.memory_space<vmem>> -> memref<1x16x1024xf32, #tpu.memory_space<vmem>>
        %dma_start3A_584 = tpu.memref_squeeze %dma_start3A_583 : memref<1x16x1024xf32, #tpu.memory_space<vmem>> -> memref<16x1024xf32, #tpu.memory_space<vmem>>
        %dma_start3A_585 = arith.constant 0 : i32
        %dma_start3A_586 = tpu.memref_slice %arg2[%add3A_578, %dma_start3A_585] : memref<32768x1024xf32, #tpu.memory_space<hbm>> -> memref<16x1024xf32, #tpu.memory_space<hbm>>
        %dma_start3A_587 = tpu.memref_slice %arg9[%dma_start3A_580] : memref<4x!tpu.dma_semaphore, #tpu.memory_space<semaphore_mem>> -> memref<1x!tpu.dma_semaphore, #tpu.memory_space<semaphore_mem>>
        %dma_start3A_588 = tpu.memref_squeeze %dma_start3A_587 : memref<1x!tpu.dma_semaphore, #tpu.memory_space<semaphore_mem>> -> memref<!tpu.dma_semaphore, #tpu.memory_space<semaphore_mem>>
        %dma_start3A_589 = arith.constant 0 : i32
        %dma_start3A_590 = arith.constant 0 : i32
        %dma_start3A_591 = tpu.memref_slice %arg6[%dma_start3A_579, %dma_start3A_589, %dma_start3A_590] : memref<4x16x1024xf32, #tpu.memory_space<vmem>> -> memref<1x16x1024xf32, #tpu.memory_space<vmem>>
        %dma_start3A_592 = tpu.memref_squeeze %dma_start3A_591 : memref<1x16x1024xf32, #tpu.memory_space<vmem>> -> memref<16x1024xf32, #tpu.memory_space<vmem>>
        %dma_start3A_593 = arith.constant 0 : i32
        %dma_start3A_594 = tpu.memref_slice %arg2[%add3A_578, %dma_start3A_593] : memref<32768x1024xf32, #tpu.memory_space<hbm>> -> memref<16x1024xf32, #tpu.memory_space<hbm>>
        tpu.enqueue_dma source(%dma_start3A_594 : memref<16x1024xf32, #tpu.memory_space<hbm>>) target(%dma_start3A_592 : memref<16x1024xf32, #tpu.memory_space<vmem>>) target_semaphore(%dma_start3A_588 : memref<!tpu.dma_semaphore, #tpu.memory_space<semaphore_mem>>)
      } else {
      }
      %get3A_371 = arith.index_cast %add3A_347 : i32 to index
      %get3A_372 = arith.constant 0 : index
      %get3A_373 = tpu.vector_load %arg8[%get3A_371, %get3A_372] {strides = array<i32>} : memref<64x16xi32, #tpu.memory_space<vmem>>, vector<1x16xi32>,
      %get3A_374 = vector.shape_cast %get3A_373 : vector<1x16xi32> to vector<16xi32>
      %slice3A_375 = vector.extract_strided_slice %get3A_374 {offsets = [0], sizes = [1], strides = [1]} : vector<16xi32> to vector<1xi32>
      %squeeze3A_376 = vector.extract %slice3A_375[0] : i32 from vector<1xi32>
      %slice3A_377 = vector.extract_strided_slice %get3A_374 {offsets = [1], sizes = [1], strides = [1]} : vector<16xi32> to vector<1xi32>
      %squeeze3A_378 = vector.extract %slice3A_377[0] : i32 from vector<1xi32>
      %slice3A_379 = vector.extract_strided_slice %get3A_374 {offsets = [2], sizes = [1], strides = [1]} : vector<16xi32> to vector<1xi32>
      %squeeze3A_380 = vector.extract %slice3A_379[0] : i32 from vector<1xi32>
      %slice3A_381 = vector.extract_strided_slice %get3A_374 {offsets = [3], sizes = [1], strides = [1]} : vector<16xi32> to vector<1xi32>
      %squeeze3A_382 = vector.extract %slice3A_381[0] : i32 from vector<1xi32>
      %slice3A_383 = vector.extract_strided_slice %get3A_374 {offsets = [4], sizes = [1], strides = [1]} : vector<16xi32> to vector<1xi32>
      %squeeze3A_384 = vector.extract %slice3A_383[0] : i32 from vector<1xi32>
      %slice3A_385 = vector.extract_strided_slice %get3A_374 {offsets = [5], sizes = [1], strides = [1]} : vector<16xi32> to vector<1xi32>
      %squeeze3A_386 = vector.extract %slice3A_385[0] : i32 from vector<1xi32>
      %slice3A_387 = vector.extract_strided_slice %get3A_374 {offsets = [6], sizes = [1], strides = [1]} : vector<16xi32> to vector<1xi32>
      %squeeze3A_388 = vector.extract %slice3A_387[0] : i32 from vector<1xi32>
      %slice3A_389 = vector.extract_strided_slice %get3A_374 {offsets = [7], sizes = [1], strides = [1]} : vector<16xi32> to vector<1xi32>
      %squeeze3A_390 = vector.extract %slice3A_389[0] : i32 from vector<1xi32>
      %parallel_loop3A_391 = arith.constant 0 : i32
      %parallel_loop3A_392 = arith.constant 64 : i32
      %parallel_loop3A_393 = arith.constant 1 : i32
      scf.for %parallel_loop3A_570 = %parallel_loop3A_391 to %parallel_loop3A_392 step %parallel_loop3A_393  : i32 {
        %parallel_loop3A_571 = arith.constant 16 : i32
        %parallel_loop3A_572 = arith.muli %parallel_loop3A_570, %parallel_loop3A_571 : i32
        %parallel_loop3A_573 = arith.index_cast %squeeze3A_376 : i32 to index
        %parallel_loop3A_574 = arith.index_cast %parallel_loop3A_572 : i32 to index
        %parallel_loop3A_575 = tpu.vector_load %arg7[%parallel_loop3A_573, %parallel_loop3A_574] {strides = array<i32>} : memref<16x1024xf32, #tpu.memory_space<vmem>>, vector<1x16xf32>,
        %parallel_loop3A_576 = vector.shape_cast %parallel_loop3A_575 : vector<1x16xf32> to vector<16xf32>
        %parallel_loop3A_577 = arith.constant 2 : i32
        %parallel_loop3A_578 = arith.constant 0 : i32
        %parallel_loop3A_579 = arith.index_cast %parallel_loop3A_577 : i32 to index
        %parallel_loop3A_580 = arith.index_cast %parallel_loop3A_578 : i32 to index
        %parallel_loop3A_581 = arith.index_cast %parallel_loop3A_572 : i32 to index
        %parallel_loop3A_582 = tpu.vector_load %arg6[%parallel_loop3A_579, %parallel_loop3A_580, %parallel_loop3A_581] {strides = array<i32>} : memref<4x16x1024xf32, #tpu.memory_space<vmem>>, vector<1x1x16xf32>,
        %parallel_loop3A_583 = vector.shape_cast %parallel_loop3A_582 : vector<1x1x16xf32> to vector<16xf32>
        %parallel_loop3A_584 = vector.shape_cast %parallel_loop3A_576 : vector<16xf32> to vector<1x1x16xf32>
        tpu.vector_store %arg6[%parallel_loop3A_579, %parallel_loop3A_580, %parallel_loop3A_581], %parallel_loop3A_584 {add = true, strides = array<i32>} : memref<4x16x1024xf32, #tpu.memory_space<vmem>>, vector<1x1x16xf32>,
        %parallel_loop3A_585 = arith.index_cast %squeeze3A_378 : i32 to index
        %parallel_loop3A_586 = arith.index_cast %parallel_loop3A_572 : i32 to index
        %parallel_loop3A_587 = tpu.vector_load %arg7[%parallel_loop3A_585, %parallel_loop3A_586] {strides = array<i32>} : memref<16x1024xf32, #tpu.memory_space<vmem>>, vector<1x16xf32>,
        %parallel_loop3A_588 = vector.shape_cast %parallel_loop3A_587 : vector<1x16xf32> to vector<16xf32>
        %parallel_loop3A_589 = arith.constant 2 : i32
        %parallel_loop3A_590 = arith.constant 1 : i32
        %parallel_loop3A_591 = arith.index_cast %parallel_loop3A_589 : i32 to index
        %parallel_loop3A_592 = arith.index_cast %parallel_loop3A_590 : i32 to index
        %parallel_loop3A_593 = arith.index_cast %parallel_loop3A_572 : i32 to index
        %parallel_loop3A_594 = tpu.vector_load %arg6[%parallel_loop3A_591, %parallel_loop3A_592, %parallel_loop3A_593] {strides = array<i32>} : memref<4x16x1024xf32, #tpu.memory_space<vmem>>, vector<1x1x16xf32>,
        %parallel_loop3A_595 = vector.shape_cast %parallel_loop3A_594 : vector<1x1x16xf32> to vector<16xf32>
        %parallel_loop3A_596 = vector.shape_cast %parallel_loop3A_588 : vector<16xf32> to vector<1x1x16xf32>
        tpu.vector_store %arg6[%parallel_loop3A_591, %parallel_loop3A_592, %parallel_loop3A_593], %parallel_loop3A_596 {add = true, strides = array<i32>} : memref<4x16x1024xf32, #tpu.memory_space<vmem>>, vector<1x1x16xf32>,
        %parallel_loop3A_597 = arith.index_cast %squeeze3A_380 : i32 to index
        %parallel_loop3A_598 = arith.index_cast %parallel_loop3A_572 : i32 to index
        %parallel_loop3A_599 = tpu.vector_load %arg7[%parallel_loop3A_597, %parallel_loop3A_598] {strides = array<i32>} : memref<16x1024xf32, #tpu.memory_space<vmem>>, vector<1x16xf32>,
        %parallel_loop3A_600 = vector.shape_cast %parallel_loop3A_599 : vector<1x16xf32> to vector<16xf32>
        %parallel_loop3A_601 = arith.constant 2 : i32
        %parallel_loop3A_602 = arith.constant 2 : i32
        %parallel_loop3A_603 = arith.index_cast %parallel_loop3A_601 : i32 to index
        %parallel_loop3A_604 = arith.index_cast %parallel_loop3A_602 : i32 to index
        %parallel_loop3A_605 = arith.index_cast %parallel_loop3A_572 : i32 to index
        %parallel_loop3A_606 = tpu.vector_load %arg6[%parallel_loop3A_603, %parallel_loop3A_604, %parallel_loop3A_605] {strides = array<i32>} : memref<4x16x1024xf32, #tpu.memory_space<vmem>>, vector<1x1x16xf32>,
        %parallel_loop3A_607 = vector.shape_cast %parallel_loop3A_606 : vector<1x1x16xf32> to vector<16xf32>
        %parallel_loop3A_608 = vector.shape_cast %parallel_loop3A_600 : vector<16xf32> to vector<1x1x16xf32>
        tpu.vector_store %arg6[%parallel_loop3A_603, %parallel_loop3A_604, %parallel_loop3A_605], %parallel_loop3A_608 {add = true, strides = array<i32>} : memref<4x16x1024xf32, #tpu.memory_space<vmem>>, vector<1x1x16xf32>,
        %parallel_loop3A_609 = arith.index_cast %squeeze3A_382 : i32 to index
        %parallel_loop3A_610 = arith.index_cast %parallel_loop3A_572 : i32 to index
        %parallel_loop3A_611 = tpu.vector_load %arg7[%parallel_loop3A_609, %parallel_loop3A_610] {strides = array<i32>} : memref<16x1024xf32, #tpu.memory_space<vmem>>, vector<1x16xf32>,
        %parallel_loop3A_612 = vector.shape_cast %parallel_loop3A_611 : vector<1x16xf32> to vector<16xf32>
        %parallel_loop3A_613 = arith.constant 2 : i32
        %parallel_loop3A_614 = arith.constant 3 : i32
        %parallel_loop3A_615 = arith.index_cast %parallel_loop3A_613 : i32 to index
        %parallel_loop3A_616 = arith.index_cast %parallel_loop3A_614 : i32 to index
        %parallel_loop3A_617 = arith.index_cast %parallel_loop3A_572 : i32 to index
        %parallel_loop3A_618 = tpu.vector_load %arg6[%parallel_loop3A_615, %parallel_loop3A_616, %parallel_loop3A_617] {strides = array<i32>} : memref<4x16x1024xf32, #tpu.memory_space<vmem>>, vector<1x1x16xf32>,
        %parallel_loop3A_619 = vector.shape_cast %parallel_loop3A_618 : vector<1x1x16xf32> to vector<16xf32>
        %parallel_loop3A_620 = vector.shape_cast %parallel_loop3A_612 : vector<16xf32> to vector<1x1x16xf32>
        tpu.vector_store %arg6[%parallel_loop3A_615, %parallel_loop3A_616, %parallel_loop3A_617], %parallel_loop3A_620 {add = true, strides = array<i32>} : memref<4x16x1024xf32, #tpu.memory_space<vmem>>, vector<1x1x16xf32>,
        %parallel_loop3A_621 = arith.index_cast %squeeze3A_384 : i32 to index
        %parallel_loop3A_622 = arith.index_cast %parallel_loop3A_572 : i32 to index
        %parallel_loop3A_623 = tpu.vector_load %arg7[%parallel_loop3A_621, %parallel_loop3A_622] {strides = array<i32>} : memref<16x1024xf32, #tpu.memory_space<vmem>>, vector<1x16xf32>,
        %parallel_loop3A_624 = vector.shape_cast %parallel_loop3A_623 : vector<1x16xf32> to vector<16xf32>
        %parallel_loop3A_625 = arith.constant 2 : i32
        %parallel_loop3A_626 = arith.constant 4 : i32
        %parallel_loop3A_627 = arith.index_cast %parallel_loop3A_625 : i32 to index
        %parallel_loop3A_628 = arith.index_cast %parallel_loop3A_626 : i32 to index
        %parallel_loop3A_629 = arith.index_cast %parallel_loop3A_572 : i32 to index
        %parallel_loop3A_630 = tpu.vector_load %arg6[%parallel_loop3A_627, %parallel_loop3A_628, %parallel_loop3A_629] {strides = array<i32>} : memref<4x16x1024xf32, #tpu.memory_space<vmem>>, vector<1x1x16xf32>,
        %parallel_loop3A_631 = vector.shape_cast %parallel_loop3A_630 : vector<1x1x16xf32> to vector<16xf32>
        %parallel_loop3A_632 = vector.shape_cast %parallel_loop3A_624 : vector<16xf32> to vector<1x1x16xf32>
        tpu.vector_store %arg6[%parallel_loop3A_627, %parallel_loop3A_628, %parallel_loop3A_629], %parallel_loop3A_632 {add = true, strides = array<i32>} : memref<4x16x1024xf32, #tpu.memory_space<vmem>>, vector<1x1x16xf32>,
        %parallel_loop3A_633 = arith.index_cast %squeeze3A_386 : i32 to index
        %parallel_loop3A_634 = arith.index_cast %parallel_loop3A_572 : i32 to index
        %parallel_loop3A_635 = tpu.vector_load %arg7[%parallel_loop3A_633, %parallel_loop3A_634] {strides = array<i32>} : memref<16x1024xf32, #tpu.memory_space<vmem>>, vector<1x16xf32>,
        %parallel_loop3A_636 = vector.shape_cast %parallel_loop3A_635 : vector<1x16xf32> to vector<16xf32>
        %parallel_loop3A_637 = arith.constant 2 : i32
        %parallel_loop3A_638 = arith.constant 5 : i32
        %parallel_loop3A_639 = arith.index_cast %parallel_loop3A_637 : i32 to index
        %parallel_loop3A_640 = arith.index_cast %parallel_loop3A_638 : i32 to index
        %parallel_loop3A_641 = arith.index_cast %parallel_loop3A_572 : i32 to index
        %parallel_loop3A_642 = tpu.vector_load %arg6[%parallel_loop3A_639, %parallel_loop3A_640, %parallel_loop3A_641] {strides = array<i32>} : memref<4x16x1024xf32, #tpu.memory_space<vmem>>, vector<1x1x16xf32>,
        %parallel_loop3A_643 = vector.shape_cast %parallel_loop3A_642 : vector<1x1x16xf32> to vector<16xf32>
        %parallel_loop3A_644 = vector.shape_cast %parallel_loop3A_636 : vector<16xf32> to vector<1x1x16xf32>
        tpu.vector_store %arg6[%parallel_loop3A_639, %parallel_loop3A_640, %parallel_loop3A_641], %parallel_loop3A_644 {add = true, strides = array<i32>} : memref<4x16x1024xf32, #tpu.memory_space<vmem>>, vector<1x1x16xf32>,
        %parallel_loop3A_645 = arith.index_cast %squeeze3A_388 : i32 to index
        %parallel_loop3A_646 = arith.index_cast %parallel_loop3A_572 : i32 to index
        %parallel_loop3A_647 = tpu.vector_load %arg7[%parallel_loop3A_645, %parallel_loop3A_646] {strides = array<i32>} : memref<16x1024xf32, #tpu.memory_space<vmem>>, vector<1x16xf32>,
        %parallel_loop3A_648 = vector.shape_cast %parallel_loop3A_647 : vector<1x16xf32> to vector<16xf32>
        %parallel_loop3A_649 = arith.constant 2 : i32
        %parallel_loop3A_650 = arith.constant 6 : i32
        %parallel_loop3A_651 = arith.index_cast %parallel_loop3A_649 : i32 to index
        %parallel_loop3A_652 = arith.index_cast %parallel_loop3A_650 : i32 to index
        %parallel_loop3A_653 = arith.index_cast %parallel_loop3A_572 : i32 to index
        %parallel_loop3A_654 = tpu.vector_load %arg6[%parallel_loop3A_651, %parallel_loop3A_652, %parallel_loop3A_653] {strides = array<i32>} : memref<4x16x1024xf32, #tpu.memory_space<vmem>>, vector<1x1x16xf32>,
        %parallel_loop3A_655 = vector.shape_cast %parallel_loop3A_654 : vector<1x1x16xf32> to vector<16xf32>
        %parallel_loop3A_656 = vector.shape_cast %parallel_loop3A_648 : vector<16xf32> to vector<1x1x16xf32>
        tpu.vector_store %arg6[%parallel_loop3A_651, %parallel_loop3A_652, %parallel_loop3A_653], %parallel_loop3A_656 {add = true, strides = array<i32>} : memref<4x16x1024xf32, #tpu.memory_space<vmem>>, vector<1x1x16xf32>,
        %parallel_loop3A_657 = arith.index_cast %squeeze3A_390 : i32 to index
        %parallel_loop3A_658 = arith.index_cast %parallel_loop3A_572 : i32 to index
        %parallel_loop3A_659 = tpu.vector_load %arg7[%parallel_loop3A_657, %parallel_loop3A_658] {strides = array<i32>} : memref<16x1024xf32, #tpu.memory_space<vmem>>, vector<1x16xf32>,
        %parallel_loop3A_660 = vector.shape_cast %parallel_loop3A_659 : vector<1x16xf32> to vector<16xf32>
        %parallel_loop3A_661 = arith.constant 2 : i32
        %parallel_loop3A_662 = arith.constant 7 : i32
        %parallel_loop3A_663 = arith.index_cast %parallel_loop3A_661 : i32 to index
        %parallel_loop3A_664 = arith.index_cast %parallel_loop3A_662 : i32 to index
        %parallel_loop3A_665 = arith.index_cast %parallel_loop3A_572 : i32 to index
        %parallel_loop3A_666 = tpu.vector_load %arg6[%parallel_loop3A_663, %parallel_loop3A_664, %parallel_loop3A_665] {strides = array<i32>} : memref<4x16x1024xf32, #tpu.memory_space<vmem>>, vector<1x1x16xf32>,
        %parallel_loop3A_667 = vector.shape_cast %parallel_loop3A_666 : vector<1x1x16xf32> to vector<16xf32>
        %parallel_loop3A_668 = vector.shape_cast %parallel_loop3A_660 : vector<16xf32> to vector<1x1x16xf32>
        tpu.vector_store %arg6[%parallel_loop3A_663, %parallel_loop3A_664, %parallel_loop3A_665], %parallel_loop3A_668 {add = true, strides = array<i32>} : memref<4x16x1024xf32, #tpu.memory_space<vmem>>, vector<1x1x16xf32>,
      } {sc.loop_unroll_factor = 1 : i64, sc.parallel_access}
      %mul3A_394 = arith.constant 16 : i32
      %mul3A_395 = arith.muli %add3A_347, %mul3A_394 : i32
      %add3A_396 = arith.addi %mul3A_2, %mul3A_395 : i32
      %dma_start3A_397 = arith.constant 2 : i32
      %dma_start3A_398 = arith.constant 2 : i32
      %dma_start3A_399 = arith.constant 0 : i32
      %dma_start3A_400 = arith.constant 0 : i32
      %dma_start3A_401 = tpu.memref_slice %arg6[%dma_start3A_397, %dma_start3A_399, %dma_start3A_400] : memref<4x16x1024xf32, #tpu.memory_space<vmem>> -> memref<1x8x1024xf32, #tpu.memory_space<vmem>>
      %dma_start3A_402 = tpu.memref_squeeze %dma_start3A_401 : memref<1x8x1024xf32, #tpu.memory_space<vmem>> -> memref<8x1024xf32, #tpu.memory_space<vmem>>
      %dma_start3A_403 = arith.constant 0 : i32
      %dma_start3A_404 = tpu.memref_slice %arg5[%add3A_396, %dma_start3A_403] : memref<32768x1024xf32, #tpu.memory_space<hbm>> -> memref<8x1024xf32, #tpu.memory_space<hbm>>
      %dma_start3A_405 = tpu.memref_slice %arg10[%dma_start3A_398] : memref<4x!tpu.dma_semaphore, #tpu.memory_space<semaphore_mem>> -> memref<1x!tpu.dma_semaphore, #tpu.memory_space<semaphore_mem>>
      %dma_start3A_406 = tpu.memref_squeeze %dma_start3A_405 : memref<1x!tpu.dma_semaphore, #tpu.memory_space<semaphore_mem>> -> memref<!tpu.dma_semaphore, #tpu.memory_space<semaphore_mem>>
      %dma_start3A_407 = arith.constant 0 : i32
      %dma_start3A_408 = tpu.memref_slice %arg5[%add3A_396, %dma_start3A_407] : memref<32768x1024xf32, #tpu.memory_space<hbm>> -> memref<8x1024xf32, #tpu.memory_space<hbm>>
      %dma_start3A_409 = arith.constant 0 : i32
      %dma_start3A_410 = arith.constant 0 : i32
      %dma_start3A_411 = tpu.memref_slice %arg6[%dma_start3A_397, %dma_start3A_409, %dma_start3A_410] : memref<4x16x1024xf32, #tpu.memory_space<vmem>> -> memref<1x8x1024xf32, #tpu.memory_space<vmem>>
      %dma_start3A_412 = tpu.memref_squeeze %dma_start3A_411 : memref<1x8x1024xf32, #tpu.memory_space<vmem>> -> memref<8x1024xf32, #tpu.memory_space<vmem>>
      tpu.enqueue_dma source(%dma_start3A_412 : memref<8x1024xf32, #tpu.memory_space<vmem>>) target(%dma_start3A_408 : memref<8x1024xf32, #tpu.memory_space<hbm>>) target_semaphore(%dma_start3A_406 : memref<!tpu.dma_semaphore, #tpu.memory_space<semaphore_mem>>)
      %get3A_413 = arith.index_cast %add3A_347 : i32 to index
      %get3A_414 = arith.constant 0 : index
      %get3A_415 = tpu.vector_load %arg8[%get3A_413, %get3A_414] {strides = array<i32>} : memref<64x16xi32, #tpu.memory_space<vmem>>, vector<1x16xi32>,
      %get3A_416 = vector.shape_cast %get3A_415 : vector<1x16xi32> to vector<16xi32>
      %slice3A_417 = vector.extract_strided_slice %get3A_416 {offsets = [8], sizes = [1], strides = [1]} : vector<16xi32> to vector<1xi32>
      %squeeze3A_418 = vector.extract %slice3A_417[0] : i32 from vector<1xi32>
      %slice3A_419 = vector.extract_strided_slice %get3A_416 {offsets = [9], sizes = [1], strides = [1]} : vector<16xi32> to vector<1xi32>
      %squeeze3A_420 = vector.extract %slice3A_419[0] : i32 from vector<1xi32>
      %slice3A_421 = vector.extract_strided_slice %get3A_416 {offsets = [10], sizes = [1], strides = [1]} : vector<16xi32> to vector<1xi32>
      %squeeze3A_422 = vector.extract %slice3A_421[0] : i32 from vector<1xi32>
      %slice3A_423 = vector.extract_strided_slice %get3A_416 {offsets = [11], sizes = [1], strides = [1]} : vector<16xi32> to vector<1xi32>
      %squeeze3A_424 = vector.extract %slice3A_423[0] : i32 from vector<1xi32>
      %slice3A_425 = vector.extract_strided_slice %get3A_416 {offsets = [12], sizes = [1], strides = [1]} : vector<16xi32> to vector<1xi32>
      %squeeze3A_426 = vector.extract %slice3A_425[0] : i32 from vector<1xi32>
      %slice3A_427 = vector.extract_strided_slice %get3A_416 {offsets = [13], sizes = [1], strides = [1]} : vector<16xi32> to vector<1xi32>
      %squeeze3A_428 = vector.extract %slice3A_427[0] : i32 from vector<1xi32>
      %slice3A_429 = vector.extract_strided_slice %get3A_416 {offsets = [14], sizes = [1], strides = [1]} : vector<16xi32> to vector<1xi32>
      %squeeze3A_430 = vector.extract %slice3A_429[0] : i32 from vector<1xi32>
      %slice3A_431 = vector.extract_strided_slice %get3A_416 {offsets = [15], sizes = [1], strides = [1]} : vector<16xi32> to vector<1xi32>
      %squeeze3A_432 = vector.extract %slice3A_431[0] : i32 from vector<1xi32>
      %parallel_loop3A_433 = arith.constant 0 : i32
      %parallel_loop3A_434 = arith.constant 64 : i32
      %parallel_loop3A_435 = arith.constant 1 : i32
      scf.for %parallel_loop3A_570 = %parallel_loop3A_433 to %parallel_loop3A_434 step %parallel_loop3A_435  : i32 {
        %parallel_loop3A_571 = arith.constant 16 : i32
        %parallel_loop3A_572 = arith.muli %parallel_loop3A_570, %parallel_loop3A_571 : i32
        %parallel_loop3A_573 = arith.index_cast %squeeze3A_418 : i32 to index
        %parallel_loop3A_574 = arith.index_cast %parallel_loop3A_572 : i32 to index
        %parallel_loop3A_575 = tpu.vector_load %arg7[%parallel_loop3A_573, %parallel_loop3A_574] {strides = array<i32>} : memref<16x1024xf32, #tpu.memory_space<vmem>>, vector<1x16xf32>,
        %parallel_loop3A_576 = vector.shape_cast %parallel_loop3A_575 : vector<1x16xf32> to vector<16xf32>
        %parallel_loop3A_577 = arith.constant 2 : i32
        %parallel_loop3A_578 = arith.constant 8 : i32
        %parallel_loop3A_579 = arith.index_cast %parallel_loop3A_577 : i32 to index
        %parallel_loop3A_580 = arith.index_cast %parallel_loop3A_578 : i32 to index
        %parallel_loop3A_581 = arith.index_cast %parallel_loop3A_572 : i32 to index
        %parallel_loop3A_582 = tpu.vector_load %arg6[%parallel_loop3A_579, %parallel_loop3A_580, %parallel_loop3A_581] {strides = array<i32>} : memref<4x16x1024xf32, #tpu.memory_space<vmem>>, vector<1x1x16xf32>,
        %parallel_loop3A_583 = vector.shape_cast %parallel_loop3A_582 : vector<1x1x16xf32> to vector<16xf32>
        %parallel_loop3A_584 = vector.shape_cast %parallel_loop3A_576 : vector<16xf32> to vector<1x1x16xf32>
        tpu.vector_store %arg6[%parallel_loop3A_579, %parallel_loop3A_580, %parallel_loop3A_581], %parallel_loop3A_584 {add = true, strides = array<i32>} : memref<4x16x1024xf32, #tpu.memory_space<vmem>>, vector<1x1x16xf32>,
        %parallel_loop3A_585 = arith.index_cast %squeeze3A_420 : i32 to index
        %parallel_loop3A_586 = arith.index_cast %parallel_loop3A_572 : i32 to index
        %parallel_loop3A_587 = tpu.vector_load %arg7[%parallel_loop3A_585, %parallel_loop3A_586] {strides = array<i32>} : memref<16x1024xf32, #tpu.memory_space<vmem>>, vector<1x16xf32>,
        %parallel_loop3A_588 = vector.shape_cast %parallel_loop3A_587 : vector<1x16xf32> to vector<16xf32>
        %parallel_loop3A_589 = arith.constant 2 : i32
        %parallel_loop3A_590 = arith.constant 9 : i32
        %parallel_loop3A_591 = arith.index_cast %parallel_loop3A_589 : i32 to index
        %parallel_loop3A_592 = arith.index_cast %parallel_loop3A_590 : i32 to index
        %parallel_loop3A_593 = arith.index_cast %parallel_loop3A_572 : i32 to index
        %parallel_loop3A_594 = tpu.vector_load %arg6[%parallel_loop3A_591, %parallel_loop3A_592, %parallel_loop3A_593] {strides = array<i32>} : memref<4x16x1024xf32, #tpu.memory_space<vmem>>, vector<1x1x16xf32>,
        %parallel_loop3A_595 = vector.shape_cast %parallel_loop3A_594 : vector<1x1x16xf32> to vector<16xf32>
        %parallel_loop3A_596 = vector.shape_cast %parallel_loop3A_588 : vector<16xf32> to vector<1x1x16xf32>
        tpu.vector_store %arg6[%parallel_loop3A_591, %parallel_loop3A_592, %parallel_loop3A_593], %parallel_loop3A_596 {add = true, strides = array<i32>} : memref<4x16x1024xf32, #tpu.memory_space<vmem>>, vector<1x1x16xf32>,
        %parallel_loop3A_597 = arith.index_cast %squeeze3A_422 : i32 to index
        %parallel_loop3A_598 = arith.index_cast %parallel_loop3A_572 : i32 to index
        %parallel_loop3A_599 = tpu.vector_load %arg7[%parallel_loop3A_597, %parallel_loop3A_598] {strides = array<i32>} : memref<16x1024xf32, #tpu.memory_space<vmem>>, vector<1x16xf32>,
        %parallel_loop3A_600 = vector.shape_cast %parallel_loop3A_599 : vector<1x16xf32> to vector<16xf32>
        %parallel_loop3A_601 = arith.constant 2 : i32
        %parallel_loop3A_602 = arith.constant 10 : i32
        %parallel_loop3A_603 = arith.index_cast %parallel_loop3A_601 : i32 to index
        %parallel_loop3A_604 = arith.index_cast %parallel_loop3A_602 : i32 to index
        %parallel_loop3A_605 = arith.index_cast %parallel_loop3A_572 : i32 to index
        %parallel_loop3A_606 = tpu.vector_load %arg6[%parallel_loop3A_603, %parallel_loop3A_604, %parallel_loop3A_605] {strides = array<i32>} : memref<4x16x1024xf32, #tpu.memory_space<vmem>>, vector<1x1x16xf32>,
        %parallel_loop3A_607 = vector.shape_cast %parallel_loop3A_606 : vector<1x1x16xf32> to vector<16xf32>
        %parallel_loop3A_608 = vector.shape_cast %parallel_loop3A_600 : vector<16xf32> to vector<1x1x16xf32>
        tpu.vector_store %arg6[%parallel_loop3A_603, %parallel_loop3A_604, %parallel_loop3A_605], %parallel_loop3A_608 {add = true, strides = array<i32>} : memref<4x16x1024xf32, #tpu.memory_space<vmem>>, vector<1x1x16xf32>,
        %parallel_loop3A_609 = arith.index_cast %squeeze3A_424 : i32 to index
        %parallel_loop3A_610 = arith.index_cast %parallel_loop3A_572 : i32 to index
        %parallel_loop3A_611 = tpu.vector_load %arg7[%parallel_loop3A_609, %parallel_loop3A_610] {strides = array<i32>} : memref<16x1024xf32, #tpu.memory_space<vmem>>, vector<1x16xf32>,
        %parallel_loop3A_612 = vector.shape_cast %parallel_loop3A_611 : vector<1x16xf32> to vector<16xf32>
        %parallel_loop3A_613 = arith.constant 2 : i32
        %parallel_loop3A_614 = arith.constant 11 : i32
        %parallel_loop3A_615 = arith.index_cast %parallel_loop3A_613 : i32 to index
        %parallel_loop3A_616 = arith.index_cast %parallel_loop3A_614 : i32 to index
        %parallel_loop3A_617 = arith.index_cast %parallel_loop3A_572 : i32 to index
        %parallel_loop3A_618 = tpu.vector_load %arg6[%parallel_loop3A_615, %parallel_loop3A_616, %parallel_loop3A_617] {strides = array<i32>} : memref<4x16x1024xf32, #tpu.memory_space<vmem>>, vector<1x1x16xf32>,
        %parallel_loop3A_619 = vector.shape_cast %parallel_loop3A_618 : vector<1x1x16xf32> to vector<16xf32>
        %parallel_loop3A_620 = vector.shape_cast %parallel_loop3A_612 : vector<16xf32> to vector<1x1x16xf32>
        tpu.vector_store %arg6[%parallel_loop3A_615, %parallel_loop3A_616, %parallel_loop3A_617], %parallel_loop3A_620 {add = true, strides = array<i32>} : memref<4x16x1024xf32, #tpu.memory_space<vmem>>, vector<1x1x16xf32>,
        %parallel_loop3A_621 = arith.index_cast %squeeze3A_426 : i32 to index
        %parallel_loop3A_622 = arith.index_cast %parallel_loop3A_572 : i32 to index
        %parallel_loop3A_623 = tpu.vector_load %arg7[%parallel_loop3A_621, %parallel_loop3A_622] {strides = array<i32>} : memref<16x1024xf32, #tpu.memory_space<vmem>>, vector<1x16xf32>,
        %parallel_loop3A_624 = vector.shape_cast %parallel_loop3A_623 : vector<1x16xf32> to vector<16xf32>
        %parallel_loop3A_625 = arith.constant 2 : i32
        %parallel_loop3A_626 = arith.constant 12 : i32
        %parallel_loop3A_627 = arith.index_cast %parallel_loop3A_625 : i32 to index
        %parallel_loop3A_628 = arith.index_cast %parallel_loop3A_626 : i32 to index
        %parallel_loop3A_629 = arith.index_cast %parallel_loop3A_572 : i32 to index
        %parallel_loop3A_630 = tpu.vector_load %arg6[%parallel_loop3A_627, %parallel_loop3A_628, %parallel_loop3A_629] {strides = array<i32>} : memref<4x16x1024xf32, #tpu.memory_space<vmem>>, vector<1x1x16xf32>,
        %parallel_loop3A_631 = vector.shape_cast %parallel_loop3A_630 : vector<1x1x16xf32> to vector<16xf32>
        %parallel_loop3A_632 = vector.shape_cast %parallel_loop3A_624 : vector<16xf32> to vector<1x1x16xf32>
        tpu.vector_store %arg6[%parallel_loop3A_627, %parallel_loop3A_628, %parallel_loop3A_629], %parallel_loop3A_632 {add = true, strides = array<i32>} : memref<4x16x1024xf32, #tpu.memory_space<vmem>>, vector<1x1x16xf32>,
        %parallel_loop3A_633 = arith.index_cast %squeeze3A_428 : i32 to index
        %parallel_loop3A_634 = arith.index_cast %parallel_loop3A_572 : i32 to index
        %parallel_loop3A_635 = tpu.vector_load %arg7[%parallel_loop3A_633, %parallel_loop3A_634] {strides = array<i32>} : memref<16x1024xf32, #tpu.memory_space<vmem>>, vector<1x16xf32>,
        %parallel_loop3A_636 = vector.shape_cast %parallel_loop3A_635 : vector<1x16xf32> to vector<16xf32>
        %parallel_loop3A_637 = arith.constant 2 : i32
        %parallel_loop3A_638 = arith.constant 13 : i32
        %parallel_loop3A_639 = arith.index_cast %parallel_loop3A_637 : i32 to index
        %parallel_loop3A_640 = arith.index_cast %parallel_loop3A_638 : i32 to index
        %parallel_loop3A_641 = arith.index_cast %parallel_loop3A_572 : i32 to index
        %parallel_loop3A_642 = tpu.vector_load %arg6[%parallel_loop3A_639, %parallel_loop3A_640, %parallel_loop3A_641] {strides = array<i32>} : memref<4x16x1024xf32, #tpu.memory_space<vmem>>, vector<1x1x16xf32>,
        %parallel_loop3A_643 = vector.shape_cast %parallel_loop3A_642 : vector<1x1x16xf32> to vector<16xf32>
        %parallel_loop3A_644 = vector.shape_cast %parallel_loop3A_636 : vector<16xf32> to vector<1x1x16xf32>
        tpu.vector_store %arg6[%parallel_loop3A_639, %parallel_loop3A_640, %parallel_loop3A_641], %parallel_loop3A_644 {add = true, strides = array<i32>} : memref<4x16x1024xf32, #tpu.memory_space<vmem>>, vector<1x1x16xf32>,
        %parallel_loop3A_645 = arith.index_cast %squeeze3A_430 : i32 to index
        %parallel_loop3A_646 = arith.index_cast %parallel_loop3A_572 : i32 to index
        %parallel_loop3A_647 = tpu.vector_load %arg7[%parallel_loop3A_645, %parallel_loop3A_646] {strides = array<i32>} : memref<16x1024xf32, #tpu.memory_space<vmem>>, vector<1x16xf32>,
        %parallel_loop3A_648 = vector.shape_cast %parallel_loop3A_647 : vector<1x16xf32> to vector<16xf32>
        %parallel_loop3A_649 = arith.constant 2 : i32
        %parallel_loop3A_650 = arith.constant 14 : i32
        %parallel_loop3A_651 = arith.index_cast %parallel_loop3A_649 : i32 to index
        %parallel_loop3A_652 = arith.index_cast %parallel_loop3A_650 : i32 to index
        %parallel_loop3A_653 = arith.index_cast %parallel_loop3A_572 : i32 to index
        %parallel_loop3A_654 = tpu.vector_load %arg6[%parallel_loop3A_651, %parallel_loop3A_652, %parallel_loop3A_653] {strides = array<i32>} : memref<4x16x1024xf32, #tpu.memory_space<vmem>>, vector<1x1x16xf32>,
        %parallel_loop3A_655 = vector.shape_cast %parallel_loop3A_654 : vector<1x1x16xf32> to vector<16xf32>
        %parallel_loop3A_656 = vector.shape_cast %parallel_loop3A_648 : vector<16xf32> to vector<1x1x16xf32>
        tpu.vector_store %arg6[%parallel_loop3A_651, %parallel_loop3A_652, %parallel_loop3A_653], %parallel_loop3A_656 {add = true, strides = array<i32>} : memref<4x16x1024xf32, #tpu.memory_space<vmem>>, vector<1x1x16xf32>,
        %parallel_loop3A_657 = arith.index_cast %squeeze3A_432 : i32 to index
        %parallel_loop3A_658 = arith.index_cast %parallel_loop3A_572 : i32 to index
        %parallel_loop3A_659 = tpu.vector_load %arg7[%parallel_loop3A_657, %parallel_loop3A_658] {strides = array<i32>} : memref<16x1024xf32, #tpu.memory_space<vmem>>, vector<1x16xf32>,
        %parallel_loop3A_660 = vector.shape_cast %parallel_loop3A_659 : vector<1x16xf32> to vector<16xf32>
        %parallel_loop3A_661 = arith.constant 2 : i32
        %parallel_loop3A_662 = arith.constant 15 : i32
        %parallel_loop3A_663 = arith.index_cast %parallel_loop3A_661 : i32 to index
        %parallel_loop3A_664 = arith.index_cast %parallel_loop3A_662 : i32 to index
        %parallel_loop3A_665 = arith.index_cast %parallel_loop3A_572 : i32 to index
        %parallel_loop3A_666 = tpu.vector_load %arg6[%parallel_loop3A_663, %parallel_loop3A_664, %parallel_loop3A_665] {strides = array<i32>} : memref<4x16x1024xf32, #tpu.memory_space<vmem>>, vector<1x1x16xf32>,
        %parallel_loop3A_667 = vector.shape_cast %parallel_loop3A_666 : vector<1x1x16xf32> to vector<16xf32>
        %parallel_loop3A_668 = vector.shape_cast %parallel_loop3A_660 : vector<16xf32> to vector<1x1x16xf32>
        tpu.vector_store %arg6[%parallel_loop3A_663, %parallel_loop3A_664, %parallel_loop3A_665], %parallel_loop3A_668 {add = true, strides = array<i32>} : memref<4x16x1024xf32, #tpu.memory_space<vmem>>, vector<1x1x16xf32>,
      } {sc.loop_unroll_factor = 1 : i64, sc.parallel_access}
      %mul3A_436 = arith.constant 16 : i32
      %mul3A_437 = arith.muli %add3A_347, %mul3A_436 : i32
      %add3A_438 = arith.addi %mul3A_2, %mul3A_437 : i32
      %add3A_439 = arith.constant 8 : i32
      %add3A_440 = arith.addi %add3A_438, %add3A_439 : i32
      %dma_start3A_441 = arith.constant 2 : i32
      %dma_start3A_442 = arith.constant 2 : i32
      %dma_start3A_443 = arith.constant 8 : i32
      %dma_start3A_444 = arith.constant 0 : i32
      %dma_start3A_445 = tpu.memref_slice %arg6[%dma_start3A_441, %dma_start3A_443, %dma_start3A_444] : memref<4x16x1024xf32, #tpu.memory_space<vmem>> -> memref<1x8x1024xf32, #tpu.memory_space<vmem>>
      %dma_start3A_446 = tpu.memref_squeeze %dma_start3A_445 : memref<1x8x1024xf32, #tpu.memory_space<vmem>> -> memref<8x1024xf32, #tpu.memory_space<vmem>>
      %dma_start3A_447 = arith.constant 0 : i32
      %dma_start3A_448 = tpu.memref_slice %arg5[%add3A_440, %dma_start3A_447] : memref<32768x1024xf32, #tpu.memory_space<hbm>> -> memref<8x1024xf32, #tpu.memory_space<hbm>>
      %dma_start3A_449 = tpu.memref_slice %arg10[%dma_start3A_442] : memref<4x!tpu.dma_semaphore, #tpu.memory_space<semaphore_mem>> -> memref<1x!tpu.dma_semaphore, #tpu.memory_space<semaphore_mem>>
      %dma_start3A_450 = tpu.memref_squeeze %dma_start3A_449 : memref<1x!tpu.dma_semaphore, #tpu.memory_space<semaphore_mem>> -> memref<!tpu.dma_semaphore, #tpu.memory_space<semaphore_mem>>
      %dma_start3A_451 = arith.constant 0 : i32
      %dma_start3A_452 = tpu.memref_slice %arg5[%add3A_440, %dma_start3A_451] : memref<32768x1024xf32, #tpu.memory_space<hbm>> -> memref<8x1024xf32, #tpu.memory_space<hbm>>
      %dma_start3A_453 = arith.constant 8 : i32
      %dma_start3A_454 = arith.constant 0 : i32
      %dma_start3A_455 = tpu.memref_slice %arg6[%dma_start3A_441, %dma_start3A_453, %dma_start3A_454] : memref<4x16x1024xf32, #tpu.memory_space<vmem>> -> memref<1x8x1024xf32, #tpu.memory_space<vmem>>
      %dma_start3A_456 = tpu.memref_squeeze %dma_start3A_455 : memref<1x8x1024xf32, #tpu.memory_space<vmem>> -> memref<8x1024xf32, #tpu.memory_space<vmem>>
      tpu.enqueue_dma source(%dma_start3A_456 : memref<8x1024xf32, #tpu.memory_space<vmem>>) target(%dma_start3A_452 : memref<8x1024xf32, #tpu.memory_space<hbm>>) target_semaphore(%dma_start3A_450 : memref<!tpu.dma_semaphore, #tpu.memory_space<semaphore_mem>>)
      %mul3A_457 = arith.constant 4 : i32
      %mul3A_458 = arith.muli %scan3A_124, %mul3A_457 : i32
      %add3A_459 = arith.constant 3 : i32
      %add3A_460 = arith.addi %mul3A_458, %add3A_459 : i32
      %dma_wait3A_461 = arith.constant 3 : i32
      %dma_wait3A_462 = arith.constant 3 : i32
      %dma_wait3A_463 = arith.constant 0 : i32
      %dma_wait3A_464 = arith.constant 0 : i32
      %dma_wait3A_465 = tpu.memref_slice %arg6[%dma_wait3A_461, %dma_wait3A_463, %dma_wait3A_464] : memref<4x16x1024xf32, #tpu.memory_space<vmem>> -> memref<1x16x1024xf32, #tpu.memory_space<vmem>>
      %dma_wait3A_466 = tpu.memref_squeeze %dma_wait3A_465 : memref<1x16x1024xf32, #tpu.memory_space<vmem>> -> memref<16x1024xf32, #tpu.memory_space<vmem>>
      %dma_wait3A_467 = arith.constant 0 : i32
      %dma_wait3A_468 = tpu.memref_slice %arg2[%mul3A_2, %dma_wait3A_467] : memref<32768x1024xf32, #tpu.memory_space<hbm>> -> memref<16x1024xf32, #tpu.memory_space<hbm>>
      %dma_wait3A_469 = tpu.memref_slice %arg9[%dma_wait3A_462] : memref<4x!tpu.dma_semaphore, #tpu.memory_space<semaphore_mem>> -> memref<1x!tpu.dma_semaphore, #tpu.memory_space<semaphore_mem>>
      %dma_wait3A_470 = tpu.memref_squeeze %dma_wait3A_469 : memref<1x!tpu.dma_semaphore, #tpu.memory_space<semaphore_mem>> -> memref<!tpu.dma_semaphore, #tpu.memory_space<semaphore_mem>>
      %dma_wait3A_471 = arith.constant 0 : i32
      %dma_wait3A_472 = arith.constant 0 : i32
      %dma_wait3A_473 = tpu.memref_slice %arg6[%dma_wait3A_461, %dma_wait3A_471, %dma_wait3A_472] : memref<4x16x1024xf32, #tpu.memory_space<vmem>> -> memref<1x16x1024xf32, #tpu.memory_space<vmem>>
      %dma_wait3A_474 = tpu.memref_squeeze %dma_wait3A_473 : memref<1x16x1024xf32, #tpu.memory_space<vmem>> -> memref<16x1024xf32, #tpu.memory_space<vmem>>
      %dma_wait3A_475 = arith.constant 0 : i32
      %dma_wait3A_476 = tpu.memref_slice %arg2[%mul3A_2, %dma_wait3A_475] : memref<32768x1024xf32, #tpu.memory_space<hbm>> -> memref<16x1024xf32, #tpu.memory_space<hbm>>
      tpu.wait_dma2 semaphore(%dma_wait3A_470 : memref<!tpu.dma_semaphore, #tpu.memory_space<semaphore_mem>>) src(%dma_wait3A_476 : memref<16x1024xf32, #tpu.memory_space<hbm>>) dst(%dma_wait3A_474 : memref<16x1024xf32, #tpu.memory_space<vmem>>)
      %add3A_477 = arith.constant 3 : i32
      %add3A_478 = arith.addi %add3A_460, %add3A_477 : i32
      %lt3A_479 = arith.constant 64 : i32
      %lt3A_480 = arith.cmpi slt, %add3A_478, %lt3A_479 : i32
      %convert_element_type3A_481 = arith.extui %lt3A_480 : i1 to i32
      %cond3A_482 = arith.constant 0 : i32
      %cond3A_483 = arith.cmpi ne, %convert_element_type3A_481, %cond3A_482 : i32
      scf.if %cond3A_483 {
        %ge3A = arith.constant 1 : i32
        %ge3A_570 = arith.cmpi sge, %add3A_460, %ge3A : i32
        %convert_element_type3A_571 = arith.extui %ge3A_570 : i1 to i32
        %cond3A_572 = arith.constant 0 : i32
        %cond3A_573 = arith.cmpi ne, %convert_element_type3A_571, %cond3A_572 : i32
        scf.if %cond3A_573 {
          %dma_wait3A_595 = arith.constant 2 : i32
          %dma_wait3A_596 = arith.constant 2 : i32
          %dma_wait3A_597 = arith.constant 0 : i32
          %dma_wait3A_598 = arith.constant 0 : i32
          %dma_wait3A_599 = tpu.memref_slice %arg6[%dma_wait3A_595, %dma_wait3A_597, %dma_wait3A_598] : memref<4x16x1024xf32, #tpu.memory_space<vmem>> -> memref<1x16x1024xf32, #tpu.memory_space<vmem>>
          %dma_wait3A_600 = tpu.memref_squeeze %dma_wait3A_599 : memref<1x16x1024xf32, #tpu.memory_space<vmem>> -> memref<16x1024xf32, #tpu.memory_space<vmem>>
          %dma_wait3A_601 = arith.constant 0 : i32
          %dma_wait3A_602 = tpu.memref_slice %arg5[%mul3A_2, %dma_wait3A_601] : memref<32768x1024xf32, #tpu.memory_space<hbm>> -> memref<16x1024xf32, #tpu.memory_space<hbm>>
          %dma_wait3A_603 = tpu.memref_slice %arg10[%dma_wait3A_596] : memref<4x!tpu.dma_semaphore, #tpu.memory_space<semaphore_mem>> -> memref<1x!tpu.dma_semaphore, #tpu.memory_space<semaphore_mem>>
          %dma_wait3A_604 = tpu.memref_squeeze %dma_wait3A_603 : memref<1x!tpu.dma_semaphore, #tpu.memory_space<semaphore_mem>> -> memref<!tpu.dma_semaphore, #tpu.memory_space<semaphore_mem>>
          %dma_wait3A_605 = arith.constant 0 : i32
          %dma_wait3A_606 = tpu.memref_slice %arg5[%mul3A_2, %dma_wait3A_605] : memref<32768x1024xf32, #tpu.memory_space<hbm>> -> memref<16x1024xf32, #tpu.memory_space<hbm>>
          %dma_wait3A_607 = arith.constant 0 : i32
          %dma_wait3A_608 = arith.constant 0 : i32
          %dma_wait3A_609 = tpu.memref_slice %arg6[%dma_wait3A_595, %dma_wait3A_607, %dma_wait3A_608] : memref<4x16x1024xf32, #tpu.memory_space<vmem>> -> memref<1x16x1024xf32, #tpu.memory_space<vmem>>
          %dma_wait3A_610 = tpu.memref_squeeze %dma_wait3A_609 : memref<1x16x1024xf32, #tpu.memory_space<vmem>> -> memref<16x1024xf32, #tpu.memory_space<vmem>>
          tpu.wait_dma2 semaphore(%dma_wait3A_604 : memref<!tpu.dma_semaphore, #tpu.memory_space<semaphore_mem>>) src(%dma_wait3A_610 : memref<16x1024xf32, #tpu.memory_space<vmem>>) dst(%dma_wait3A_606 : memref<16x1024xf32, #tpu.memory_space<hbm>>)
        } else {
        }
        %add3A_574 = arith.constant 3 : i32
        %add3A_575 = arith.addi %add3A_460, %add3A_574 : i32
        %mul3A_576 = arith.constant 16 : i32
        %mul3A_577 = arith.muli %add3A_575, %mul3A_576 : i32
        %add3A_578 = arith.addi %mul3A_2, %mul3A_577 : i32
        %dma_start3A_579 = arith.constant 2 : i32
        %dma_start3A_580 = arith.constant 2 : i32
        %dma_start3A_581 = arith.constant 0 : i32
        %dma_start3A_582 = arith.constant 0 : i32
        %dma_start3A_583 = tpu.memref_slice %arg6[%dma_start3A_579, %dma_start3A_581, %dma_start3A_582] : memref<4x16x1024xf32, #tpu.memory_space<vmem>> -> memref<1x16x1024xf32, #tpu.memory_space<vmem>>
        %dma_start3A_584 = tpu.memref_squeeze %dma_start3A_583 : memref<1x16x1024xf32, #tpu.memory_space<vmem>> -> memref<16x1024xf32, #tpu.memory_space<vmem>>
        %dma_start3A_585 = arith.constant 0 : i32
        %dma_start3A_586 = tpu.memref_slice %arg2[%add3A_578, %dma_start3A_585] : memref<32768x1024xf32, #tpu.memory_space<hbm>> -> memref<16x1024xf32, #tpu.memory_space<hbm>>
        %dma_start3A_587 = tpu.memref_slice %arg9[%dma_start3A_580] : memref<4x!tpu.dma_semaphore, #tpu.memory_space<semaphore_mem>> -> memref<1x!tpu.dma_semaphore, #tpu.memory_space<semaphore_mem>>
        %dma_start3A_588 = tpu.memref_squeeze %dma_start3A_587 : memref<1x!tpu.dma_semaphore, #tpu.memory_space<semaphore_mem>> -> memref<!tpu.dma_semaphore, #tpu.memory_space<semaphore_mem>>
        %dma_start3A_589 = arith.constant 0 : i32
        %dma_start3A_590 = arith.constant 0 : i32
        %dma_start3A_591 = tpu.memref_slice %arg6[%dma_start3A_579, %dma_start3A_589, %dma_start3A_590] : memref<4x16x1024xf32, #tpu.memory_space<vmem>> -> memref<1x16x1024xf32, #tpu.memory_space<vmem>>
        %dma_start3A_592 = tpu.memref_squeeze %dma_start3A_591 : memref<1x16x1024xf32, #tpu.memory_space<vmem>> -> memref<16x1024xf32, #tpu.memory_space<vmem>>
        %dma_start3A_593 = arith.constant 0 : i32
        %dma_start3A_594 = tpu.memref_slice %arg2[%add3A_578, %dma_start3A_593] : memref<32768x1024xf32, #tpu.memory_space<hbm>> -> memref<16x1024xf32, #tpu.memory_space<hbm>>
        tpu.enqueue_dma source(%dma_start3A_594 : memref<16x1024xf32, #tpu.memory_space<hbm>>) target(%dma_start3A_592 : memref<16x1024xf32, #tpu.memory_space<vmem>>) target_semaphore(%dma_start3A_588 : memref<!tpu.dma_semaphore, #tpu.memory_space<semaphore_mem>>)
      } else {
      }
      %get3A_484 = arith.index_cast %add3A_460 : i32 to index
      %get3A_485 = arith.constant 0 : index
      %get3A_486 = tpu.vector_load %arg8[%get3A_484, %get3A_485] {strides = array<i32>} : memref<64x16xi32, #tpu.memory_space<vmem>>, vector<1x16xi32>,
      %get3A_487 = vector.shape_cast %get3A_486 : vector<1x16xi32> to vector<16xi32>
      %slice3A_488 = vector.extract_strided_slice %get3A_487 {offsets = [0], sizes = [1], strides = [1]} : vector<16xi32> to vector<1xi32>
      %squeeze3A_489 = vector.extract %slice3A_488[0] : i32 from vector<1xi32>
      %slice3A_490 = vector.extract_strided_slice %get3A_487 {offsets = [1], sizes = [1], strides = [1]} : vector<16xi32> to vector<1xi32>
      %squeeze3A_491 = vector.extract %slice3A_490[0] : i32 from vector<1xi32>
      %slice3A_492 = vector.extract_strided_slice %get3A_487 {offsets = [2], sizes = [1], strides = [1]} : vector<16xi32> to vector<1xi32>
      %squeeze3A_493 = vector.extract %slice3A_492[0] : i32 from vector<1xi32>
      %slice3A_494 = vector.extract_strided_slice %get3A_487 {offsets = [3], sizes = [1], strides = [1]} : vector<16xi32> to vector<1xi32>
      %squeeze3A_495 = vector.extract %slice3A_494[0] : i32 from vector<1xi32>
      %slice3A_496 = vector.extract_strided_slice %get3A_487 {offsets = [4], sizes = [1], strides = [1]} : vector<16xi32> to vector<1xi32>
      %squeeze3A_497 = vector.extract %slice3A_496[0] : i32 from vector<1xi32>
      %slice3A_498 = vector.extract_strided_slice %get3A_487 {offsets = [5], sizes = [1], strides = [1]} : vector<16xi32> to vector<1xi32>
      %squeeze3A_499 = vector.extract %slice3A_498[0] : i32 from vector<1xi32>
      %slice3A_500 = vector.extract_strided_slice %get3A_487 {offsets = [6], sizes = [1], strides = [1]} : vector<16xi32> to vector<1xi32>
      %squeeze3A_501 = vector.extract %slice3A_500[0] : i32 from vector<1xi32>
      %slice3A_502 = vector.extract_strided_slice %get3A_487 {offsets = [7], sizes = [1], strides = [1]} : vector<16xi32> to vector<1xi32>
      %squeeze3A_503 = vector.extract %slice3A_502[0] : i32 from vector<1xi32>
      %parallel_loop3A_504 = arith.constant 0 : i32
      %parallel_loop3A_505 = arith.constant 64 : i32
      %parallel_loop3A_506 = arith.constant 1 : i32
      scf.for %parallel_loop3A_570 = %parallel_loop3A_504 to %parallel_loop3A_505 step %parallel_loop3A_506  : i32 {
        %parallel_loop3A_571 = arith.constant 16 : i32
        %parallel_loop3A_572 = arith.muli %parallel_loop3A_570, %parallel_loop3A_571 : i32
        %parallel_loop3A_573 = arith.index_cast %squeeze3A_489 : i32 to index
        %parallel_loop3A_574 = arith.index_cast %parallel_loop3A_572 : i32 to index
        %parallel_loop3A_575 = tpu.vector_load %arg7[%parallel_loop3A_573, %parallel_loop3A_574] {strides = array<i32>} : memref<16x1024xf32, #tpu.memory_space<vmem>>, vector<1x16xf32>,
        %parallel_loop3A_576 = vector.shape_cast %parallel_loop3A_575 : vector<1x16xf32> to vector<16xf32>
        %parallel_loop3A_577 = arith.constant 3 : i32
        %parallel_loop3A_578 = arith.constant 0 : i32
        %parallel_loop3A_579 = arith.index_cast %parallel_loop3A_577 : i32 to index
        %parallel_loop3A_580 = arith.index_cast %parallel_loop3A_578 : i32 to index
        %parallel_loop3A_581 = arith.index_cast %parallel_loop3A_572 : i32 to index
        %parallel_loop3A_582 = tpu.vector_load %arg6[%parallel_loop3A_579, %parallel_loop3A_580, %parallel_loop3A_581] {strides = array<i32>} : memref<4x16x1024xf32, #tpu.memory_space<vmem>>, vector<1x1x16xf32>,
        %parallel_loop3A_583 = vector.shape_cast %parallel_loop3A_582 : vector<1x1x16xf32> to vector<16xf32>
        %parallel_loop3A_584 = vector.shape_cast %parallel_loop3A_576 : vector<16xf32> to vector<1x1x16xf32>
        tpu.vector_store %arg6[%parallel_loop3A_579, %parallel_loop3A_580, %parallel_loop3A_581], %parallel_loop3A_584 {add = true, strides = array<i32>} : memref<4x16x1024xf32, #tpu.memory_space<vmem>>, vector<1x1x16xf32>,
        %parallel_loop3A_585 = arith.index_cast %squeeze3A_491 : i32 to index
        %parallel_loop3A_586 = arith.index_cast %parallel_loop3A_572 : i32 to index
        %parallel_loop3A_587 = tpu.vector_load %arg7[%parallel_loop3A_585, %parallel_loop3A_586] {strides = array<i32>} : memref<16x1024xf32, #tpu.memory_space<vmem>>, vector<1x16xf32>,
        %parallel_loop3A_588 = vector.shape_cast %parallel_loop3A_587 : vector<1x16xf32> to vector<16xf32>
        %parallel_loop3A_589 = arith.constant 3 : i32
        %parallel_loop3A_590 = arith.constant 1 : i32
        %parallel_loop3A_591 = arith.index_cast %parallel_loop3A_589 : i32 to index
        %parallel_loop3A_592 = arith.index_cast %parallel_loop3A_590 : i32 to index
        %parallel_loop3A_593 = arith.index_cast %parallel_loop3A_572 : i32 to index
        %parallel_loop3A_594 = tpu.vector_load %arg6[%parallel_loop3A_591, %parallel_loop3A_592, %parallel_loop3A_593] {strides = array<i32>} : memref<4x16x1024xf32, #tpu.memory_space<vmem>>, vector<1x1x16xf32>,
        %parallel_loop3A_595 = vector.shape_cast %parallel_loop3A_594 : vector<1x1x16xf32> to vector<16xf32>
        %parallel_loop3A_596 = vector.shape_cast %parallel_loop3A_588 : vector<16xf32> to vector<1x1x16xf32>
        tpu.vector_store %arg6[%parallel_loop3A_591, %parallel_loop3A_592, %parallel_loop3A_593], %parallel_loop3A_596 {add = true, strides = array<i32>} : memref<4x16x1024xf32, #tpu.memory_space<vmem>>, vector<1x1x16xf32>,
        %parallel_loop3A_597 = arith.index_cast %squeeze3A_493 : i32 to index
        %parallel_loop3A_598 = arith.index_cast %parallel_loop3A_572 : i32 to index
        %parallel_loop3A_599 = tpu.vector_load %arg7[%parallel_loop3A_597, %parallel_loop3A_598] {strides = array<i32>} : memref<16x1024xf32, #tpu.memory_space<vmem>>, vector<1x16xf32>,
        %parallel_loop3A_600 = vector.shape_cast %parallel_loop3A_599 : vector<1x16xf32> to vector<16xf32>
        %parallel_loop3A_601 = arith.constant 3 : i32
        %parallel_loop3A_602 = arith.constant 2 : i32
        %parallel_loop3A_603 = arith.index_cast %parallel_loop3A_601 : i32 to index
        %parallel_loop3A_604 = arith.index_cast %parallel_loop3A_602 : i32 to index
        %parallel_loop3A_605 = arith.index_cast %parallel_loop3A_572 : i32 to index
        %parallel_loop3A_606 = tpu.vector_load %arg6[%parallel_loop3A_603, %parallel_loop3A_604, %parallel_loop3A_605] {strides = array<i32>} : memref<4x16x1024xf32, #tpu.memory_space<vmem>>, vector<1x1x16xf32>,
        %parallel_loop3A_607 = vector.shape_cast %parallel_loop3A_606 : vector<1x1x16xf32> to vector<16xf32>
        %parallel_loop3A_608 = vector.shape_cast %parallel_loop3A_600 : vector<16xf32> to vector<1x1x16xf32>
        tpu.vector_store %arg6[%parallel_loop3A_603, %parallel_loop3A_604, %parallel_loop3A_605], %parallel_loop3A_608 {add = true, strides = array<i32>} : memref<4x16x1024xf32, #tpu.memory_space<vmem>>, vector<1x1x16xf32>,
        %parallel_loop3A_609 = arith.index_cast %squeeze3A_495 : i32 to index
        %parallel_loop3A_610 = arith.index_cast %parallel_loop3A_572 : i32 to index
        %parallel_loop3A_611 = tpu.vector_load %arg7[%parallel_loop3A_609, %parallel_loop3A_610] {strides = array<i32>} : memref<16x1024xf32, #tpu.memory_space<vmem>>, vector<1x16xf32>,
        %parallel_loop3A_612 = vector.shape_cast %parallel_loop3A_611 : vector<1x16xf32> to vector<16xf32>
        %parallel_loop3A_613 = arith.constant 3 : i32
        %parallel_loop3A_614 = arith.constant 3 : i32
        %parallel_loop3A_615 = arith.index_cast %parallel_loop3A_613 : i32 to index
        %parallel_loop3A_616 = arith.index_cast %parallel_loop3A_614 : i32 to index
        %parallel_loop3A_617 = arith.index_cast %parallel_loop3A_572 : i32 to index
        %parallel_loop3A_618 = tpu.vector_load %arg6[%parallel_loop3A_615, %parallel_loop3A_616, %parallel_loop3A_617] {strides = array<i32>} : memref<4x16x1024xf32, #tpu.memory_space<vmem>>, vector<1x1x16xf32>,
        %parallel_loop3A_619 = vector.shape_cast %parallel_loop3A_618 : vector<1x1x16xf32> to vector<16xf32>
        %parallel_loop3A_620 = vector.shape_cast %parallel_loop3A_612 : vector<16xf32> to vector<1x1x16xf32>
        tpu.vector_store %arg6[%parallel_loop3A_615, %parallel_loop3A_616, %parallel_loop3A_617], %parallel_loop3A_620 {add = true, strides = array<i32>} : memref<4x16x1024xf32, #tpu.memory_space<vmem>>, vector<1x1x16xf32>,
        %parallel_loop3A_621 = arith.index_cast %squeeze3A_497 : i32 to index
        %parallel_loop3A_622 = arith.index_cast %parallel_loop3A_572 : i32 to index
        %parallel_loop3A_623 = tpu.vector_load %arg7[%parallel_loop3A_621, %parallel_loop3A_622] {strides = array<i32>} : memref<16x1024xf32, #tpu.memory_space<vmem>>, vector<1x16xf32>,
        %parallel_loop3A_624 = vector.shape_cast %parallel_loop3A_623 : vector<1x16xf32> to vector<16xf32>
        %parallel_loop3A_625 = arith.constant 3 : i32
        %parallel_loop3A_626 = arith.constant 4 : i32
        %parallel_loop3A_627 = arith.index_cast %parallel_loop3A_625 : i32 to index
        %parallel_loop3A_628 = arith.index_cast %parallel_loop3A_626 : i32 to index
        %parallel_loop3A_629 = arith.index_cast %parallel_loop3A_572 : i32 to index
        %parallel_loop3A_630 = tpu.vector_load %arg6[%parallel_loop3A_627, %parallel_loop3A_628, %parallel_loop3A_629] {strides = array<i32>} : memref<4x16x1024xf32, #tpu.memory_space<vmem>>, vector<1x1x16xf32>,
        %parallel_loop3A_631 = vector.shape_cast %parallel_loop3A_630 : vector<1x1x16xf32> to vector<16xf32>
        %parallel_loop3A_632 = vector.shape_cast %parallel_loop3A_624 : vector<16xf32> to vector<1x1x16xf32>
        tpu.vector_store %arg6[%parallel_loop3A_627, %parallel_loop3A_628, %parallel_loop3A_629], %parallel_loop3A_632 {add = true, strides = array<i32>} : memref<4x16x1024xf32, #tpu.memory_space<vmem>>, vector<1x1x16xf32>,
        %parallel_loop3A_633 = arith.index_cast %squeeze3A_499 : i32 to index
        %parallel_loop3A_634 = arith.index_cast %parallel_loop3A_572 : i32 to index
        %parallel_loop3A_635 = tpu.vector_load %arg7[%parallel_loop3A_633, %parallel_loop3A_634] {strides = array<i32>} : memref<16x1024xf32, #tpu.memory_space<vmem>>, vector<1x16xf32>,
        %parallel_loop3A_636 = vector.shape_cast %parallel_loop3A_635 : vector<1x16xf32> to vector<16xf32>
        %parallel_loop3A_637 = arith.constant 3 : i32
        %parallel_loop3A_638 = arith.constant 5 : i32
        %parallel_loop3A_639 = arith.index_cast %parallel_loop3A_637 : i32 to index
        %parallel_loop3A_640 = arith.index_cast %parallel_loop3A_638 : i32 to index
        %parallel_loop3A_641 = arith.index_cast %parallel_loop3A_572 : i32 to index
        %parallel_loop3A_642 = tpu.vector_load %arg6[%parallel_loop3A_639, %parallel_loop3A_640, %parallel_loop3A_641] {strides = array<i32>} : memref<4x16x1024xf32, #tpu.memory_space<vmem>>, vector<1x1x16xf32>,
        %parallel_loop3A_643 = vector.shape_cast %parallel_loop3A_642 : vector<1x1x16xf32> to vector<16xf32>
        %parallel_loop3A_644 = vector.shape_cast %parallel_loop3A_636 : vector<16xf32> to vector<1x1x16xf32>
        tpu.vector_store %arg6[%parallel_loop3A_639, %parallel_loop3A_640, %parallel_loop3A_641], %parallel_loop3A_644 {add = true, strides = array<i32>} : memref<4x16x1024xf32, #tpu.memory_space<vmem>>, vector<1x1x16xf32>,
        %parallel_loop3A_645 = arith.index_cast %squeeze3A_501 : i32 to index
        %parallel_loop3A_646 = arith.index_cast %parallel_loop3A_572 : i32 to index
        %parallel_loop3A_647 = tpu.vector_load %arg7[%parallel_loop3A_645, %parallel_loop3A_646] {strides = array<i32>} : memref<16x1024xf32, #tpu.memory_space<vmem>>, vector<1x16xf32>,
        %parallel_loop3A_648 = vector.shape_cast %parallel_loop3A_647 : vector<1x16xf32> to vector<16xf32>
        %parallel_loop3A_649 = arith.constant 3 : i32
        %parallel_loop3A_650 = arith.constant 6 : i32
        %parallel_loop3A_651 = arith.index_cast %parallel_loop3A_649 : i32 to index
        %parallel_loop3A_652 = arith.index_cast %parallel_loop3A_650 : i32 to index
        %parallel_loop3A_653 = arith.index_cast %parallel_loop3A_572 : i32 to index
        %parallel_loop3A_654 = tpu.vector_load %arg6[%parallel_loop3A_651, %parallel_loop3A_652, %parallel_loop3A_653] {strides = array<i32>} : memref<4x16x1024xf32, #tpu.memory_space<vmem>>, vector<1x1x16xf32>,
        %parallel_loop3A_655 = vector.shape_cast %parallel_loop3A_654 : vector<1x1x16xf32> to vector<16xf32>
        %parallel_loop3A_656 = vector.shape_cast %parallel_loop3A_648 : vector<16xf32> to vector<1x1x16xf32>
        tpu.vector_store %arg6[%parallel_loop3A_651, %parallel_loop3A_652, %parallel_loop3A_653], %parallel_loop3A_656 {add = true, strides = array<i32>} : memref<4x16x1024xf32, #tpu.memory_space<vmem>>, vector<1x1x16xf32>,
        %parallel_loop3A_657 = arith.index_cast %squeeze3A_503 : i32 to index
        %parallel_loop3A_658 = arith.index_cast %parallel_loop3A_572 : i32 to index
        %parallel_loop3A_659 = tpu.vector_load %arg7[%parallel_loop3A_657, %parallel_loop3A_658] {strides = array<i32>} : memref<16x1024xf32, #tpu.memory_space<vmem>>, vector<1x16xf32>,
        %parallel_loop3A_660 = vector.shape_cast %parallel_loop3A_659 : vector<1x16xf32> to vector<16xf32>
        %parallel_loop3A_661 = arith.constant 3 : i32
        %parallel_loop3A_662 = arith.constant 7 : i32
        %parallel_loop3A_663 = arith.index_cast %parallel_loop3A_661 : i32 to index
        %parallel_loop3A_664 = arith.index_cast %parallel_loop3A_662 : i32 to index
        %parallel_loop3A_665 = arith.index_cast %parallel_loop3A_572 : i32 to index
        %parallel_loop3A_666 = tpu.vector_load %arg6[%parallel_loop3A_663, %parallel_loop3A_664, %parallel_loop3A_665] {strides = array<i32>} : memref<4x16x1024xf32, #tpu.memory_space<vmem>>, vector<1x1x16xf32>,
        %parallel_loop3A_667 = vector.shape_cast %parallel_loop3A_666 : vector<1x1x16xf32> to vector<16xf32>
        %parallel_loop3A_668 = vector.shape_cast %parallel_loop3A_660 : vector<16xf32> to vector<1x1x16xf32>
        tpu.vector_store %arg6[%parallel_loop3A_663, %parallel_loop3A_664, %parallel_loop3A_665], %parallel_loop3A_668 {add = true, strides = array<i32>} : memref<4x16x1024xf32, #tpu.memory_space<vmem>>, vector<1x1x16xf32>,
      } {sc.loop_unroll_factor = 1 : i64, sc.parallel_access}
      %mul3A_507 = arith.constant 16 : i32
      %mul3A_508 = arith.muli %add3A_460, %mul3A_507 : i32
      %add3A_509 = arith.addi %mul3A_2, %mul3A_508 : i32
      %dma_start3A_510 = arith.constant 3 : i32
      %dma_start3A_511 = arith.constant 3 : i32
      %dma_start3A_512 = arith.constant 0 : i32
      %dma_start3A_513 = arith.constant 0 : i32
      %dma_start3A_514 = tpu.memref_slice %arg6[%dma_start3A_510, %dma_start3A_512, %dma_start3A_513] : memref<4x16x1024xf32, #tpu.memory_space<vmem>> -> memref<1x8x1024xf32, #tpu.memory_space<vmem>>
      %dma_start3A_515 = tpu.memref_squeeze %dma_start3A_514 : memref<1x8x1024xf32, #tpu.memory_space<vmem>> -> memref<8x1024xf32, #tpu.memory_space<vmem>>
      %dma_start3A_516 = arith.constant 0 : i32
      %dma_start3A_517 = tpu.memref_slice %arg5[%add3A_509, %dma_start3A_516] : memref<32768x1024xf32, #tpu.memory_space<hbm>> -> memref<8x1024xf32, #tpu.memory_space<hbm>>
      %dma_start3A_518 = tpu.memref_slice %arg10[%dma_start3A_511] : memref<4x!tpu.dma_semaphore, #tpu.memory_space<semaphore_mem>> -> memref<1x!tpu.dma_semaphore, #tpu.memory_space<semaphore_mem>>
      %dma_start3A_519 = tpu.memref_squeeze %dma_start3A_518 : memref<1x!tpu.dma_semaphore, #tpu.memory_space<semaphore_mem>> -> memref<!tpu.dma_semaphore, #tpu.memory_space<semaphore_mem>>
      %dma_start3A_520 = arith.constant 0 : i32
      %dma_start3A_521 = tpu.memref_slice %arg5[%add3A_509, %dma_start3A_520] : memref<32768x1024xf32, #tpu.memory_space<hbm>> -> memref<8x1024xf32, #tpu.memory_space<hbm>>
      %dma_start3A_522 = arith.constant 0 : i32
      %dma_start3A_523 = arith.constant 0 : i32
      %dma_start3A_524 = tpu.memref_slice %arg6[%dma_start3A_510, %dma_start3A_522, %dma_start3A_523] : memref<4x16x1024xf32, #tpu.memory_space<vmem>> -> memref<1x8x1024xf32, #tpu.memory_space<vmem>>
      %dma_start3A_525 = tpu.memref_squeeze %dma_start3A_524 : memref<1x8x1024xf32, #tpu.memory_space<vmem>> -> memref<8x1024xf32, #tpu.memory_space<vmem>>
      tpu.enqueue_dma source(%dma_start3A_525 : memref<8x1024xf32, #tpu.memory_space<vmem>>) target(%dma_start3A_521 : memref<8x1024xf32, #tpu.memory_space<hbm>>) target_semaphore(%dma_start3A_519 : memref<!tpu.dma_semaphore, #tpu.memory_space<semaphore_mem>>)
      %get3A_526 = arith.index_cast %add3A_460 : i32 to index
      %get3A_527 = arith.constant 0 : index
      %get3A_528 = tpu.vector_load %arg8[%get3A_526, %get3A_527] {strides = array<i32>} : memref<64x16xi32, #tpu.memory_space<vmem>>, vector<1x16xi32>,
      %get3A_529 = vector.shape_cast %get3A_528 : vector<1x16xi32> to vector<16xi32>
      %slice3A_530 = vector.extract_strided_slice %get3A_529 {offsets = [8], sizes = [1], strides = [1]} : vector<16xi32> to vector<1xi32>
      %squeeze3A_531 = vector.extract %slice3A_530[0] : i32 from vector<1xi32>
      %slice3A_532 = vector.extract_strided_slice %get3A_529 {offsets = [9], sizes = [1], strides = [1]} : vector<16xi32> to vector<1xi32>
      %squeeze3A_533 = vector.extract %slice3A_532[0] : i32 from vector<1xi32>
      %slice3A_534 = vector.extract_strided_slice %get3A_529 {offsets = [10], sizes = [1], strides = [1]} : vector<16xi32> to vector<1xi32>
      %squeeze3A_535 = vector.extract %slice3A_534[0] : i32 from vector<1xi32>
      %slice3A_536 = vector.extract_strided_slice %get3A_529 {offsets = [11], sizes = [1], strides = [1]} : vector<16xi32> to vector<1xi32>
      %squeeze3A_537 = vector.extract %slice3A_536[0] : i32 from vector<1xi32>
      %slice3A_538 = vector.extract_strided_slice %get3A_529 {offsets = [12], sizes = [1], strides = [1]} : vector<16xi32> to vector<1xi32>
      %squeeze3A_539 = vector.extract %slice3A_538[0] : i32 from vector<1xi32>
      %slice3A_540 = vector.extract_strided_slice %get3A_529 {offsets = [13], sizes = [1], strides = [1]} : vector<16xi32> to vector<1xi32>
      %squeeze3A_541 = vector.extract %slice3A_540[0] : i32 from vector<1xi32>
      %slice3A_542 = vector.extract_strided_slice %get3A_529 {offsets = [14], sizes = [1], strides = [1]} : vector<16xi32> to vector<1xi32>
      %squeeze3A_543 = vector.extract %slice3A_542[0] : i32 from vector<1xi32>
      %slice3A_544 = vector.extract_strided_slice %get3A_529 {offsets = [15], sizes = [1], strides = [1]} : vector<16xi32> to vector<1xi32>
      %squeeze3A_545 = vector.extract %slice3A_544[0] : i32 from vector<1xi32>
      %parallel_loop3A_546 = arith.constant 0 : i32
      %parallel_loop3A_547 = arith.constant 64 : i32
      %parallel_loop3A_548 = arith.constant 1 : i32
      scf.for %parallel_loop3A_570 = %parallel_loop3A_546 to %parallel_loop3A_547 step %parallel_loop3A_548  : i32 {
        %parallel_loop3A_571 = arith.constant 16 : i32
        %parallel_loop3A_572 = arith.muli %parallel_loop3A_570, %parallel_loop3A_571 : i32
        %parallel_loop3A_573 = arith.index_cast %squeeze3A_531 : i32 to index
        %parallel_loop3A_574 = arith.index_cast %parallel_loop3A_572 : i32 to index
        %parallel_loop3A_575 = tpu.vector_load %arg7[%parallel_loop3A_573, %parallel_loop3A_574] {strides = array<i32>} : memref<16x1024xf32, #tpu.memory_space<vmem>>, vector<1x16xf32>,
        %parallel_loop3A_576 = vector.shape_cast %parallel_loop3A_575 : vector<1x16xf32> to vector<16xf32>
        %parallel_loop3A_577 = arith.constant 3 : i32
        %parallel_loop3A_578 = arith.constant 8 : i32
        %parallel_loop3A_579 = arith.index_cast %parallel_loop3A_577 : i32 to index
        %parallel_loop3A_580 = arith.index_cast %parallel_loop3A_578 : i32 to index
        %parallel_loop3A_581 = arith.index_cast %parallel_loop3A_572 : i32 to index
        %parallel_loop3A_582 = tpu.vector_load %arg6[%parallel_loop3A_579, %parallel_loop3A_580, %parallel_loop3A_581] {strides = array<i32>} : memref<4x16x1024xf32, #tpu.memory_space<vmem>>, vector<1x1x16xf32>,
        %parallel_loop3A_583 = vector.shape_cast %parallel_loop3A_582 : vector<1x1x16xf32> to vector<16xf32>
        %parallel_loop3A_584 = vector.shape_cast %parallel_loop3A_576 : vector<16xf32> to vector<1x1x16xf32>
        tpu.vector_store %arg6[%parallel_loop3A_579, %parallel_loop3A_580, %parallel_loop3A_581], %parallel_loop3A_584 {add = true, strides = array<i32>} : memref<4x16x1024xf32, #tpu.memory_space<vmem>>, vector<1x1x16xf32>,
        %parallel_loop3A_585 = arith.index_cast %squeeze3A_533 : i32 to index
        %parallel_loop3A_586 = arith.index_cast %parallel_loop3A_572 : i32 to index
        %parallel_loop3A_587 = tpu.vector_load %arg7[%parallel_loop3A_585, %parallel_loop3A_586] {strides = array<i32>} : memref<16x1024xf32, #tpu.memory_space<vmem>>, vector<1x16xf32>,
        %parallel_loop3A_588 = vector.shape_cast %parallel_loop3A_587 : vector<1x16xf32> to vector<16xf32>
        %parallel_loop3A_589 = arith.constant 3 : i32
        %parallel_loop3A_590 = arith.constant 9 : i32
        %parallel_loop3A_591 = arith.index_cast %parallel_loop3A_589 : i32 to index
        %parallel_loop3A_592 = arith.index_cast %parallel_loop3A_590 : i32 to index
        %parallel_loop3A_593 = arith.index_cast %parallel_loop3A_572 : i32 to index
        %parallel_loop3A_594 = tpu.vector_load %arg6[%parallel_loop3A_591, %parallel_loop3A_592, %parallel_loop3A_593] {strides = array<i32>} : memref<4x16x1024xf32, #tpu.memory_space<vmem>>, vector<1x1x16xf32>,
        %parallel_loop3A_595 = vector.shape_cast %parallel_loop3A_594 : vector<1x1x16xf32> to vector<16xf32>
        %parallel_loop3A_596 = vector.shape_cast %parallel_loop3A_588 : vector<16xf32> to vector<1x1x16xf32>
        tpu.vector_store %arg6[%parallel_loop3A_591, %parallel_loop3A_592, %parallel_loop3A_593], %parallel_loop3A_596 {add = true, strides = array<i32>} : memref<4x16x1024xf32, #tpu.memory_space<vmem>>, vector<1x1x16xf32>,
        %parallel_loop3A_597 = arith.index_cast %squeeze3A_535 : i32 to index
        %parallel_loop3A_598 = arith.index_cast %parallel_loop3A_572 : i32 to index
        %parallel_loop3A_599 = tpu.vector_load %arg7[%parallel_loop3A_597, %parallel_loop3A_598] {strides = array<i32>} : memref<16x1024xf32, #tpu.memory_space<vmem>>, vector<1x16xf32>,
        %parallel_loop3A_600 = vector.shape_cast %parallel_loop3A_599 : vector<1x16xf32> to vector<16xf32>
        %parallel_loop3A_601 = arith.constant 3 : i32
        %parallel_loop3A_602 = arith.constant 10 : i32
        %parallel_loop3A_603 = arith.index_cast %parallel_loop3A_601 : i32 to index
        %parallel_loop3A_604 = arith.index_cast %parallel_loop3A_602 : i32 to index
        %parallel_loop3A_605 = arith.index_cast %parallel_loop3A_572 : i32 to index
        %parallel_loop3A_606 = tpu.vector_load %arg6[%parallel_loop3A_603, %parallel_loop3A_604, %parallel_loop3A_605] {strides = array<i32>} : memref<4x16x1024xf32, #tpu.memory_space<vmem>>, vector<1x1x16xf32>,
        %parallel_loop3A_607 = vector.shape_cast %parallel_loop3A_606 : vector<1x1x16xf32> to vector<16xf32>
        %parallel_loop3A_608 = vector.shape_cast %parallel_loop3A_600 : vector<16xf32> to vector<1x1x16xf32>
        tpu.vector_store %arg6[%parallel_loop3A_603, %parallel_loop3A_604, %parallel_loop3A_605], %parallel_loop3A_608 {add = true, strides = array<i32>} : memref<4x16x1024xf32, #tpu.memory_space<vmem>>, vector<1x1x16xf32>,
        %parallel_loop3A_609 = arith.index_cast %squeeze3A_537 : i32 to index
        %parallel_loop3A_610 = arith.index_cast %parallel_loop3A_572 : i32 to index
        %parallel_loop3A_611 = tpu.vector_load %arg7[%parallel_loop3A_609, %parallel_loop3A_610] {strides = array<i32>} : memref<16x1024xf32, #tpu.memory_space<vmem>>, vector<1x16xf32>,
        %parallel_loop3A_612 = vector.shape_cast %parallel_loop3A_611 : vector<1x16xf32> to vector<16xf32>
        %parallel_loop3A_613 = arith.constant 3 : i32
        %parallel_loop3A_614 = arith.constant 11 : i32
        %parallel_loop3A_615 = arith.index_cast %parallel_loop3A_613 : i32 to index
        %parallel_loop3A_616 = arith.index_cast %parallel_loop3A_614 : i32 to index
        %parallel_loop3A_617 = arith.index_cast %parallel_loop3A_572 : i32 to index
        %parallel_loop3A_618 = tpu.vector_load %arg6[%parallel_loop3A_615, %parallel_loop3A_616, %parallel_loop3A_617] {strides = array<i32>} : memref<4x16x1024xf32, #tpu.memory_space<vmem>>, vector<1x1x16xf32>,
        %parallel_loop3A_619 = vector.shape_cast %parallel_loop3A_618 : vector<1x1x16xf32> to vector<16xf32>
        %parallel_loop3A_620 = vector.shape_cast %parallel_loop3A_612 : vector<16xf32> to vector<1x1x16xf32>
        tpu.vector_store %arg6[%parallel_loop3A_615, %parallel_loop3A_616, %parallel_loop3A_617], %parallel_loop3A_620 {add = true, strides = array<i32>} : memref<4x16x1024xf32, #tpu.memory_space<vmem>>, vector<1x1x16xf32>,
        %parallel_loop3A_621 = arith.index_cast %squeeze3A_539 : i32 to index
        %parallel_loop3A_622 = arith.index_cast %parallel_loop3A_572 : i32 to index
        %parallel_loop3A_623 = tpu.vector_load %arg7[%parallel_loop3A_621, %parallel_loop3A_622] {strides = array<i32>} : memref<16x1024xf32, #tpu.memory_space<vmem>>, vector<1x16xf32>,
        %parallel_loop3A_624 = vector.shape_cast %parallel_loop3A_623 : vector<1x16xf32> to vector<16xf32>
        %parallel_loop3A_625 = arith.constant 3 : i32
        %parallel_loop3A_626 = arith.constant 12 : i32
        %parallel_loop3A_627 = arith.index_cast %parallel_loop3A_625 : i32 to index
        %parallel_loop3A_628 = arith.index_cast %parallel_loop3A_626 : i32 to index
        %parallel_loop3A_629 = arith.index_cast %parallel_loop3A_572 : i32 to index
        %parallel_loop3A_630 = tpu.vector_load %arg6[%parallel_loop3A_627, %parallel_loop3A_628, %parallel_loop3A_629] {strides = array<i32>} : memref<4x16x1024xf32, #tpu.memory_space<vmem>>, vector<1x1x16xf32>,
        %parallel_loop3A_631 = vector.shape_cast %parallel_loop3A_630 : vector<1x1x16xf32> to vector<16xf32>
        %parallel_loop3A_632 = vector.shape_cast %parallel_loop3A_624 : vector<16xf32> to vector<1x1x16xf32>
        tpu.vector_store %arg6[%parallel_loop3A_627, %parallel_loop3A_628, %parallel_loop3A_629], %parallel_loop3A_632 {add = true, strides = array<i32>} : memref<4x16x1024xf32, #tpu.memory_space<vmem>>, vector<1x1x16xf32>,
        %parallel_loop3A_633 = arith.index_cast %squeeze3A_541 : i32 to index
        %parallel_loop3A_634 = arith.index_cast %parallel_loop3A_572 : i32 to index
        %parallel_loop3A_635 = tpu.vector_load %arg7[%parallel_loop3A_633, %parallel_loop3A_634] {strides = array<i32>} : memref<16x1024xf32, #tpu.memory_space<vmem>>, vector<1x16xf32>,
        %parallel_loop3A_636 = vector.shape_cast %parallel_loop3A_635 : vector<1x16xf32> to vector<16xf32>
        %parallel_loop3A_637 = arith.constant 3 : i32
        %parallel_loop3A_638 = arith.constant 13 : i32
        %parallel_loop3A_639 = arith.index_cast %parallel_loop3A_637 : i32 to index
        %parallel_loop3A_640 = arith.index_cast %parallel_loop3A_638 : i32 to index
        %parallel_loop3A_641 = arith.index_cast %parallel_loop3A_572 : i32 to index
        %parallel_loop3A_642 = tpu.vector_load %arg6[%parallel_loop3A_639, %parallel_loop3A_640, %parallel_loop3A_641] {strides = array<i32>} : memref<4x16x1024xf32, #tpu.memory_space<vmem>>, vector<1x1x16xf32>,
        %parallel_loop3A_643 = vector.shape_cast %parallel_loop3A_642 : vector<1x1x16xf32> to vector<16xf32>
        %parallel_loop3A_644 = vector.shape_cast %parallel_loop3A_636 : vector<16xf32> to vector<1x1x16xf32>
        tpu.vector_store %arg6[%parallel_loop3A_639, %parallel_loop3A_640, %parallel_loop3A_641], %parallel_loop3A_644 {add = true, strides = array<i32>} : memref<4x16x1024xf32, #tpu.memory_space<vmem>>, vector<1x1x16xf32>,
        %parallel_loop3A_645 = arith.index_cast %squeeze3A_543 : i32 to index
        %parallel_loop3A_646 = arith.index_cast %parallel_loop3A_572 : i32 to index
        %parallel_loop3A_647 = tpu.vector_load %arg7[%parallel_loop3A_645, %parallel_loop3A_646] {strides = array<i32>} : memref<16x1024xf32, #tpu.memory_space<vmem>>, vector<1x16xf32>,
        %parallel_loop3A_648 = vector.shape_cast %parallel_loop3A_647 : vector<1x16xf32> to vector<16xf32>
        %parallel_loop3A_649 = arith.constant 3 : i32
        %parallel_loop3A_650 = arith.constant 14 : i32
        %parallel_loop3A_651 = arith.index_cast %parallel_loop3A_649 : i32 to index
        %parallel_loop3A_652 = arith.index_cast %parallel_loop3A_650 : i32 to index
        %parallel_loop3A_653 = arith.index_cast %parallel_loop3A_572 : i32 to index
        %parallel_loop3A_654 = tpu.vector_load %arg6[%parallel_loop3A_651, %parallel_loop3A_652, %parallel_loop3A_653] {strides = array<i32>} : memref<4x16x1024xf32, #tpu.memory_space<vmem>>, vector<1x1x16xf32>,
        %parallel_loop3A_655 = vector.shape_cast %parallel_loop3A_654 : vector<1x1x16xf32> to vector<16xf32>
        %parallel_loop3A_656 = vector.shape_cast %parallel_loop3A_648 : vector<16xf32> to vector<1x1x16xf32>
        tpu.vector_store %arg6[%parallel_loop3A_651, %parallel_loop3A_652, %parallel_loop3A_653], %parallel_loop3A_656 {add = true, strides = array<i32>} : memref<4x16x1024xf32, #tpu.memory_space<vmem>>, vector<1x1x16xf32>,
        %parallel_loop3A_657 = arith.index_cast %squeeze3A_545 : i32 to index
        %parallel_loop3A_658 = arith.index_cast %parallel_loop3A_572 : i32 to index
        %parallel_loop3A_659 = tpu.vector_load %arg7[%parallel_loop3A_657, %parallel_loop3A_658] {strides = array<i32>} : memref<16x1024xf32, #tpu.memory_space<vmem>>, vector<1x16xf32>,
        %parallel_loop3A_660 = vector.shape_cast %parallel_loop3A_659 : vector<1x16xf32> to vector<16xf32>
        %parallel_loop3A_661 = arith.constant 3 : i32
        %parallel_loop3A_662 = arith.constant 15 : i32
        %parallel_loop3A_663 = arith.index_cast %parallel_loop3A_661 : i32 to index
        %parallel_loop3A_664 = arith.index_cast %parallel_loop3A_662 : i32 to index
        %parallel_loop3A_665 = arith.index_cast %parallel_loop3A_572 : i32 to index
        %parallel_loop3A_666 = tpu.vector_load %arg6[%parallel_loop3A_663, %parallel_loop3A_664, %parallel_loop3A_665] {strides = array<i32>} : memref<4x16x1024xf32, #tpu.memory_space<vmem>>, vector<1x1x16xf32>,
        %parallel_loop3A_667 = vector.shape_cast %parallel_loop3A_666 : vector<1x1x16xf32> to vector<16xf32>
        %parallel_loop3A_668 = vector.shape_cast %parallel_loop3A_660 : vector<16xf32> to vector<1x1x16xf32>
        tpu.vector_store %arg6[%parallel_loop3A_663, %parallel_loop3A_664, %parallel_loop3A_665], %parallel_loop3A_668 {add = true, strides = array<i32>} : memref<4x16x1024xf32, #tpu.memory_space<vmem>>, vector<1x1x16xf32>,
      } {sc.loop_unroll_factor = 1 : i64, sc.parallel_access}
      %mul3A_549 = arith.constant 16 : i32
      %mul3A_550 = arith.muli %add3A_460, %mul3A_549 : i32
      %add3A_551 = arith.addi %mul3A_2, %mul3A_550 : i32
      %add3A_552 = arith.constant 8 : i32
      %add3A_553 = arith.addi %add3A_551, %add3A_552 : i32
      %dma_start3A_554 = arith.constant 3 : i32
      %dma_start3A_555 = arith.constant 3 : i32
      %dma_start3A_556 = arith.constant 8 : i32
      %dma_start3A_557 = arith.constant 0 : i32
      %dma_start3A_558 = tpu.memref_slice %arg6[%dma_start3A_554, %dma_start3A_556, %dma_start3A_557] : memref<4x16x1024xf32, #tpu.memory_space<vmem>> -> memref<1x8x1024xf32, #tpu.memory_space<vmem>>
      %dma_start3A_559 = tpu.memref_squeeze %dma_start3A_558 : memref<1x8x1024xf32, #tpu.memory_space<vmem>> -> memref<8x1024xf32, #tpu.memory_space<vmem>>
      %dma_start3A_560 = arith.constant 0 : i32
      %dma_start3A_561 = tpu.memref_slice %arg5[%add3A_553, %dma_start3A_560] : memref<32768x1024xf32, #tpu.memory_space<hbm>> -> memref<8x1024xf32, #tpu.memory_space<hbm>>
      %dma_start3A_562 = tpu.memref_slice %arg10[%dma_start3A_555] : memref<4x!tpu.dma_semaphore, #tpu.memory_space<semaphore_mem>> -> memref<1x!tpu.dma_semaphore, #tpu.memory_space<semaphore_mem>>
      %dma_start3A_563 = tpu.memref_squeeze %dma_start3A_562 : memref<1x!tpu.dma_semaphore, #tpu.memory_space<semaphore_mem>> -> memref<!tpu.dma_semaphore, #tpu.memory_space<semaphore_mem>>
      %dma_start3A_564 = arith.constant 0 : i32
      %dma_start3A_565 = tpu.memref_slice %arg5[%add3A_553, %dma_start3A_564] : memref<32768x1024xf32, #tpu.memory_space<hbm>> -> memref<8x1024xf32, #tpu.memory_space<hbm>>
      %dma_start3A_566 = arith.constant 8 : i32
      %dma_start3A_567 = arith.constant 0 : i32
      %dma_start3A_568 = tpu.memref_slice %arg6[%dma_start3A_554, %dma_start3A_566, %dma_start3A_567] : memref<4x16x1024xf32, #tpu.memory_space<vmem>> -> memref<1x8x1024xf32, #tpu.memory_space<vmem>>
      %dma_start3A_569 = tpu.memref_squeeze %dma_start3A_568 : memref<1x8x1024xf32, #tpu.memory_space<vmem>> -> memref<8x1024xf32, #tpu.memory_space<vmem>>
      tpu.enqueue_dma source(%dma_start3A_569 : memref<8x1024xf32, #tpu.memory_space<vmem>>) target(%dma_start3A_565 : memref<8x1024xf32, #tpu.memory_space<hbm>>) target_semaphore(%dma_start3A_563 : memref<!tpu.dma_semaphore, #tpu.memory_space<semaphore_mem>>)
    }
    %scan3A_60 = arith.constant 16 : i32
    %dma_wait3A = arith.constant 0 : i32
    %dma_wait3A_61 = arith.constant 0 : i32
    %dma_wait3A_62 = arith.constant 0 : i32
    %dma_wait3A_63 = arith.constant 0 : i32
    %dma_wait3A_64 = tpu.memref_slice %arg6[%dma_wait3A, %dma_wait3A_62, %dma_wait3A_63] : memref<4x16x1024xf32, #tpu.memory_space<vmem>> -> memref<1x16x1024xf32, #tpu.memory_space<vmem>>
    %dma_wait3A_65 = tpu.memref_squeeze %dma_wait3A_64 : memref<1x16x1024xf32, #tpu.memory_space<vmem>> -> memref<16x1024xf32, #tpu.memory_space<vmem>>
    %dma_wait3A_66 = arith.constant 0 : i32
    %dma_wait3A_67 = tpu.memref_slice %arg5[%mul3A_2, %dma_wait3A_66] : memref<32768x1024xf32, #tpu.memory_space<hbm>> -> memref<16x1024xf32, #tpu.memory_space<hbm>>
    %dma_wait3A_68 = tpu.memref_slice %arg10[%dma_wait3A_61] : memref<4x!tpu.dma_semaphore, #tpu.memory_space<semaphore_mem>> -> memref<1x!tpu.dma_semaphore, #tpu.memory_space<semaphore_mem>>
    %dma_wait3A_69 = tpu.memref_squeeze %dma_wait3A_68 : memref<1x!tpu.dma_semaphore, #tpu.memory_space<semaphore_mem>> -> memref<!tpu.dma_semaphore, #tpu.memory_space<semaphore_mem>>
    %dma_wait3A_70 = arith.constant 0 : i32
    %dma_wait3A_71 = tpu.memref_slice %arg5[%mul3A_2, %dma_wait3A_70] : memref<32768x1024xf32, #tpu.memory_space<hbm>> -> memref<16x1024xf32, #tpu.memory_space<hbm>>
    %dma_wait3A_72 = arith.constant 0 : i32
    %dma_wait3A_73 = arith.constant 0 : i32
    %dma_wait3A_74 = tpu.memref_slice %arg6[%dma_wait3A, %dma_wait3A_72, %dma_wait3A_73] : memref<4x16x1024xf32, #tpu.memory_space<vmem>> -> memref<1x16x1024xf32, #tpu.memory_space<vmem>>
    %dma_wait3A_75 = tpu.memref_squeeze %dma_wait3A_74 : memref<1x16x1024xf32, #tpu.memory_space<vmem>> -> memref<16x1024xf32, #tpu.memory_space<vmem>>
    tpu.wait_dma2 semaphore(%dma_wait3A_69 : memref<!tpu.dma_semaphore, #tpu.memory_space<semaphore_mem>>) src(%dma_wait3A_75 : memref<16x1024xf32, #tpu.memory_space<vmem>>) dst(%dma_wait3A_71 : memref<16x1024xf32, #tpu.memory_space<hbm>>)
    %dma_wait3A_76 = arith.constant 1 : i32
    %dma_wait3A_77 = arith.constant 1 : i32
    %dma_wait3A_78 = arith.constant 0 : i32
    %dma_wait3A_79 = arith.constant 0 : i32
    %dma_wait3A_80 = tpu.memref_slice %arg6[%dma_wait3A_76, %dma_wait3A_78, %dma_wait3A_79] : memref<4x16x1024xf32, #tpu.memory_space<vmem>> -> memref<1x16x1024xf32, #tpu.memory_space<vmem>>
    %dma_wait3A_81 = tpu.memref_squeeze %dma_wait3A_80 : memref<1x16x1024xf32, #tpu.memory_space<vmem>> -> memref<16x1024xf32, #tpu.memory_space<vmem>>
    %dma_wait3A_82 = arith.constant 0 : i32
    %dma_wait3A_83 = tpu.memref_slice %arg5[%mul3A_2, %dma_wait3A_82] : memref<32768x1024xf32, #tpu.memory_space<hbm>> -> memref<16x1024xf32, #tpu.memory_space<hbm>>
    %dma_wait3A_84 = tpu.memref_slice %arg10[%dma_wait3A_77] : memref<4x!tpu.dma_semaphore, #tpu.memory_space<semaphore_mem>> -> memref<1x!tpu.dma_semaphore, #tpu.memory_space<semaphore_mem>>
    %dma_wait3A_85 = tpu.memref_squeeze %dma_wait3A_84 : memref<1x!tpu.dma_semaphore, #tpu.memory_space<semaphore_mem>> -> memref<!tpu.dma_semaphore, #tpu.memory_space<semaphore_mem>>
    %dma_wait3A_86 = arith.constant 0 : i32
    %dma_wait3A_87 = tpu.memref_slice %arg5[%mul3A_2, %dma_wait3A_86] : memref<32768x1024xf32, #tpu.memory_space<hbm>> -> memref<16x1024xf32, #tpu.memory_space<hbm>>
    %dma_wait3A_88 = arith.constant 0 : i32
    %dma_wait3A_89 = arith.constant 0 : i32
    %dma_wait3A_90 = tpu.memref_slice %arg6[%dma_wait3A_76, %dma_wait3A_88, %dma_wait3A_89] : memref<4x16x1024xf32, #tpu.memory_space<vmem>> -> memref<1x16x1024xf32, #tpu.memory_space<vmem>>
    %dma_wait3A_91 = tpu.memref_squeeze %dma_wait3A_90 : memref<1x16x1024xf32, #tpu.memory_space<vmem>> -> memref<16x1024xf32, #tpu.memory_space<vmem>>
    tpu.wait_dma2 semaphore(%dma_wait3A_85 : memref<!tpu.dma_semaphore, #tpu.memory_space<semaphore_mem>>) src(%dma_wait3A_91 : memref<16x1024xf32, #tpu.memory_space<vmem>>) dst(%dma_wait3A_87 : memref<16x1024xf32, #tpu.memory_space<hbm>>)
    %dma_wait3A_92 = arith.constant 2 : i32
    %dma_wait3A_93 = arith.constant 2 : i32
    %dma_wait3A_94 = arith.constant 0 : i32
    %dma_wait3A_95 = arith.constant 0 : i32
    %dma_wait3A_96 = tpu.memref_slice %arg6[%dma_wait3A_92, %dma_wait3A_94, %dma_wait3A_95] : memref<4x16x1024xf32, #tpu.memory_space<vmem>> -> memref<1x16x1024xf32, #tpu.memory_space<vmem>>
    %dma_wait3A_97 = tpu.memref_squeeze %dma_wait3A_96 : memref<1x16x1024xf32, #tpu.memory_space<vmem>> -> memref<16x1024xf32, #tpu.memory_space<vmem>>
    %dma_wait3A_98 = arith.constant 0 : i32
    %dma_wait3A_99 = tpu.memref_slice %arg5[%mul3A_2, %dma_wait3A_98] : memref<32768x1024xf32, #tpu.memory_space<hbm>> -> memref<16x1024xf32, #tpu.memory_space<hbm>>
    %dma_wait3A_100 = tpu.memref_slice %arg10[%dma_wait3A_93] : memref<4x!tpu.dma_semaphore, #tpu.memory_space<semaphore_mem>> -> memref<1x!tpu.dma_semaphore, #tpu.memory_space<semaphore_mem>>
    %dma_wait3A_101 = tpu.memref_squeeze %dma_wait3A_100 : memref<1x!tpu.dma_semaphore, #tpu.memory_space<semaphore_mem>> -> memref<!tpu.dma_semaphore, #tpu.memory_space<semaphore_mem>>
    %dma_wait3A_102 = arith.constant 0 : i32
    %dma_wait3A_103 = tpu.memref_slice %arg5[%mul3A_2, %dma_wait3A_102] : memref<32768x1024xf32, #tpu.memory_space<hbm>> -> memref<16x1024xf32, #tpu.memory_space<hbm>>
    %dma_wait3A_104 = arith.constant 0 : i32
    %dma_wait3A_105 = arith.constant 0 : i32
    %dma_wait3A_106 = tpu.memref_slice %arg6[%dma_wait3A_92, %dma_wait3A_104, %dma_wait3A_105] : memref<4x16x1024xf32, #tpu.memory_space<vmem>> -> memref<1x16x1024xf32, #tpu.memory_space<vmem>>
    %dma_wait3A_107 = tpu.memref_squeeze %dma_wait3A_106 : memref<1x16x1024xf32, #tpu.memory_space<vmem>> -> memref<16x1024xf32, #tpu.memory_space<vmem>>
    tpu.wait_dma2 semaphore(%dma_wait3A_101 : memref<!tpu.dma_semaphore, #tpu.memory_space<semaphore_mem>>) src(%dma_wait3A_107 : memref<16x1024xf32, #tpu.memory_space<vmem>>) dst(%dma_wait3A_103 : memref<16x1024xf32, #tpu.memory_space<hbm>>)
    %dma_wait3A_108 = arith.constant 3 : i32
    %dma_wait3A_109 = arith.constant 3 : i32
    %dma_wait3A_110 = arith.constant 0 : i32
    %dma_wait3A_111 = arith.constant 0 : i32
    %dma_wait3A_112 = tpu.memref_slice %arg6[%dma_wait3A_108, %dma_wait3A_110, %dma_wait3A_111] : memref<4x16x1024xf32, #tpu.memory_space<vmem>> -> memref<1x16x1024xf32, #tpu.memory_space<vmem>>
    %dma_wait3A_113 = tpu.memref_squeeze %dma_wait3A_112 : memref<1x16x1024xf32, #tpu.memory_space<vmem>> -> memref<16x1024xf32, #tpu.memory_space<vmem>>
    %dma_wait3A_114 = arith.constant 0 : i32
    %dma_wait3A_115 = tpu.memref_slice %arg5[%mul3A_2, %dma_wait3A_114] : memref<32768x1024xf32, #tpu.memory_space<hbm>> -> memref<16x1024xf32, #tpu.memory_space<hbm>>
    %dma_wait3A_116 = tpu.memref_slice %arg10[%dma_wait3A_109] : memref<4x!tpu.dma_semaphore, #tpu.memory_space<semaphore_mem>> -> memref<1x!tpu.dma_semaphore, #tpu.memory_space<semaphore_mem>>
    %dma_wait3A_117 = tpu.memref_squeeze %dma_wait3A_116 : memref<1x!tpu.dma_semaphore, #tpu.memory_space<semaphore_mem>> -> memref<!tpu.dma_semaphore, #tpu.memory_space<semaphore_mem>>
    %dma_wait3A_118 = arith.constant 0 : i32
    %dma_wait3A_119 = tpu.memref_slice %arg5[%mul3A_2, %dma_wait3A_118] : memref<32768x1024xf32, #tpu.memory_space<hbm>> -> memref<16x1024xf32, #tpu.memory_space<hbm>>
    %dma_wait3A_120 = arith.constant 0 : i32
    %dma_wait3A_121 = arith.constant 0 : i32
    %dma_wait3A_122 = tpu.memref_slice %arg6[%dma_wait3A_108, %dma_wait3A_120, %dma_wait3A_121] : memref<4x16x1024xf32, #tpu.memory_space<vmem>> -> memref<1x16x1024xf32, #tpu.memory_space<vmem>>
    %dma_wait3A_123 = tpu.memref_squeeze %dma_wait3A_122 : memref<1x16x1024xf32, #tpu.memory_space<vmem>> -> memref<16x1024xf32, #tpu.memory_space<vmem>>
    tpu.wait_dma2 semaphore(%dma_wait3A_117 : memref<!tpu.dma_semaphore, #tpu.memory_space<semaphore_mem>>) src(%dma_wait3A_123 : memref<16x1024xf32, #tpu.memory_space<vmem>>) dst(%dma_wait3A_119 : memref<16x1024xf32, #tpu.memory_space<hbm>>)
    return
  }
}

</mosaic_0001>

<sc_bundles>
// kernel: kernel.3.cloned.1.call-start
scs
__scs_entry_jumppad:
0x0: {  	(pc) =	sbr.rel $0x88, $3  }
0x1: {  	(tag) =	ssettag $0x0;
	lr =	simm.s32 $0x1  }
0x2: {  	[smem:$0x3F9E] =	sst lr;
	_ =	strace $0xD0000000  }
0x3: {  	_ = 	snop  }
0x4: {  	_ = 	snop  }
0x5: {  	_ = 	snop  }
0x6: {  	_ = 	snop  }
0x7: {  	_ = 	snop  }
__scs_overlays_trampoline_lowered:
0x8: {  	[smem:$0x3FAD] =	sst s0  }
0x9: {  	[smem:$0x3FAE] =	sst s1  }
0xa: {  	[smem:$0x3FAF] =	sst s2  }
0xb: {  	[smem:$0x3FB0] =	sst s3  }
0xc: {  	[smem:$0x3FB1] =	sst s4  }
0xd: {  	[smem:$0x3FB2] =	sst s5  }
0xe: {  	[smem:$0x3FB3] =	sst s6  }
0xf: {  	[smem:$0x3FB4] =	sst s7  }
0x10: {  	[smem:$0x3FB5] =	sst s8  }
0x11: {  	[smem:$0x3FB6] =	sst s9;
	s0 =	simm.s32 @!p0 $0x0  }
0x12: {  	s1 =	sld [smem:$0x3F9C];
	s0 =	simm.s32 @p0 $0x1  }
0x13: {  	[smem:$0x3FB7] =	sst s0;
	s0 =	simm.s32 @!p1 $0x0  }
0x14: {  	s2 =	sld [smem:$0x3F9B];
	s0 =	simm.s32 @p1 $0x1  }
0x15: {  	[smem:$0x3FB8] =	sst s0;
	s0 =	simm.s32 @!p2 $0x0  }
0x16: {  	s3 =	sld [smem:$0x3FDB];
	s0 =	simm.s32 @p2 $0x1  }
0x17: {  	s4 =	simm.s32 $0x1BF5;
	[smem:$0x3FBA] =	sst s0  }
0x18: {  	s0 =	sld [smem:$0x3F9D];
	_ =	swait.ge [sflag:s4], $0x0  }
0x19: {  	s7 =	sld [smem:$0x3F9E]  }
0x1a: {  	s8 =	sadd.s32 $0xFFFFE003, lr  }
0x1b: {  	s9 =	sadd.s32 $0xFFFFFEF7, lr;
	s5 =	simm.s32 $0xFFFFFFFF;
	p2 =	slt.u32 s8, $0xFFFFF086  }
0x1c: {  	p1 =	slt.u32 s9, $0xF7A;
	s5 =	simm.s32 @!p2 $0x0  }
0x1d: {  	s5 =	simm.s32 @p1 $0x1;
	p0 =	seq.s32 s7, s2  }
0x1e: {  	s7 =	smul.u32 @!p0 $0xF7A, s2;
	p2 =	seq.s32 @!p0 s5, $0x0  }
0x1f: {  	s9 =	smul.u32 $0xF7A, s1;
	s8 =	simm.s32 @!p0 $0x1BF5;
	p2 =	por !p2, p0  }
0x20: {  	[sflag:s8] =	ssyncset.s32 @!p0 $0xFFFFF086;
	s6 =	sadd.s32 @!p0 s3, s7;
	s7 =	simm.s32 @!p0 $0x108  }
0x21: {  	s3 =	sadd.s32 s3, s9;
	s6 =	sadd.s32 @!p0 $0x88, s6;
	s7 =	simm.s32 @p2 $0x1082  }
0x22: {  	[simem:s7], [sflag:s8] =	dma.local @!p0 [hbm:s6], $0xF7A  }
0x23: {  	s9 =	sor.u32 $0xD0000000, s2;
	s6 =	simm.s32 $0x108;
	_ =	swait.ge @!p0 [sflag:s8], $0x0  }
0x24: {  	s3 =	sadd.s32 $0x88, s3;
	s6 =	simm.s32 @!p1 $0x1082;
	[sflag:s4] =	ssyncset.s32 $0xFFFFF086  }
0x25: {  	[simem:s6], [sflag:s4] =	dma.local [hbm:s3], $0xF7A  }
0x26: {  	[smem:$0x3F9E] =	sst s1;
	(tag) =	ssettag s2;
	_ =	strace s9  }
0x27: {  	s1 =	sld [smem:$0x3FAE]  }
0x28: {  	s2 =	sld [smem:$0x3FAF]  }
0x29: {  	s4 =	sld [smem:$0x3FB1]  }
0x2a: {  	p0 =	seq.s32 s5, $0x0;
	s5 =	sld [smem:$0x3FB2]  }
0x2b: {  	s6 =	sld [smem:$0x3FB3]  }
0x2c: {  	s7 =	sld [smem:$0x3FB4]  }
0x2d: {  	s3 =	simm.s32 $0x108;
	s8 =	sld [smem:$0x3FB5]  }
0x2e: {  	s3 =	simm.s32 @!p0 $0x1082;
	s9 =	sld [smem:$0x3FB6]  }
0x2f: {  	lr =	sadd.s32 s0, s3;
	s0 =	sld [smem:$0x3FAD]  }
0x30: {  	s3 =	sld [smem:$0x3FB0]  }
0x31: {  	[smem:$0x3FB9] =	sst s10  }
0x32: {  	s10 =	sld [smem:$0x3FB7];
	_ =	sdelay $0x3  }
0x33: {  	p0 =	seq.s32 s10, $0x1;
	s10 =	sld [smem:$0x3FB9];
	_ =	sdelay $0x3  }
0x34: {  	[smem:$0x3FB9] =	sst s10  }
0x35: {  	s10 =	sld [smem:$0x3FB8];
	_ =	sdelay $0x3  }
0x36: {  	p1 =	seq.s32 s10, $0x1;
	s10 =	sld [smem:$0x3FB9];
	_ =	sdelay $0x3  }
0x37: {  	[smem:$0x3FB9] =	sst s10  }
0x38: {  	s10 =	sld [smem:$0x3FBA]  }
0x39: {  	_ = 	snop;
	(pc) =	sbr.ind lr, $3  }
0x3a: {  	_ = 	snop  }
0x3b: {  	_ = 	snop  }
0x3c: {  	p2 =	seq.s32 s10, $0x1;
	s10 =	sld [smem:$0x3FB9]  }
0x3d: {  	_ =	shalt  }
0x3e: {  	_ =	shalt  }
0x3f: {  	_ =	shalt  }
0x40: {  	_ =	shalt  }
0x41: {  	_ =	shalt  }
0x42: {  	_ =	shalt  }
0x43: {  	_ =	shalt  }
0x44: {  	_ =	shalt  }
0x45: {  	_ =	shalt  }
0x46: {  	_ =	shalt  }
0x47: {  	_ =	shalt  }
0x48: {  	_ =	shalt  }
0x49: {  	_ =	shalt  }
0x4a: {  	_ =	shalt  }
0x4b: {  	_ =	shalt  }
0x4c: {  	_ =	shalt  }
0x4d: {  	_ =	shalt  }
0x4e: {  	_ =	shalt  }
0x4f: {  	_ =	shalt  }
0x50: {  	_ =	shalt  }
0x51: {  	_ =	shalt  }
0x52: {  	_ =	shalt  }
0x53: {  	_ =	shalt  }
0x54: {  	_ =	shalt  }
0x55: {  	_ =	shalt  }
0x56: {  	_ =	shalt  }
0x57: {  	_ =	shalt  }
0x58: {  	_ =	shalt  }
0x59: {  	_ =	shalt  }
0x5a: {  	_ =	shalt  }
0x5b: {  	_ =	shalt  }
0x5c: {  	_ =	shalt  }
0x5d: {  	_ =	shalt  }
0x5e: {  	_ =	shalt  }
0x5f: {  	_ =	shalt  }
0x60: {  	_ =	shalt  }
0x61: {  	_ =	shalt  }
0x62: {  	_ =	shalt  }
0x63: {  	_ =	shalt  }
0x64: {  	_ =	shalt  }
0x65: {  	_ =	shalt  }
0x66: {  	_ =	shalt  }
0x67: {  	_ =	shalt  }
0x68: {  	_ =	shalt  }
0x69: {  	_ =	shalt  }
0x6a: {  	_ =	shalt  }
0x6b: {  	_ =	shalt  }
0x6c: {  	_ =	shalt  }
0x6d: {  	_ =	shalt  }
0x6e: {  	_ =	shalt  }
0x6f: {  	_ =	shalt  }
0x70: {  	_ =	shalt  }
0x71: {  	_ =	shalt  }
0x72: {  	_ =	shalt  }
0x73: {  	_ =	shalt  }
0x74: {  	_ =	shalt  }
0x75: {  	_ =	shalt  }
0x76: {  	_ =	shalt  }
0x77: {  	_ =	shalt  }
0x78: {  	_ =	shalt  }
0x79: {  	_ =	shalt  }
0x7a: {  	_ =	shalt  }
0x7b: {  	_ =	shalt  }
0x7c: {  	_ =	shalt  }
0x7d: {  	_ =	shalt  }
0x7e: {  	_ =	shalt  }
0x7f: {  	_ =	shalt  }
0x80: {  	_ =	shalt  }
0x81: {  	_ =	shalt  }
0x82: {  	_ =	shalt  }
0x83: {  	_ =	shalt  }
0x84: {  	_ =	shalt  }
0x85: {  	_ =	shalt  }
0x86: {  	_ =	shalt  }
0x87: {  	_ =	shalt  }
.Lfunc_end0:
.L_simem_size_0:
called_computation_lowered:
.L_overlay_start_0:
0x88: {  	s2 =	sld [smem:$0x3FD9]  }
0x89: {  	s3 =	sld [smem:$0x3FFE];
	_ =	sdelay $0x1  }
0x8a: {  	s1 =	srdreg.scid  }
0x8b: {  	s0 =	sand.u32 $0x1, s1  }
0x8c: {  	s17 =	sshll.u32 s0, $0xA;
	s2 =	sadd.s32 s3, s2  }
0x8d: {  	s2 =	sadd.s32 s2, s17  }
0x8e: {  	[smem:$0x3FC5] =	sst s2  }
0x8f: {  	_ = 	snop  }
0x90: {  	s2 =	sld [smem:$0x3FC9]  }
0x91: {  	s18 =	sld [smem:$0x3FC7]  }
0x92: {  	s4 =	sld [smem:$0x3FD0];
	(tm) =	ssettm $0x1  }
0x93: {  	s5 =	sld [smem:$0x3FFB];
	_ =	sdelay $0x3  }
0x94: {  	_ =	strace s5  }
0x95: {  	s5 =	sld [smem:$0x3FFC];
	_ =	sdelay $0x3  }
0x96: {  	_ =	strace s5  }
0x97: {  	s5 =	sld [smem:$0x3FFD];
	_ =	sdelay $0x3  }
0x98: {  	_ =	strace s5  }
0x99: {  	_ =	strace $0x8FFFFFFF  }
0x9a: {  	s19 =	sld [smem:$0x3FDB];
	_ =	sdelay $0x1  }
0x9b: {  	s6 =	simm.s32 $_scs_section_size  }
0x9c: {  	s7 =	simm.s32 $_size__tile_overlayer_lowered;
	s8 =	simm.s32 $_tile_overlayer_lowered  }
0x9d: {  	s22 =	simm.s32 $0x1BFF;
	s21 =	sshll.u32 s8, $0x1;
	s5 =	sadd.s32 s6, s19  }
0x9e: {  	s9 =	simm.s32 $0x0;
	s20 =	sshll.u32 s7, $0x1;
	s7 =	sadd.s32 s21, s5  }
0x9f: {  	[timem:s9], [sflag:s22] =	dma.local [hbm:s7], s20  }
0xa0: {  	_ =	swait.ge [sflag:s22], s20  }
0xa1: {  	s6 =	ssub.s32 $0x0, s20;
	[sflag:s22] =	ssyncset.done $0x0  }
0xa2: {  	[sflag:s22] =	ssyncadd.s32 s6;
	_ =	sdelay $0x1  }
0xa3: {  	s23 =	simm.s32 $0x1B8B  }
0xa4: {  	_ =	swait.ge [sflag:s23], $0x1  }
0xa5: {  	[sflag:s23] =	ssyncset.done $0x0  }
0xa6: {  	s25 =	simm.s32 $0x1B8E;
	s24 =	sld [smem:$0x3FFE];
	[sflag:s23] =	ssyncadd.s32 $0xFFFFFFFF  }
0xa7: {  	s26 =	simm.s32 $execute0_lowered;
	[smem:$0x3FD2] =	sst s25  }
0xa8: {  	s7 =	sshll.u32 s26, $0x1;
	_ =	strace $0x80000046;
	[dreg:$0x1] =	wrdreg $0xFFFFFFFF  }
0xa9: {  	s28 =	simm.s32 $_size_execute0_lowered;
	s5 =	sadd.s32 s5, s7;
	[dreg:$0x0] =	wrdreg $0x0  }
0xaa: {  	s7 =	sshll.u32 s28, $0x1;
	[dreg:$0x2] =	wrdreg s5  }
0xab: {  	[dreg:$0x3] =	wrdreg s7  }
0xac: {  	[dreg:$0x4] =	wrdreg $0xC0  }
0xad: {  	_ =	task [dreg:s9], $0x5FFFF  }
0xae: {  	[dreg:$0x1] =	wrdreg $0xFFFFFFFF  }
0xaf: {  	[dreg:$0x0] =	wrdreg $0x60  }
0xb0: {  	[dreg:$0x2] =	wrdreg s2  }
0xb1: {  	[dreg:$0x3] =	wrdreg s24  }
0xb2: {  	[dreg:$0x4] =	wrdreg s18  }
0xb3: {  	[dreg:$0x5] =	wrdreg s4  }
0xb4: {  	[dreg:$0x6] =	wrdreg $0x9  }
0xb5: {  	_ =	task.clear_ibuf [dreg:s9], $0x7FFFF;
	_ =	strace $0x90000046  }
0xb6: {  	s29 =	simm.s32 $0x9;
	_ =	strace $0x80000048  }
0xb7: {  	_ =	swait.ge [sflag:s29], $0x1  }
0xb8: {  	[sflag:s29] =	ssyncadd.s32 $0xFFFFFFFF  }
0xb9: {  	_ =	strace $0x90000048  }
0xba: {  	_ =	sfence  }
0xbb: {  	s30 =	sld [smem:$0x0];
	_ =	sdelay $0x2  }
0xbc: {  	s31 =	sshll.u32 s1, $0xD;
	s1 =	sshrl.u32 s1, $0x2  }
0xbd: {  	s3 =	sand.u32 $0x4000, s31;
	s1 =	sadd.s32 s1, s30  }
0xbe: {  	s0 =	sor.u32 s3, s0;
	s1 =	sshll.u32 s1, $0x11  }
0xbf: {  	s0 =	sor.u32 s1, s0  }
0xc0: {  	s0 =	sadd.s32 $0x8F2B, s0  }
0xc1: {  	[sflag:s0] =	ssyncadd.remote.s32 $0x1  }
0xc2: {  	_ =	sfence.sel $0xFFFF  }
0xc3: {  	[dreg:$0x0] =	wrdreg $0xFFFFFFFF;
	(pc) =	sbr.abs _section_cstart, $3  }
0xc4: {  	[dreg:$0x1] =	wrdreg $0xFFFFFFFF  }
0xc5: {  	_ =	task.clear_ibuf [dreg:s9], $0x2FFFF;
	_ =	strace $0x9FFFFFFF  }
0xc6: {  	(tm) =	ssettm $0x7FFFFFFF  }
0xc7: {  	_ =	shalt  }
tec
execute0_lowered:
.L_overlay_start_1:
0x0: {  	(tag) =	ssettag $0x1  }
0x1: {  	s0 =	rddreg [dreg:$0x0]  }
0x2: {  	s2 =	srdreg.scid;
	s5 =	stileid.u32  }
0x3: {  	s1 =	rddreg [dreg:$0x1];
	s2 =	sand.u32 $0x1, s2;
	s5 =	sshll.u32 s5, $0x1  }
0x4: {  	s3 =	rddreg [dreg:$0x3];
	s5 =	sor.u32 s2, s5  }
0x5: {  	s4 =	simm.s32 $0x0;
	s6 =	sshll.u32 s5, $0xA;
	s5 =	sshll.u32 s5, $0x11  }
0x6: {  	[smem:$0x7FF] =	sst s4;
	s1 =	sadd.s32 s6, s1;
	s0 =	sadd.s32 s0, s5  }
0x7: {  	_ =	strace $0x80000047;
	s1 =	sadd.s32 $0x400, s1;
	[dreg:$0x1a] =	wrdreg s0  }
0x8: {  	s26 =	sadd.s32 $0x800, s0;
	[dreg:$0x1b] =	wrdreg s1  }
0x9: {  	s28 =	sadd.s32 $0x1000, s0;
	[dreg:$0x1c] =	wrdreg s26  }
0xa: {  	s2 =	ssub.s32 $0x2, s2;
	s29 =	sadd.s32 $0x2000, s0;
	[dreg:$0x1d] =	wrdreg s28  }
0xb: {  	s7 =	sshrl.u32 s2, $0x1;
	s30 =	sadd.s32 $0x2800, s0;
	[dreg:$0x1e] =	wrdreg s29  }
0xc: {  	s2 =	ssub.s32 s2, s7;
	s0 =	sadd.s32 $0x3000, s0;
	[dreg:$0x1f] =	wrdreg s30  }
0xd: {  	s10 =	sadd.s32 $0x400, s3;
	s31 =	smax.u32 s2, $0x1;
	[smem:$0x7FC] =	sst s0  }
0xe: {  	s2 =	simm.s32 $0x0;
	[smem:$0x7FD] =	sst s31;
	s26 =	simm.s32 $0xC000  }
.LBB2_1:
0xf: {  	[smem:$0x7FB] =	sst s2  }
0x10: {  	s0 =	rddreg [dreg:$0x2];
	s1 =	simm.s32 $0x10000;
	s22 =	simm.s32 $0x9  }
0x11: {  	[tilespmem:s1], [sflag:$0x9] =	stream.linear.gather [hbm4b:s0+s4], $0x4000, $0x38;
	[tilespmem:$0x16000] =	vst v63  }
0x12: {  	_ =	swait.ge [sflag:s22], $0x4000  }
0x13: {  	[sflag:s22] =	ssyncset.done $0x0  }
0x14: {  	s24 =	simm.s32 $0x14000;
	s23 =	rddreg [dreg:$0x1b];
	[sflag:s22] =	ssyncadd.s32 $0xFFFFC000  }
0x15: {  	[tilespmem:s24], [sflag:$0x9] =	stream.linear.gather [hbm4b:s23+s4], $0x2000, $0x38;
	[tilespmem:$0x16000] =	vst v63  }
0x16: {  	_ =	swait.ge [sflag:s22], $0x2000  }
0x17: {  	[sflag:s22] =	ssyncset.done $0x0  }
0x18: {  	s25 =	rddreg [dreg:$0x1a];
	[sflag:s22] =	ssyncadd.s32 $0xFFFFE000  }
0x19: {  	[tilespmem:s4], [sflag:$0x1] =	stream.linear.gather [hbm4b:s25+s4], $0x4000, $0x38;
	[tilespmem:$0x16000] =	vst v63  }
0x1a: {  	s29 =	simm.s32 $0x4000;
	s28 =	rddreg [dreg:$0x1c]  }
0x1b: {  	[tilespmem:s29], [sflag:$0x2] =	stream.linear.gather [hbm4b:s28+s4], $0x4000, $0x38;
	[tilespmem:$0x16000] =	vst v63  }
0x1c: {  	s31 =	simm.s32 $0x8000;
	s15 =	simm.s32 $0x0;
	s30 =	rddreg [dreg:$0x1d]  }
0x1d: {  	[tilespmem:s31], [sflag:$0x3] =	stream.linear.gather [hbm4b:s30+s4], $0x4000, $0x38;
	[tilespmem:$0x16000] =	vst v63  }
.LBB2_2:
0x1e: {  	s0 =	simm.s32 $0x1  }
0x1f: {  	_ =	swait.ge [sflag:s0], $0x4000  }
0x20: {  	p0 =	seq.s32 s15, $0x0;
	[sflag:s0] =	ssyncset.done $0x0  }
0x21: {  	s7 =	sshllo.u32 s15, $0x2;
	[sflag:s0] =	ssyncadd.s32 $0xFFFFC000;
	s0 =	simm.s32 @!p0 $0x8  }
0x22: {  	s16 =	sshll.u32 s15, $0xB;
	s17 =	sshll.u32 s7, $0xB;
	_ =	swait.ge @!p0 [sflag:s0], $0x4000  }
0x23: {  	s30 =	sshrl.u32 s16, $0x2;
	[sflag:s0] =	ssyncset.done @!p0 $0x0;
	s14 =	rddreg [dreg:$0x1a]  }
0x24: {  	[sflag:s0] =	ssyncadd.s32 @!p0 $0xFFFFC000;
	s1 =	sadd.s32 s17, s14;
	s0 =	simm.s32 $0x0  }
0x25: {  	[tilespmem:s26], [sflag:$0x4] =	stream.linear.gather [hbm4b:s1+s0], $0x4000, $0x38;
	[tilespmem:$0x16000] =	vst v63  }
0x26: {  	v4 =	vld [tilespmem:s30+$0x14000];
	_ =	sdelay $0x4  }
0x27: {  	(v2sf) =	vpush v4, $0x0;
	_ =	sdelay $0x2  }
0x28: {  	(v2sf) =	vpush v4, $0x1;
	_ =	sdelay $0x5  }
0x29: {  	(v2sf) =	vpush v4, $0x2;
	_ =	sdelay $0x5  }
0x2a: {  	s18 =	spop (v2sf);
	(v2sf) =	vpush v4, $0x3  }
0x2b: {  	s2 =	sshll.u32 s18, $0xA;
	s1 =	sshll.u32 s18, $0x7  }
0x2c: {  	s21 =	sand.u32 $0x1C00, s0;
	s2 =	sand.u32 $0xFFFFE000, s2;
	s1 =	sand.u32 $0x380, s1  }
0x2d: {  	s9 =	sand.u32 $0x70, s0;
	s6 =	spop (v2sf);
	s1 =	sor.u32 s1, s2  }
0x2e: {  	s19 =	sshll.u32 s6, $0xA;
	s20 =	sshll.u32 s6, $0x7;
	s8 =	sadd.s32 $0x10000, s1  }
0x2f: {  	s2 =	sand.u32 $0x380, s20;
	s1 =	sand.u32 $0xFFFFE000, s19;
	s11 =	sadd.s32 s21, s8  }
0x30: {  	(v2sf) =	vpush v4, $0x4;
	s1 =	sor.u32 s2, s1;
	s22 =	sadd.s32 s9, s11  }
0x31: {  	s1 =	sadd.s32 $0x10000, s1;
	v1 =	vld [tilespmem:s22+$0x0]  }
0x32: {  	v0 =	vmov s1  }
0x33: {  	s23 =	spop (v2sf)  }
0x34: {  	s24 =	sshll.u32 s23, $0xA;
	s1 =	sshll.u32 s23, $0x7  }
0x35: {  	s16 =	sor.u32 s9, s21;
	s2 =	sand.u32 $0xFFFFE000, s24;
	s1 =	sand.u32 $0x380, s1  }
0x36: {  	(v2sf) =	vpush v4, $0x5;
	s1 =	sor.u32 s1, s2;
	[tilespmem:s16+$0x0] =	vst.add.f32.msk $0xffff, v1  }
0x37: {  	s1 =	sadd.s32 $0x10000, s1;
	v2 =	vld.idx.msk [tilespmem:v0+s16+$0x0 ss:$0x1], $0xffff  }
0x38: {  	v1 =	vmov s1  }
0x39: {  	s25 =	spop (v2sf)  }
0x3a: {  	s9 =	sor.u32 $0x80, s16;
	s26 =	sshll.u32 s25, $0xA;
	s2 =	sshll.u32 s25, $0x7  }
0x3b: {  	s1 =	sand.u32 $0xFFFFE000, s26;
	s28 =	sand.u32 $0x380, s2;
	s2 =	simm.s32 $0x80  }
0x3c: {  	(v2sf) =	vpush v4, $0x6;
	s6 =	sor.u32 s28, s1;
	s1 =	simm.s32 $0x10;
	s29 =	sand.u32 $0x1C00, s2;
	[tilespmem:s9+$0x0] =	vst.add.f32.msk $0xffff, v2  }
0x3d: {  	s6 =	sadd.s32 $0x10000, s6;
	s31 =	sand.u32 $0x70, s1;
	s12 =	sadd.s32 s29, s8;
	v3 =	vld.idx.msk [tilespmem:v1+s16+$0x0 ss:$0x1], $0xffff  }
0x3e: {  	v2 =	vmov s6;
	s14 =	sadd.s32 s31, s12  }
0x3f: {  	s18 =	spop (v2sf);
	v5 =	vld [tilespmem:s14+$0x0]  }
0x40: {  	s19 =	sshll.u32 s18, $0xA;
	s12 =	sshll.u32 s18, $0x7  }
0x41: {  	s13 =	sor.u32 $0x100, s16;
	s6 =	sand.u32 $0xFFFFE000, s19;
	s12 =	sand.u32 $0x380, s12  }
0x42: {  	(v2sf) =	vpush v4, $0x7;
	s6 =	sor.u32 s12, s6;
	[tilespmem:s13+$0x0] =	vst.add.f32.msk $0xffff, v3  }
0x43: {  	s18 =	sor.u32 s31, s29;
	s14 =	simm.s32 $0x100;
	s6 =	sadd.s32 $0x10000, s6;
	v6 =	vld.idx.msk [tilespmem:v2+s16+$0x0 ss:$0x1], $0xffff  }
0x44: {  	s22 =	simm.s32 $0x20;
	s20 =	sand.u32 $0x1C00, s14;
	v3 =	vmov s6;
	[tilespmem:s18+$0x0] =	vst.add.f32.msk $0xffff, v5  }
0x45: {  	s23 =	sand.u32 $0x70, s22;
	s21 =	spop (v2sf);
	s24 =	sadd.s32 s20, s8;
	v5 =	vld.idx.msk [tilespmem:v0+s18+$0x0 ss:$0x1], $0xffff  }
0x46: {  	s25 =	sshll.u32 s21, $0xA;
	s9 =	sshll.u32 s21, $0x7;
	s12 =	sadd.s32 s23, s24  }
0x47: {  	s26 =	sor.u32 $0x180, s16;
	s9 =	sand.u32 $0x380, s9;
	s13 =	sand.u32 $0xFFFFE000, s25;
	v7 =	vld [tilespmem:s12+$0x0]  }
0x48: {  	s9 =	sor.u32 s9, s13;
	[tilespmem:s26+$0x0] =	vst.add.f32.msk $0xffff, v6  }
0x49: {  	s28 =	sor.u32 $0x80, s18;
	s9 =	sadd.s32 $0x10000, s9;
	v6 =	vld.idx.msk [tilespmem:v3+s16+$0x0 ss:$0x1], $0xffff  }
0x4a: {  	v4 =	vmov s9;
	[tilespmem:s28+$0x0] =	vst.add.f32.msk $0xffff, v5  }
0x4b: {  	s19 =	sor.u32 s23, s20;
	s29 =	spop (v2sf);
	v8 =	vld.idx.msk [tilespmem:v1+s18+$0x0 ss:$0x1], $0xffff  }
0x4c: {  	[tilespmem:s19+$0x0] =	vst.add.f32.msk $0xffff, v7;
	s31 =	sshll.u32 s29, $0xA;
	s9 =	sshll.u32 s29, $0x7  }
0x4d: {  	s13 =	sor.u32 $0x200, s16;
	v10 =	vld.idx.msk [tilespmem:v0+s19+$0x0 ss:$0x1], $0xffff;
	s12 =	sand.u32 $0xFFFFE000, s31;
	s9 =	sand.u32 $0x380, s9  }
0x4e: {  	s11 =	simm.s32 $0x30;
	s6 =	sor.u32 s9, s12;
	[tilespmem:s13+$0x0] =	vst.add.f32.msk $0xffff, v6  }
0x4f: {  	s20 =	sor.u32 $0x100, s18;
	s24 =	simm.s32 $0x180;
	s6 =	sadd.s32 $0x10000, s6;
	v6 =	vld.idx.msk [tilespmem:v4+s16+$0x0 ss:$0x1], $0xffff  }
0x50: {  	s23 =	sand.u32 $0x70, s11;
	s21 =	sand.u32 $0x1C00, s24;
	v5 =	vmov s6;
	[tilespmem:s20+$0x0] =	vst.add.f32.msk $0xffff, v8  }
0x51: {  	s25 =	sadd.s32 s21, s8;
	s28 =	spop (v2sf);
	s31 =	sor.u32 $0x80, s19;
	v7 =	vld.idx.msk [tilespmem:v2+s18+$0x0 ss:$0x1], $0xffff  }
0x52: {  	s9 =	sadd.s32 s23, s25;
	s29 =	sshll.u32 s28, $0xA;
	s13 =	sshll.u32 s28, $0x7;
	[tilespmem:s31+$0x0] =	vst.add.f32.msk $0xffff, v10  }
0x53: {  	s26 =	sor.u32 $0x280, s16;
	s13 =	sand.u32 $0x380, s13;
	v8 =	vld [tilespmem:s9+$0x0];
	s9 =	sand.u32 $0xFFFFE000, s29  }
0x54: {  	s13 =	sor.u32 s13, s9;
	[tilespmem:s26+$0x0] =	vst.add.f32.msk $0xffff, v6  }
0x55: {  	s20 =	sor.u32 $0x180, s18;
	s13 =	sadd.s32 $0x10000, s13;
	v9 =	vld.idx.msk [tilespmem:v5+s16+$0x0 ss:$0x1], $0xffff  }
0x56: {  	v6 =	vmov s13;
	[tilespmem:s20+$0x0] =	vst.add.f32.msk $0xffff, v7  }
0x57: {  	s12 =	simm.s32 $0x180;
	s6 =	sor.u32 s23, s21;
	v7 =	vld.idx.msk [tilespmem:v3+s18+$0x0 ss:$0x1], $0xffff  }
0x58: {  	s21 =	simm.s32 $0x40;
	v10 =	vld.idx.msk [tilespmem:v1+s19+$0x0 ss:$0x1], $0xffff;
	s9 =	sshll.u32 s15, $0x2;
	s13 =	simm.s32 $0x0  }
.LBB2_3:
0x59: {  	p0 =	sne.s32 s21, $0x3F0;
	[tilespmem:s6+$0x0] =	vst.add.f32.msk $0xffff, v8;
	s20 =	sor.u32 $0x300, s16  }
0x5a: {  	[tilespmem:s20+$0x0] =	vst.add.f32.msk $0xffff, v9  }
0x5b: {  	s20 =	sor.u32 $0x200, s18;
	v8 =	vld.idx.msk [tilespmem:v6+s16+$0x0 ss:$0x1], $0xffff;
	s16 =	smov.u32 s18;
	s18 =	smov.u32 s19  }
0x5c: {  	s19 =	smov.u32 s6;
	[tilespmem:s20+$0x0] =	vst.add.f32.msk $0xffff, v7  }
0x5d: {  	s6 =	sor.u32 $0x100, s18;
	v7 =	vld.idx.msk [tilespmem:v4+s16+$0x0 ss:$0x1], $0xffff  }
0x5e: {  	s24 =	sadd.s32 $0x80, s24;
	[tilespmem:s6+$0x0] =	vst.add.f32.msk $0xffff, v10  }
0x5f: {  	s0 =	sor.u32 s13, s0;
	s13 =	smov.u32 s2;
	s6 =	sand.u32 $0x1C00, s24;
	v10 =	vld.idx.msk [tilespmem:v2+s18+$0x0 ss:$0x1], $0xffff  }
0x60: {  	s0 =	sor.u32 $0x380, s0;
	s20 =	sand.u32 $0x70, s21;
	s2 =	sadd.s32 s6, s8;
	v11 =	vld.idx.msk [tilespmem:v0+s19+$0x0 ss:$0x1], $0xffff  }
0x61: {  	s23 =	sadd.s32 s20, s2;
	s2 =	smov.u32 s14;
	s14 =	smov.u32 s12;
	[tilespmem:s0+$0x0] =	vst.add.f32.msk $0xffff, v8  }
0x62: {  	s12 =	smov.u32 s24;
	s0 =	smov.u32 s1;
	v8 =	vld [tilespmem:s23+$0x0];
	s23 =	sor.u32 $0x280, s16  }
0x63: {  	s1 =	smov.u32 s22;
	s22 =	smov.u32 s11;
	s11 =	smov.u32 s21;
	[tilespmem:s23+$0x0] =	vst.add.f32.msk $0xffff, v7  }
.Ltmp0:
0x64: {  	s23 =	sor.u32 $0x180, s18;
	v9 =	vld.idx.msk [tilespmem:v5+s16+$0x0 ss:$0x1], $0xffff;
	(pc) =	sbr.rel @p0 .LBB2_3-.Ltmp0, $4  }
0x65: {  	[tilespmem:s23+$0x0] =	vst.add.f32.msk $0xffff, v10  }
0x66: {  	s23 =	sor.u32 $0x80, s19;
	v7 =	vld.idx.msk [tilespmem:v3+s18+$0x0 ss:$0x1], $0xffff  }
0x67: {  	[tilespmem:s23+$0x0] =	vst.add.f32.msk $0xffff, v11  }
0x68: {  	s6 =	sor.u32 s20, s6;
	s21 =	sadd.s32 $0x10, s21;
	v10 =	vld.idx.msk [tilespmem:v1+s19+$0x0 ss:$0x1], $0xffff  }
0x69: {  	_ =	sdelay $0x2  }
0x6a: {  	[tilespmem:s6+$0x0] =	vst.add.f32.msk $0xffff, v8  }
0x6b: {  	v0 =	vld.idx.msk [tilespmem:v0+s6+$0x0 ss:$0x1], $0xffff;
	_ =	sdelay $0x3  }
0x6c: {  	s8 =	sor.u32 $0x80, s6  }
0x6d: {  	[tilespmem:s8+$0x0] =	vst.add.f32.msk $0xffff, v0  }
0x6e: {  	v0 =	vld.idx.msk [tilespmem:v1+s6+$0x0 ss:$0x1], $0xffff  }
0x6f: {  	s21 =	sor.u32 $0x100, s19  }
0x70: {  	[tilespmem:s21+$0x0] =	vst.add.f32.msk $0xffff, v10  }
0x71: {  	s24 =	sor.u32 $0x300, s16;
	v1 =	vld.idx.msk [tilespmem:v2+s19+$0x0 ss:$0x1], $0xffff  }
0x72: {  	s23 =	sor.u32 $0x100, s6;
	[tilespmem:s24+$0x0] =	vst.add.f32.msk $0xffff, v9  }
0x73: {  	[tilespmem:s23+$0x0] =	vst.add.f32.msk $0xffff, v0  }
0x74: {  	s28 =	sor.u32 $0x200, s18;
	v0 =	vld.idx.msk [tilespmem:v2+s6+$0x0 ss:$0x1], $0xffff  }
0x75: {  	s25 =	sor.u32 $0x180, s19;
	[tilespmem:s28+$0x0] =	vst.add.f32.msk $0xffff, v7  }
0x76: {  	[tilespmem:s25+$0x0] =	vst.add.f32.msk $0xffff, v1  }
0x77: {  	v1 =	vld.idx.msk [tilespmem:v3+s19+$0x0 ss:$0x1], $0xffff  }
0x78: {  	s26 =	sor.u32 $0x180, s6;
	v2 =	vld.idx.msk [tilespmem:v6+s16+$0x0 ss:$0x1], $0xffff  }
0x79: {  	[tilespmem:s26+$0x0] =	vst.add.f32.msk $0xffff, v0  }
0x7a: {  	v0 =	vld.idx.msk [tilespmem:v3+s6+$0x0 ss:$0x1], $0xffff  }
0x7b: {  	s16 =	sor.u32 $0x200, s19;
	v3 =	vld.idx.msk [tilespmem:v4+s18+$0x0 ss:$0x1], $0xffff  }
0x7c: {  	[tilespmem:s16+$0x0] =	vst.add.f32.msk $0xffff, v1  }
0x7d: {  	v1 =	vld.idx.msk [tilespmem:v4+s19+$0x0 ss:$0x1], $0xffff  }
0x7e: {  	s20 =	sor.u32 $0x200, s6  }
0x7f: {  	s21 =	sor.u32 $0x280, s18;
	[tilespmem:s20+$0x0] =	vst.add.f32.msk $0xffff, v0  }
0x80: {  	[tilespmem:s21+$0x0] =	vst.add.f32.msk $0xffff, v3  }
0x81: {  	s23 =	sor.u32 $0x280, s19;
	v0 =	vld.idx.msk [tilespmem:v4+s6+$0x0 ss:$0x1], $0xffff  }
0x82: {  	[tilespmem:s23+$0x0] =	vst.add.f32.msk $0xffff, v1  }
0x83: {  	v3 =	vld.idx.msk [tilespmem:v5+s18+$0x0 ss:$0x1], $0xffff  }
0x84: {  	v1 =	vld.idx.msk [tilespmem:v5+s19+$0x0 ss:$0x1], $0xffff  }
0x85: {  	s24 =	sor.u32 $0x280, s6  }
0x86: {  	[tilespmem:s24+$0x0] =	vst.add.f32.msk $0xffff, v0  }
0x87: {  	s25 =	sor.u32 $0x300, s18;
	v0 =	vld.idx.msk [tilespmem:v5+s6+$0x0 ss:$0x1], $0xffff  }
0x88: {  	s26 =	sor.u32 $0x300, s19;
	[tilespmem:s25+$0x0] =	vst.add.f32.msk $0xffff, v3  }
0x89: {  	[tilespmem:s26+$0x0] =	vst.add.f32.msk $0xffff, v1  }
0x8a: {  	v3 =	vld.idx.msk [tilespmem:v6+s18+$0x0 ss:$0x1], $0xffff  }
0x8b: {  	s28 =	sor.u32 $0x300, s6;
	v1 =	vld.idx.msk [tilespmem:v6+s19+$0x0 ss:$0x1], $0xffff  }
0x8c: {  	[tilespmem:s28+$0x0] =	vst.add.f32.msk $0xffff, v0  }
0x8d: {  	s0 =	sor.u32 s13, s0;
	v0 =	vld.idx.msk [tilespmem:v6+s6+$0x0 ss:$0x1], $0xffff  }
0x8e: {  	s1 =	sor.u32 s2, s1;
	s0 =	sor.u32 $0x380, s0  }
0x8f: {  	s13 =	sor.u32 $0x380, s1;
	[tilespmem:s0+$0x0] =	vst.add.f32.msk $0xffff, v2;
	s16 =	sor.u32 s14, s22  }
0x90: {  	s8 =	sshll.u32 s15, $0xD;
	s18 =	sor.u32 $0x380, s16;
	s19 =	sor.u32 s12, s11;
	[tilespmem:s13+$0x0] =	vst.add.f32.msk $0xffff, v3  }
0x91: {  	s14 =	sadd.s32 s5, s8;
	s20 =	sor.u32 $0x380, s19;
	[tilespmem:s18+$0x0] =	vst.add.f32.msk $0xffff, v1  }
0x92: {  	s22 =	simm.s32 $0x0;
	s21 =	sadd.s32 s3, s14;
	[tilespmem:s20+$0x0] =	vst.add.f32.msk $0xffff, v0  }
0x93: {  	[hbm4b:s21+s22] =	stream.linear.scatter [tilespmem:s22], [sflag:$0x5], $0x2000, $0x38;
	[tilespmem:$0x16000] =	vst v63  }
0x94: {  	v0 =	vld [tilespmem:s30+$0x14000];
	_ =	sdelay $0x4  }
0x95: {  	(v2sf) =	vpush v0, $0x8;
	_ =	sdelay $0x1  }
0x96: {  	(v2sf) =	vpush v0, $0x9;
	_ =	sdelay $0x1  }
0x97: {  	(v2sf) =	vpush v0, $0xA;
	_ =	sdelay $0xa  }
0x98: {  	s23 =	spop (v2sf)  }
0x99: {  	s11 =	sand.u32 $0x70, s22;
	s24 =	sshll.u32 s23, $0xA  }
0x9a: {  	s0 =	sshll.u32 s23, $0x7;
	s25 =	spop (v2sf);
	s2 =	sand.u32 $0xFFFFE000, s24  }
0x9b: {  	s0 =	sand.u32 $0x380, s0;
	s26 =	sshll.u32 s25, $0xA;
	s6 =	sshll.u32 s25, $0x7  }
0x9c: {  	s28 =	spop (v2sf);
	s0 =	sor.u32 s0, s2;
	s2 =	sand.u32 $0xFFFFE000, s26  }
0x9d: {  	s6 =	sand.u32 $0x380, s6;
	s12 =	sshll.u32 s28, $0xA;
	s13 =	sshll.u32 s28, $0x7  }
0x9e: {  	s0 =	sadd.s32 $0x10000, s0;
	s6 =	sor.u32 s6, s2;
	s2 =	sand.u32 $0xFFFFE000, s12  }
0x9f: {  	(v2sf) =	vpush v0, $0xB;
	[dreg:$0x5] =	wrdreg s0;
	s0 =	sadd.s32 $0x10000, s6;
	s6 =	sand.u32 $0x380, s13  }
0xa0: {  	s12 =	sand.u32 $0x1C00, s22;
	s16 =	rddreg [dreg:$0x5];
	s18 =	sor.u32 s6, s2  }
0xa1: {  	[dreg:$0x6] =	wrdreg s0;
	s0 =	sadd.s32 $0x10000, s18;
	s19 =	sadd.s32 s12, s16  }
0xa2: {  	[dreg:$0x7] =	wrdreg s0;
	s20 =	sadd.s32 s11, s19  }
0xa3: {  	v1 =	vld [tilespmem:s20+$0x0];
	_ =	sdelay $0x1  }
0xa4: {  	(v2sf) =	vpush v0, $0xC  }
0xa5: {  	s30 =	sor.u32 s11, s12;
	s21 =	rddreg [dreg:$0x6]  }
0xa6: {  	s22 =	sor.u32 $0x2000, s30;
	s0 =	sadd.s32 s12, s21  }
0xa7: {  	s0 =	sadd.s32 s11, s0;
	[tilespmem:s22+$0x0] =	vst.add.f32.msk $0xffff, v1  }
0xa8: {  	v1 =	vld [tilespmem:s0+$0x0]  }
0xa9: {  	(v2sf) =	vpush v0, $0xD;
	_ =	sdelay $0x1  }
0xaa: {  	s23 =	rddreg [dreg:$0x7]  }
0xab: {  	s25 =	sor.u32 $0x2080, s30;
	s28 =	rddreg [dreg:$0x5];
	s0 =	sadd.s32 s12, s23  }
0xac: {  	s18 =	simm.s32 $0x80;
	s24 =	spop (v2sf);
	s0 =	sadd.s32 s11, s0;
	[tilespmem:s25+$0x0] =	vst.add.f32.msk $0xffff, v1  }
0xad: {  	s31 =	sand.u32 $0x1C00, s18;
	s26 =	sshll.u32 s24, $0xA;
	s1 =	sshll.u32 s24, $0x7;
	v1 =	vld [tilespmem:s0+$0x0]  }
0xae: {  	s20 =	simm.s32 $0x10;
	s16 =	sand.u32 $0xFFFFE000, s26;
	s19 =	sand.u32 $0x380, s1  }
0xaf: {  	s21 =	sadd.s32 s31, s28;
	(v2sf) =	vpush v0, $0xE;
	s2 =	sor.u32 s19, s16;
	s0 =	sand.u32 $0x70, s20  }
0xb0: {  	s16 =	sadd.s32 $0x10000, s2;
	s1 =	sadd.s32 s0, s21  }
0xb1: {  	s22 =	sor.u32 $0x2100, s30;
	s2 =	sadd.s32 s12, s16;
	v2 =	vld [tilespmem:s1+$0x0]  }
0xb2: {  	s23 =	spop (v2sf);
	s25 =	sadd.s32 s11, s2;
	[tilespmem:s22+$0x0] =	vst.add.f32.msk $0xffff, v1  }
0xb3: {  	s24 =	rddreg [dreg:$0x6];
	s26 =	sshll.u32 s23, $0xA;
	s6 =	sshll.u32 s23, $0x7;
	v1 =	vld [tilespmem:s25+$0x0]  }
0xb4: {  	s28 =	sand.u32 $0xFFFFE000, s26;
	s6 =	sand.u32 $0x380, s6;
	s2 =	sor.u32 s0, s31  }
0xb5: {  	(v2sf) =	vpush v0, $0xF;
	s13 =	sadd.s32 s31, s24;
	s1 =	sor.u32 s6, s28;
	s18 =	sor.u32 $0x2000, s2  }
0xb6: {  	s20 =	sadd.s32 s0, s13;
	s24 =	sadd.s32 $0x10000, s1;
	[tilespmem:s18+$0x0] =	vst.add.f32.msk $0xffff, v2  }
0xb7: {  	s19 =	spop (v2sf);
	s23 =	sadd.s32 s12, s24;
	s22 =	sor.u32 $0x2180, s30;
	v0 =	vld [tilespmem:s20+$0x0]  }
0xb8: {  	s21 =	sshll.u32 s19, $0xA;
	s26 =	sadd.s32 s11, s23;
	[tilespmem:s22+$0x0] =	vst.add.f32.msk $0xffff, v1  }
0xb9: {  	s6 =	sand.u32 $0xFFFFE000, s21;
	s23 =	simm.s32 $0x100;
	s18 =	sshll.u32 s19, $0x7;
	v1 =	vld [tilespmem:s26+$0x0]  }
0xba: {  	s1 =	sand.u32 $0x1C00, s23;
	s25 =	rddreg [dreg:$0x7];
	s28 =	sand.u32 $0x380, s18  }
0xbb: {  	s20 =	sor.u32 $0x2080, s2;
	s13 =	sor.u32 s28, s6;
	s21 =	sadd.s32 s31, s25  }
0xbc: {  	s19 =	rddreg [dreg:$0x5];
	s22 =	sadd.s32 s0, s21;
	s26 =	sadd.s32 $0x10000, s13;
	[tilespmem:s20+$0x0] =	vst.add.f32.msk $0xffff, v0  }
0xbd: {  	s19 =	sadd.s32 s1, s19;
	s20 =	sor.u32 $0x2200, s30;
	s21 =	sadd.s32 s12, s26;
	v0 =	vld [tilespmem:s22+$0x0]  }
0xbe: {  	s18 =	spop (v2sf);
	s25 =	simm.s32 $0x20;
	s28 =	sadd.s32 s11, s21;
	[tilespmem:s20+$0x0] =	vst.add.f32.msk $0xffff, v1  }
0xbf: {  	s13 =	sshll.u32 s18, $0xA;
	s18 =	sshll.u32 s18, $0x7;
	s22 =	sand.u32 $0x70, s25;
	v1 =	vld [tilespmem:s28+$0x0]  }
0xc0: {  	s13 =	sand.u32 $0xFFFFE000, s13;
	s18 =	sand.u32 $0x380, s18;
	s20 =	sadd.s32 s22, s19  }
0xc1: {  	s23 =	sadd.s32 s31, s16;
	s6 =	sor.u32 s18, s13;
	s21 =	sor.u32 $0x2100, s2;
	v2 =	vld [tilespmem:s20+$0x0]  }
0xc2: {  	s25 =	sadd.s32 s0, s23;
	s29 =	sadd.s32 $0x10000, s6;
	s6 =	rddreg [dreg:$0x6];
	[tilespmem:s21+$0x0] =	vst.add.f32.msk $0xffff, v0  }
0xc3: {  	s18 =	sor.u32 s22, s1;
	s20 =	sor.u32 $0x2280, s30;
	s21 =	sadd.s32 s12, s29;
	v0 =	vld [tilespmem:s25+$0x0]  }
0xc4: {  	s6 =	sadd.s32 s1, s6;
	s28 =	spop (v2sf);
	s25 =	sadd.s32 s11, s21;
	[tilespmem:s20+$0x0] =	vst.add.f32.msk $0xffff, v1  }
0xc5: {  	s23 =	sshll.u32 s28, $0xA;
	s19 =	sshll.u32 s28, $0x7;
	s28 =	sor.u32 $0x2000, s18;
	v3 =	vld [tilespmem:s25+$0x0]  }
0xc6: {  	s6 =	sadd.s32 s22, s6;
	s23 =	sand.u32 $0xFFFFE000, s23;
	s19 =	sand.u32 $0x380, s19;
	[tilespmem:s28+$0x0] =	vst.add.f32.msk $0xffff, v2  }
0xc7: {  	s13 =	sor.u32 s19, s23;
	s28 =	sadd.s32 s31, s24;
	v2 =	vld [tilespmem:s6+$0x0];
	s25 =	sor.u32 $0x2180, s2  }
0xc8: {  	s19 =	sadd.s32 $0x10000, s13;
	s21 =	sadd.s32 s0, s28;
	[tilespmem:s25+$0x0] =	vst.add.f32.msk $0xffff, v0  }
0xc9: {  	s23 =	sor.u32 $0x2300, s30;
	s12 =	sadd.s32 s12, s19;
	v1 =	vld [tilespmem:s21+$0x0]  }
0xca: {  	s13 =	rddreg [dreg:$0x7];
	s28 =	sor.u32 $0x2080, s18;
	s25 =	sadd.s32 s11, s12;
	[tilespmem:s23+$0x0] =	vst.add.f32.msk $0xffff, v3  }
0xcb: {  	s6 =	rddreg [dreg:$0x5];
	s13 =	sadd.s32 s1, s13;
	s11 =	simm.s32 $0x180;
	v0 =	vld [tilespmem:s25+$0x0]  }
0xcc: {  	s12 =	simm.s32 $0x40;
	s21 =	simm.s32 $0x30;
	s20 =	sadd.s32 s22, s13;
	[tilespmem:s28+$0x0] =	vst.add.f32.msk $0xffff, v2  }
.LBB2_5:
0xcd: {  	v2 =	vld [tilespmem:s20+$0x0];
	s13 =	sor.u32 $0x2200, s2;
	s28 =	sadd.s32 s31, s26  }
0xce: {  	s23 =	sand.u32 $0x1C00, s11;
	s20 =	smov.u32 s22;
	s25 =	sadd.s32 s0, s28;
	[tilespmem:s13+$0x0] =	vst.add.f32.msk $0xffff, v1  }
0xcf: {  	s22 =	sand.u32 $0x70, s21;
	s6 =	sadd.s32 s23, s6;
	s28 =	sor.u32 $0x2380, s30;
	v1 =	vld [tilespmem:s25+$0x0]  }
0xd0: {  	s30 =	smov.u32 s2;
	s2 =	smov.u32 s18;
	s6 =	sadd.s32 s22, s6;
	[tilespmem:s28+$0x0] =	vst.add.f32.msk $0xffff, v0  }
0xd1: {  	s18 =	sadd.s32 s1, s16;
	s13 =	sor.u32 $0x2100, s2;
	v0 =	vld [tilespmem:s6+$0x0]  }
0xd2: {  	s28 =	sadd.s32 s20, s18;
	[tilespmem:s13+$0x0] =	vst.add.f32.msk $0xffff, v2  }
0xd3: {  	s13 =	sor.u32 $0x2280, s30;
	v2 =	vld [tilespmem:s28+$0x0];
	s28 =	sadd.s32 s31, s29  }
0xd4: {  	s25 =	rddreg [dreg:$0x6];
	s18 =	sor.u32 s22, s23;
	[tilespmem:s13+$0x0] =	vst.add.f32.msk $0xffff, v1;
	s13 =	sadd.s32 s0, s28  }
0xd5: {  	s25 =	sadd.s32 s23, s25;
	s28 =	sor.u32 $0x2000, s18;
	v3 =	vld [tilespmem:s13+$0x0]  }
0xd6: {  	p0 =	sne.s32 s12, $0x3F0;
	[tilespmem:s28+$0x0] =	vst.add.f32.msk $0xffff, v0;
	s28 =	sadd.s32 s22, s25  }
0xd7: {  	s21 =	smov.u32 s12;
	s13 =	sor.u32 $0x2180, s2;
	v4 =	vld [tilespmem:s28+$0x0];
	s28 =	sadd.s32 s1, s24  }
.Ltmp1:
0xd8: {  	s11 =	sadd.s32 $0x80, s11;
	[tilespmem:s13+$0x0] =	vst.add.f32.msk $0xffff, v2;
	s28 =	sadd.s32 s20, s28;
	(pc) =	sbr.rel @p0 .LBB2_5-.Ltmp1, $4  }
0xd9: {  	s25 =	rddreg [dreg:$0x7];
	s13 =	sor.u32 $0x2300, s30;
	v1 =	vld [tilespmem:s28+$0x0];
	s28 =	sadd.s32 s31, s19  }
0xda: {  	s31 =	smov.u32 s1;
	s1 =	smov.u32 s23;
	[tilespmem:s13+$0x0] =	vst.add.f32.msk $0xffff, v3;
	s13 =	sadd.s32 s0, s28  }
0xdb: {  	s12 =	sadd.s32 $0x10, s12;
	s23 =	sor.u32 $0x2080, s18;
	s28 =	sadd.s32 s1, s25;
	v0 =	vld [tilespmem:s13+$0x0]  }
0xdc: {  	s6 =	rddreg [dreg:$0x5];
	s0 =	smov.u32 s20;
	s20 =	sadd.s32 s22, s28;
	[tilespmem:s23+$0x0] =	vst.add.f32.msk $0xffff, v4  }
0xdd: {  	s13 =	sand.u32 $0x1C00, s11  }
0xde: {  	s12 =	sand.u32 $0x70, s21;
	s6 =	sadd.s32 s13, s6  }
0xdf: {  	s6 =	sadd.s32 s12, s6  }
0xe0: {  	v2 =	vld [tilespmem:s6+$0x0];
	_ =	sdelay $0x2  }
0xe1: {  	s23 =	rddreg [dreg:$0x6];
	s11 =	sor.u32 s12, s13  }
0xe2: {  	s25 =	sor.u32 $0x2000, s11;
	s6 =	sadd.s32 s13, s23  }
0xe3: {  	s6 =	sadd.s32 s12, s6;
	[tilespmem:s25+$0x0] =	vst.add.f32.msk $0xffff, v2  }
0xe4: {  	v2 =	vld [tilespmem:s6+$0x0];
	_ =	sdelay $0x2  }
0xe5: {  	s28 =	rddreg [dreg:$0x7]  }
0xe6: {  	v3 =	vld [tilespmem:s20+$0x0];
	s21 =	sor.u32 $0x2080, s11;
	s6 =	sadd.s32 s13, s28  }
0xe7: {  	s6 =	sadd.s32 s12, s6;
	[tilespmem:s21+$0x0] =	vst.add.f32.msk $0xffff, v2  }
0xe8: {  	v2 =	vld [tilespmem:s6+$0x0];
	_ =	sdelay $0x1  }
0xe9: {  	s23 =	sor.u32 $0x2100, s18;
	s25 =	sadd.s32 s1, s16  }
0xea: {  	[tilespmem:s23+$0x0] =	vst.add.f32.msk $0xffff, v3;
	s28 =	sadd.s32 s22, s25  }
0xeb: {  	s20 =	sor.u32 $0x2100, s11;
	v3 =	vld [tilespmem:s28+$0x0];
	s21 =	sadd.s32 s13, s16  }
0xec: {  	s23 =	sadd.s32 s12, s21;
	[tilespmem:s20+$0x0] =	vst.add.f32.msk $0xffff, v2  }
0xed: {  	v2 =	vld [tilespmem:s23+$0x0];
	_ =	sdelay $0x1  }
0xee: {  	s25 =	sor.u32 $0x2180, s18;
	s28 =	sadd.s32 s1, s24  }
0xef: {  	[tilespmem:s25+$0x0] =	vst.add.f32.msk $0xffff, v3;
	s20 =	sadd.s32 s22, s28  }
0xf0: {  	s21 =	sor.u32 $0x2180, s11;
	v3 =	vld [tilespmem:s20+$0x0];
	s23 =	sadd.s32 s13, s24  }
0xf1: {  	s24 =	sadd.s32 s12, s23;
	[tilespmem:s21+$0x0] =	vst.add.f32.msk $0xffff, v2  }
0xf2: {  	s25 =	sor.u32 $0x2200, s2;
	s28 =	sadd.s32 s31, s26;
	v2 =	vld [tilespmem:s24+$0x0]  }
0xf3: {  	[tilespmem:s25+$0x0] =	vst.add.f32.msk $0xffff, v1;
	s20 =	sadd.s32 s0, s28  }
0xf4: {  	v1 =	vld [tilespmem:s20+$0x0];
	s23 =	sadd.s32 s1, s26;
	s21 =	sor.u32 $0x2200, s18  }
0xf5: {  	[tilespmem:s21+$0x0] =	vst.add.f32.msk $0xffff, v3;
	s24 =	sadd.s32 s22, s23  }
0xf6: {  	s25 =	sor.u32 $0x2200, s11;
	s28 =	sadd.s32 s13, s26;
	v3 =	vld [tilespmem:s24+$0x0]  }
0xf7: {  	s20 =	sadd.s32 s12, s28;
	[tilespmem:s25+$0x0] =	vst.add.f32.msk $0xffff, v2  }
0xf8: {  	s21 =	sor.u32 $0x2280, s2;
	s23 =	sadd.s32 s31, s29;
	v2 =	vld [tilespmem:s20+$0x0]  }
0xf9: {  	[tilespmem:s21+$0x0] =	vst.add.f32.msk $0xffff, v1;
	s24 =	sadd.s32 s0, s23  }
0xfa: {  	s26 =	sadd.s32 s1, s29;
	v1 =	vld [tilespmem:s24+$0x0];
	s25 =	sor.u32 $0x2280, s18  }
0xfb: {  	s28 =	sadd.s32 s22, s26;
	[tilespmem:s25+$0x0] =	vst.add.f32.msk $0xffff, v3  }
0xfc: {  	s16 =	sor.u32 $0x2280, s11;
	s20 =	sadd.s32 s13, s29;
	v3 =	vld [tilespmem:s28+$0x0]  }
0xfd: {  	s21 =	sadd.s32 s12, s20;
	[tilespmem:s16+$0x0] =	vst.add.f32.msk $0xffff, v2  }
0xfe: {  	s23 =	sor.u32 $0x2300, s2;
	s24 =	sadd.s32 s31, s19;
	v2 =	vld [tilespmem:s21+$0x0]  }
0xff: {  	s25 =	sadd.s32 s0, s24;
	[tilespmem:s23+$0x0] =	vst.add.f32.msk $0xffff, v1  }
0x100: {  	s26 =	sor.u32 $0x2300, s18;
	s28 =	sadd.s32 s1, s19;
	v1 =	vld [tilespmem:s25+$0x0]  }
0x101: {  	s1 =	sadd.s32 s22, s28;
	[tilespmem:s26+$0x0] =	vst.add.f32.msk $0xffff, v3  }
0x102: {  	s6 =	sor.u32 $0x2300, s11;
	s13 =	sadd.s32 s13, s19;
	v3 =	vld [tilespmem:s1+$0x0]  }
0x103: {  	s16 =	sadd.s32 s12, s13;
	[tilespmem:s6+$0x0] =	vst.add.f32.msk $0xffff, v2  }
0x104: {  	v2 =	vld [tilespmem:s16+$0x0]  }
0x105: {  	s19 =	sor.u32 $0x2380, s30  }
0x106: {  	s20 =	sor.u32 $0x2380, s2;
	[tilespmem:s19+$0x0] =	vst.add.f32.msk $0xffff, v0  }
0x107: {  	s21 =	sor.u32 $0x2380, s18;
	[tilespmem:s20+$0x0] =	vst.add.f32.msk $0xffff, v1  }
0x108: {  	s22 =	sor.u32 $0x2380, s11;
	[tilespmem:s21+$0x0] =	vst.add.f32.msk $0xffff, v3  }
0x109: {  	s24 =	simm.s32 $0x2000;
	s23 =	sadd.s32 s14, s10;
	s25 =	simm.s32 $0x2;
	[tilespmem:s22+$0x0] =	vst.add.f32.msk $0xffff, v2  }
0x10a: {  	[hbm4b:s23+s4] =	stream.linear.scatter [tilespmem:s24], [sflag:$0x5], $0x2000, $0x38;
	[tilespmem:$0x16000] =	vst v63  }
0x10b: {  	_ =	swait.ge [sflag:s25], $0x4000  }
0x10c: {  	p0 =	seq.s32 s15, $0xF;
	[sflag:s25] =	ssyncset.done $0x0  }
0x10d: {  	s0 =	simm.s32 @!p0 $0x5;
	[sflag:s25] =	ssyncadd.s32 $0xFFFFC000  }
0x10e: {  	_ =	swait.ge @!p0 [sflag:s0], $0x4000  }
0x10f: {  	s30 =	sor.u32 $0x1, s9;
	[sflag:s0] =	ssyncset.done @!p0 $0x0  }
0x110: {  	s26 =	sshll.u32 s30, $0x9;
	[sflag:s0] =	ssyncadd.s32 @!p0 $0xFFFFC000;
	s0 =	rddreg [dreg:$0x1e]  }
0x111: {  	s1 =	simm.s32 @!p0 $0x0;
	s14 =	sshrl.u32 s26, $0x2;
	s0 =	sadd.s32 @!p0 s8, s0  }
0x112: {  	[tilespmem:s1], [sflag:$0x1] =	stream.linear.gather @!p0 [hbm4b:s0+s1], $0x4000, $0x38;
	[tilespmem:$0x16000] =	vst v63  }
0x113: {  	v0 =	vld [tilespmem:s14+$0x14000];
	_ =	sdelay $0x4  }
0x114: {  	(v2sf) =	vpush v0, $0x0;
	_ =	sdelay $0x1  }
0x115: {  	(v2sf) =	vpush v0, $0x1  }
0x116: {  	(v2sf) =	vpush v0, $0x2;
	_ =	sdelay $0xb  }
0x117: {  	s28 =	spop (v2sf)  }
0x118: {  	s20 =	simm.s32 $0x0;
	s2 =	sshll.u32 s28, $0xA;
	s0 =	sshll.u32 s28, $0x7  }
0x119: {  	s6 =	spop (v2sf);
	s1 =	sand.u32 $0xFFFFE000, s2;
	s0 =	sand.u32 $0x380, s0  }
0x11a: {  	s11 =	sshll.u32 s6, $0xA;
	s2 =	sshll.u32 s6, $0x7;
	s13 =	spop (v2sf)  }
0x11b: {  	s0 =	sor.u32 s0, s1;
	s12 =	sand.u32 $0xFFFFE000, s11;
	s2 =	sand.u32 $0x380, s2  }
0x11c: {  	s18 =	sshll.u32 s13, $0xA;
	s0 =	sadd.s32 $0x10000, s0;
	s1 =	sor.u32 s2, s12  }
0x11d: {  	s2 =	sshll.u32 s13, $0x7;
	s13 =	sand.u32 $0x1C00, s20;
	[dreg:$0x8] =	wrdreg s0  }
0x11e: {  	(v2sf) =	vpush v0, $0x3;
	s16 =	sadd.s32 $0x10000, s1;
	s1 =	sand.u32 $0xFFFFE000, s18;
	s2 =	sand.u32 $0x380, s2  }
0x11f: {  	s12 =	sand.u32 $0x70, s20;
	s19 =	rddreg [dreg:$0x8];
	s21 =	sor.u32 s2, s1  }
0x120: {  	[dreg:$0x9] =	wrdreg s16;
	s0 =	sadd.s32 $0x10000, s21;
	s22 =	sadd.s32 s13, s19  }
0x121: {  	[dreg:$0xa] =	wrdreg s0;
	s23 =	sadd.s32 s12, s22  }
0x122: {  	v1 =	vld [tilespmem:s23+$0x0];
	_ =	sdelay $0x1  }
0x123: {  	(v2sf) =	vpush v0, $0x4  }
0x124: {  	s31 =	sor.u32 s12, s13;
	s24 =	rddreg [dreg:$0x9]  }
0x125: {  	s25 =	sor.u32 $0x4000, s31;
	s0 =	sadd.s32 s13, s24  }
0x126: {  	s0 =	sadd.s32 s12, s0;
	[tilespmem:s25+$0x0] =	vst.add.f32.msk $0xffff, v1  }
0x127: {  	v1 =	vld [tilespmem:s0+$0x0]  }
0x128: {  	(v2sf) =	vpush v0, $0x5;
	_ =	sdelay $0x1  }
0x129: {  	s26 =	rddreg [dreg:$0xa]  }
0x12a: {  	s20 =	simm.s32 $0x80;
	s11 =	sor.u32 $0x4080, s31;
	s0 =	sadd.s32 s13, s26  }
0x12b: {  	s18 =	rddreg [dreg:$0x8];
	s28 =	spop (v2sf);
	(v2sf) =	vpush v0, $0x6;
	s0 =	sadd.s32 s12, s0;
	[tilespmem:s11+$0x0] =	vst.add.f32.msk $0xffff, v1  }
0x12c: {  	s21 =	simm.s32 $0x10;
	s16 =	sshll.u32 s28, $0xA;
	s1 =	sshll.u32 s28, $0x7;
	v1 =	vld [tilespmem:s0+$0x0]  }
0x12d: {  	s19 =	sand.u32 $0xFFFFE000, s16;
	s1 =	sand.u32 $0x380, s1;
	s0 =	sand.u32 $0x1C00, s20  }
0x12e: {  	s2 =	sand.u32 $0x70, s21;
	s1 =	sor.u32 s1, s19;
	s6 =	sadd.s32 s0, s18  }
0x12f: {  	s1 =	sadd.s32 $0x10000, s1;
	s6 =	sadd.s32 s2, s6  }
0x130: {  	s22 =	sor.u32 $0x4100, s31;
	s23 =	sadd.s32 s13, s1;
	v2 =	vld [tilespmem:s6+$0x0]  }
0x131: {  	s24 =	spop (v2sf);
	s26 =	sadd.s32 s12, s23;
	[tilespmem:s22+$0x0] =	vst.add.f32.msk $0xffff, v1  }
0x132: {  	s25 =	rddreg [dreg:$0x9];
	s28 =	sshll.u32 s24, $0xA;
	s16 =	sshll.u32 s24, $0x7;
	v1 =	vld [tilespmem:s26+$0x0]  }
0x133: {  	(v2sf) =	vpush v0, $0x7;
	s19 =	sand.u32 $0x380, s16;
	s11 =	sand.u32 $0xFFFFE000, s28;
	s16 =	sor.u32 s2, s0  }
0x134: {  	s18 =	sadd.s32 s0, s25;
	s20 =	sor.u32 $0x4000, s16;
	s6 =	sor.u32 s19, s11  }
0x135: {  	s22 =	sadd.s32 s2, s18;
	s26 =	sadd.s32 $0x10000, s6;
	[tilespmem:s20+$0x0] =	vst.add.f32.msk $0xffff, v2  }
0x136: {  	s21 =	spop (v2sf);
	s24 =	sor.u32 $0x4180, s31;
	s25 =	sadd.s32 s13, s26;
	v0 =	vld [tilespmem:s22+$0x0]  }
0x137: {  	s23 =	sshll.u32 s21, $0xA;
	s19 =	sshll.u32 s21, $0x7;
	s21 =	sadd.s32 s12, s25;
	[tilespmem:s24+$0x0] =	vst.add.f32.msk $0xffff, v1  }
0x138: {  	s11 =	sand.u32 $0xFFFFE000, s23;
	s20 =	rddreg [dreg:$0x8];
	v1 =	vld [tilespmem:s21+$0x0]  }
0x139: {  	s23 =	sor.u32 $0x4080, s16;
	s28 =	rddreg [dreg:$0xa];
	s22 =	sand.u32 $0x380, s19  }
0x13a: {  	s6 =	spop (v2sf);
	s11 =	sor.u32 s22, s11;
	s24 =	sadd.s32 s0, s28  }
0x13b: {  	s19 =	sshll.u32 s6, $0xA;
	s29 =	sadd.s32 $0x10000, s11;
	s25 =	sadd.s32 s2, s24;
	[tilespmem:s23+$0x0] =	vst.add.f32.msk $0xffff, v0  }
0x13c: {  	s28 =	simm.s32 $0x100;
	s21 =	sor.u32 $0x4200, s31;
	s24 =	sadd.s32 s13, s29;
	v0 =	vld [tilespmem:s25+$0x0]  }
0x13d: {  	s22 =	sand.u32 $0x1C00, s28;
	s23 =	simm.s32 $0x20;
	s25 =	sadd.s32 s12, s24;
	[tilespmem:s21+$0x0] =	vst.add.f32.msk $0xffff, v1  }
0x13e: {  	s6 =	sshll.u32 s6, $0x7;
	s18 =	sadd.s32 s22, s20;
	s24 =	sand.u32 $0x70, s23;
	v1 =	vld [tilespmem:s25+$0x0]  }
0x13f: {  	s6 =	sand.u32 $0x380, s6;
	s28 =	sand.u32 $0xFFFFE000, s19;
	s18 =	sadd.s32 s24, s18  }
0x140: {  	s19 =	sor.u32 $0x4100, s16;
	s6 =	sor.u32 s6, s28;
	s20 =	sadd.s32 s0, s1;
	v2 =	vld [tilespmem:s18+$0x0]  }
0x141: {  	s23 =	sor.u32 $0x4280, s31;
	s18 =	sadd.s32 $0x10000, s6;
	s21 =	sadd.s32 s2, s20;
	[tilespmem:s19+$0x0] =	vst.add.f32.msk $0xffff, v0  }
0x142: {  	s6 =	rddreg [dreg:$0x9];
	s20 =	spop (v2sf);
	s25 =	sadd.s32 s13, s18;
	v0 =	vld [tilespmem:s21+$0x0]  }
0x143: {  	s28 =	sshll.u32 s20, $0xA;
	s19 =	sor.u32 s24, s22;
	s21 =	sadd.s32 s12, s25;
	[tilespmem:s23+$0x0] =	vst.add.f32.msk $0xffff, v1  }
0x144: {  	s20 =	sshll.u32 s20, $0x7;
	s6 =	sadd.s32 s22, s6;
	s25 =	sor.u32 $0x4000, s19;
	v3 =	vld [tilespmem:s21+$0x0]  }
0x145: {  	s28 =	sand.u32 $0xFFFFE000, s28;
	s20 =	sand.u32 $0x380, s20;
	s6 =	sadd.s32 s24, s6;
	[tilespmem:s25+$0x0] =	vst.add.f32.msk $0xffff, v2  }
0x146: {  	s25 =	sor.u32 $0x4180, s16;
	s23 =	sor.u32 s20, s28;
	v2 =	vld [tilespmem:s6+$0x0];
	s28 =	sadd.s32 s0, s26  }
0x147: {  	s11 =	sadd.s32 $0x10000, s23;
	s23 =	sadd.s32 s2, s28;
	[tilespmem:s25+$0x0] =	vst.add.f32.msk $0xffff, v0  }
0x148: {  	s13 =	sadd.s32 s13, s11;
	s25 =	sor.u32 $0x4300, s31;
	v1 =	vld [tilespmem:s23+$0x0]  }
0x149: {  	s6 =	simm.s32 $0x30;
	s21 =	rddreg [dreg:$0xa];
	s13 =	sadd.s32 s12, s13;
	[tilespmem:s25+$0x0] =	vst.add.f32.msk $0xffff, v3  }
0x14a: {  	s20 =	rddreg [dreg:$0x8];
	s28 =	sor.u32 $0x4080, s19;
	s21 =	sadd.s32 s22, s21;
	v0 =	vld [tilespmem:s13+$0x0]  }
0x14b: {  	s12 =	simm.s32 $0x180;
	s23 =	sadd.s32 s24, s21;
	[tilespmem:s28+$0x0] =	vst.add.f32.msk $0xffff, v2;
	s13 =	simm.s32 $0x40  }
.LBB2_7:
0x14c: {  	v2 =	vld [tilespmem:s23+$0x0];
	s21 =	sor.u32 $0x4200, s16;
	s28 =	sadd.s32 s0, s29  }
0x14d: {  	s25 =	sand.u32 $0x1C00, s12;
	s23 =	smov.u32 s24;
	s28 =	sadd.s32 s2, s28;
	[tilespmem:s21+$0x0] =	vst.add.f32.msk $0xffff, v1  }
0x14e: {  	s24 =	sand.u32 $0x70, s6;
	s20 =	sadd.s32 s25, s20;
	s21 =	sor.u32 $0x4380, s31;
	v1 =	vld [tilespmem:s28+$0x0]  }
0x14f: {  	s6 =	sadd.s32 s24, s20;
	s31 =	smov.u32 s16;
	s16 =	smov.u32 s19;
	[tilespmem:s21+$0x0] =	vst.add.f32.msk $0xffff, v0  }
0x150: {  	s19 =	sor.u32 $0x4100, s16;
	s28 =	sadd.s32 s22, s1;
	v0 =	vld [tilespmem:s6+$0x0]  }
0x151: {  	s20 =	sadd.s32 s23, s28;
	[tilespmem:s19+$0x0] =	vst.add.f32.msk $0xffff, v2  }
0x152: {  	s28 =	sadd.s32 s0, s18;
	v2 =	vld [tilespmem:s20+$0x0];
	s20 =	sor.u32 $0x4280, s31  }
0x153: {  	s21 =	rddreg [dreg:$0x9];
	s19 =	sor.u32 s24, s25;
	[tilespmem:s20+$0x0] =	vst.add.f32.msk $0xffff, v1;
	s20 =	sadd.s32 s2, s28  }
0x154: {  	s21 =	sadd.s32 s25, s21;
	s28 =	sor.u32 $0x4000, s19;
	v3 =	vld [tilespmem:s20+$0x0]  }
0x155: {  	p1 =	sne.s32 s13, $0x3F0;
	[tilespmem:s28+$0x0] =	vst.add.f32.msk $0xffff, v0;
	s28 =	sadd.s32 s24, s21  }
0x156: {  	s12 =	sadd.s32 $0x80, s12;
	s20 =	sor.u32 $0x4180, s16;
	s21 =	sadd.s32 s22, s26;
	v4 =	vld [tilespmem:s28+$0x0]  }
.Ltmp2:
0x157: {  	s6 =	smov.u32 s13;
	[tilespmem:s20+$0x0] =	vst.add.f32.msk $0xffff, v2;
	s21 =	sadd.s32 s23, s21;
	(pc) =	sbr.rel @p1 .LBB2_7-.Ltmp2, $4  }
0x158: {  	s28 =	rddreg [dreg:$0xa];
	s20 =	sor.u32 $0x4300, s31;
	v1 =	vld [tilespmem:s21+$0x0];
	s21 =	sadd.s32 s0, s11  }
0x159: {  	s0 =	smov.u32 s22;
	s22 =	smov.u32 s25;
	s21 =	sadd.s32 s2, s21;
	[tilespmem:s20+$0x0] =	vst.add.f32.msk $0xffff, v3  }
0x15a: {  	s13 =	sadd.s32 $0x10, s13;
	s25 =	sor.u32 $0x4080, s19;
	s28 =	sadd.s32 s22, s28;
	v0 =	vld [tilespmem:s21+$0x0]  }
0x15b: {  	s2 =	smov.u32 s23;
	s20 =	rddreg [dreg:$0x8];
	s23 =	sadd.s32 s24, s28;
	[tilespmem:s25+$0x0] =	vst.add.f32.msk $0xffff, v4  }
0x15c: {  	s21 =	sand.u32 $0x1C00, s12  }
0x15d: {  	s13 =	sand.u32 $0x70, s6;
	s20 =	sadd.s32 s21, s20  }
0x15e: {  	s6 =	sadd.s32 s13, s20  }
0x15f: {  	v2 =	vld [tilespmem:s6+$0x0];
	_ =	sdelay $0x2  }
0x160: {  	s25 =	rddreg [dreg:$0x9];
	s12 =	sor.u32 s13, s21  }
0x161: {  	s28 =	sor.u32 $0x4000, s12;
	s6 =	sadd.s32 s21, s25  }
0x162: {  	s6 =	sadd.s32 s13, s6;
	[tilespmem:s28+$0x0] =	vst.add.f32.msk $0xffff, v2  }
0x163: {  	v2 =	vld [tilespmem:s6+$0x0];
	_ =	sdelay $0x2  }
0x164: {  	s25 =	rddreg [dreg:$0xa]  }
0x165: {  	v3 =	vld [tilespmem:s23+$0x0];
	s28 =	sor.u32 $0x4080, s12;
	s6 =	sadd.s32 s21, s25  }
0x166: {  	s6 =	sadd.s32 s13, s6;
	[tilespmem:s28+$0x0] =	vst.add.f32.msk $0xffff, v2  }
0x167: {  	v2 =	vld [tilespmem:s6+$0x0];
	_ =	sdelay $0x1  }
0x168: {  	s23 =	sor.u32 $0x4100, s19;
	s25 =	sadd.s32 s22, s1  }
0x169: {  	[tilespmem:s23+$0x0] =	vst.add.f32.msk $0xffff, v3;
	s28 =	sadd.s32 s24, s25  }
0x16a: {  	s20 =	sor.u32 $0x4100, s12;
	s23 =	sadd.s32 s21, s1;
	v3 =	vld [tilespmem:s28+$0x0]  }
0x16b: {  	s1 =	sadd.s32 s13, s23;
	[tilespmem:s20+$0x0] =	vst.add.f32.msk $0xffff, v2  }
0x16c: {  	v2 =	vld [tilespmem:s1+$0x0];
	_ =	sdelay $0x1  }
0x16d: {  	s25 =	sor.u32 $0x4180, s19;
	s28 =	sadd.s32 s22, s26  }
0x16e: {  	s6 =	sadd.s32 s24, s28;
	[tilespmem:s25+$0x0] =	vst.add.f32.msk $0xffff, v3  }
0x16f: {  	s23 =	sadd.s32 s21, s26;
	s20 =	sor.u32 $0x4180, s12;
	v3 =	vld [tilespmem:s6+$0x0]  }
0x170: {  	s25 =	sadd.s32 s13, s23;
	[tilespmem:s20+$0x0] =	vst.add.f32.msk $0xffff, v2  }
0x171: {  	s26 =	sor.u32 $0x4200, s16;
	s28 =	sadd.s32 s0, s29;
	v2 =	vld [tilespmem:s25+$0x0]  }
0x172: {  	[tilespmem:s26+$0x0] =	vst.add.f32.msk $0xffff, v1;
	s6 =	sadd.s32 s2, s28  }
0x173: {  	s23 =	sadd.s32 s22, s29;
	v1 =	vld [tilespmem:s6+$0x0];
	s20 =	sor.u32 $0x4200, s19  }
0x174: {  	[tilespmem:s20+$0x0] =	vst.add.f32.msk $0xffff, v3;
	s25 =	sadd.s32 s24, s23  }
0x175: {  	s26 =	sor.u32 $0x4200, s12;
	s28 =	sadd.s32 s21, s29;
	v3 =	vld [tilespmem:s25+$0x0]  }
0x176: {  	s6 =	sadd.s32 s13, s28;
	[tilespmem:s26+$0x0] =	vst.add.f32.msk $0xffff, v2  }
0x177: {  	s20 =	sor.u32 $0x4280, s16;
	s23 =	sadd.s32 s0, s18;
	v2 =	vld [tilespmem:s6+$0x0]  }
0x178: {  	[tilespmem:s20+$0x0] =	vst.add.f32.msk $0xffff, v1;
	s25 =	sadd.s32 s2, s23  }
0x179: {  	s28 =	sadd.s32 s22, s18;
	v1 =	vld [tilespmem:s25+$0x0];
	s26 =	sor.u32 $0x4280, s19  }
0x17a: {  	[tilespmem:s26+$0x0] =	vst.add.f32.msk $0xffff, v3;
	s6 =	sadd.s32 s24, s28  }
0x17b: {  	s20 =	sor.u32 $0x4280, s12;
	s23 =	sadd.s32 s21, s18;
	v3 =	vld [tilespmem:s6+$0x0]  }
0x17c: {  	s25 =	sadd.s32 s13, s23;
	[tilespmem:s20+$0x0] =	vst.add.f32.msk $0xffff, v2  }
0x17d: {  	s26 =	sor.u32 $0x4300, s16;
	s28 =	sadd.s32 s0, s11;
	v2 =	vld [tilespmem:s25+$0x0]  }
0x17e: {  	[tilespmem:s26+$0x0] =	vst.add.f32.msk $0xffff, v1;
	s0 =	sadd.s32 s2, s28  }
0x17f: {  	s18 =	sor.u32 $0x4300, s19;
	v1 =	vld [tilespmem:s0+$0x0];
	s20 =	sadd.s32 s22, s11  }
0x180: {  	[tilespmem:s18+$0x0] =	vst.add.f32.msk $0xffff, v3;
	s22 =	sadd.s32 s24, s20  }
0x181: {  	s23 =	sor.u32 $0x4300, s12;
	s24 =	sadd.s32 s21, s11;
	v3 =	vld [tilespmem:s22+$0x0]  }
0x182: {  	s25 =	sadd.s32 s13, s24;
	[tilespmem:s23+$0x0] =	vst.add.f32.msk $0xffff, v2  }
0x183: {  	v2 =	vld [tilespmem:s25+$0x0]  }
0x184: {  	s26 =	sor.u32 $0x4380, s31  }
0x185: {  	s28 =	sor.u32 $0x4380, s16;
	[tilespmem:s26+$0x0] =	vst.add.f32.msk $0xffff, v0  }
0x186: {  	s1 =	sor.u32 $0x4380, s19;
	s2 =	sshll.u32 s30, $0xB;
	[tilespmem:s28+$0x0] =	vst.add.f32.msk $0xffff, v1  }
0x187: {  	s6 =	sor.u32 $0x4380, s12;
	s30 =	sadd.s32 s5, s2;
	[tilespmem:s1+$0x0] =	vst.add.f32.msk $0xffff, v3  }
0x188: {  	s12 =	simm.s32 $0x0;
	s11 =	sadd.s32 s3, s30;
	s13 =	simm.s32 $0x4000;
	[tilespmem:s6+$0x0] =	vst.add.f32.msk $0xffff, v2  }
0x189: {  	[hbm4b:s11+s12] =	stream.linear.scatter [tilespmem:s13], [sflag:$0x6], $0x2000, $0x38;
	[tilespmem:$0x16000] =	vst v63  }
0x18a: {  	v0 =	vld [tilespmem:s14+$0x14000];
	_ =	sdelay $0x4  }
0x18b: {  	(v2sf) =	vpush v0, $0x8  }
0x18c: {  	(v2sf) =	vpush v0, $0x9;
	_ =	sdelay $0x1  }
0x18d: {  	(v2sf) =	vpush v0, $0xA;
	_ =	sdelay $0xb  }
0x18e: {  	s13 =	sand.u32 $0x1C00, s12;
	s12 =	sand.u32 $0x70, s12;
	s16 =	spop (v2sf)  }
0x18f: {  	s18 =	sshll.u32 s16, $0xA;
	s0 =	sshll.u32 s16, $0x7;
	s19 =	spop (v2sf)  }
0x190: {  	s2 =	sand.u32 $0xFFFFE000, s18;
	s0 =	sand.u32 $0x380, s0;
	s20 =	sshll.u32 s19, $0xA  }
0x191: {  	s6 =	sshll.u32 s19, $0x7;
	s21 =	spop (v2sf);
	s0 =	sor.u32 s0, s2  }
0x192: {  	s2 =	sand.u32 $0xFFFFE000, s20;
	s6 =	sand.u32 $0x380, s6;
	s23 =	sshll.u32 s21, $0xA  }
0x193: {  	(v2sf) =	vpush v0, $0xB;
	s24 =	sshll.u32 s21, $0x7;
	s0 =	sadd.s32 $0x10000, s0;
	s22 =	sor.u32 s6, s2  }
0x194: {  	s2 =	sand.u32 $0xFFFFE000, s23;
	s6 =	sand.u32 $0x380, s24;
	[dreg:$0xb] =	wrdreg s0  }
0x195: {  	s0 =	sadd.s32 $0x10000, s22;
	s26 =	sor.u32 s6, s2;
	s25 =	rddreg [dreg:$0xb]  }
0x196: {  	[dreg:$0xc] =	wrdreg s0;
	s0 =	sadd.s32 $0x10000, s26;
	s28 =	sadd.s32 s13, s25  }
0x197: {  	[dreg:$0xd] =	wrdreg s0;
	s1 =	sadd.s32 s12, s28  }
0x198: {  	v1 =	vld [tilespmem:s1+$0x0];
	_ =	sdelay $0x1  }
0x199: {  	(v2sf) =	vpush v0, $0xC  }
0x19a: {  	s14 =	sor.u32 s12, s13;
	s2 =	rddreg [dreg:$0xc]  }
0x19b: {  	s6 =	sor.u32 $0x6000, s14;
	s0 =	sadd.s32 s13, s2  }
0x19c: {  	s0 =	sadd.s32 s12, s0;
	[tilespmem:s6+$0x0] =	vst.add.f32.msk $0xffff, v1  }
0x19d: {  	v1 =	vld [tilespmem:s0+$0x0]  }
0x19e: {  	(v2sf) =	vpush v0, $0xD;
	_ =	sdelay $0x1  }
0x19f: {  	s11 =	rddreg [dreg:$0xd]  }
0x1a0: {  	s18 =	sor.u32 $0x6080, s14;
	s16 =	spop (v2sf);
	(v2sf) =	vpush v0, $0xE;
	s0 =	sadd.s32 s13, s11  }
0x1a1: {  	s23 =	simm.s32 $0x10;
	s22 =	simm.s32 $0x80;
	s0 =	sadd.s32 s12, s0;
	[tilespmem:s18+$0x0] =	vst.add.f32.msk $0xffff, v1  }
0x1a2: {  	s20 =	rddreg [dreg:$0xb];
	s19 =	sshll.u32 s16, $0xA;
	s1 =	sshll.u32 s16, $0x7;
	v1 =	vld [tilespmem:s0+$0x0]  }
0x1a3: {  	s21 =	sand.u32 $0xFFFFE000, s19;
	s1 =	sand.u32 $0x380, s1;
	s0 =	sand.u32 $0x1C00, s22  }
0x1a4: {  	s2 =	sand.u32 $0x70, s23;
	s1 =	sor.u32 s1, s21;
	s6 =	sadd.s32 s0, s20  }
0x1a5: {  	s1 =	sadd.s32 $0x10000, s1;
	s6 =	sadd.s32 s2, s6  }
0x1a6: {  	s24 =	sor.u32 $0x6100, s14;
	s25 =	sadd.s32 s13, s1;
	v2 =	vld [tilespmem:s6+$0x0]  }
0x1a7: {  	s26 =	spop (v2sf);
	s19 =	sadd.s32 s12, s25;
	[tilespmem:s24+$0x0] =	vst.add.f32.msk $0xffff, v1  }
0x1a8: {  	s28 =	rddreg [dreg:$0xc];
	s16 =	sshll.u32 s26, $0x7;
	s20 =	sshll.u32 s26, $0xA;
	v1 =	vld [tilespmem:s19+$0x0]  }
0x1a9: {  	s22 =	sand.u32 $0x380, s16;
	s16 =	sor.u32 s2, s0;
	s21 =	sand.u32 $0xFFFFE000, s20  }
0x1aa: {  	(v2sf) =	vpush v0, $0xF;
	s18 =	sadd.s32 s0, s28;
	s23 =	sor.u32 $0x6000, s16;
	s6 =	sor.u32 s22, s21  }
0x1ab: {  	s25 =	sadd.s32 s2, s18;
	s26 =	sadd.s32 $0x10000, s6;
	[tilespmem:s23+$0x0] =	vst.add.f32.msk $0xffff, v2  }
0x1ac: {  	s20 =	sor.u32 $0x6180, s14;
	s24 =	spop (v2sf);
	s21 =	sadd.s32 s13, s26;
	v0 =	vld [tilespmem:s25+$0x0]  }
0x1ad: {  	s28 =	sshll.u32 s24, $0xA;
	s19 =	sshll.u32 s24, $0x7;
	s23 =	sadd.s32 s12, s21;
	[tilespmem:s20+$0x0] =	vst.add.f32.msk $0xffff, v1  }
0x1ae: {  	s11 =	sand.u32 $0xFFFFE000, s28;
	s24 =	sand.u32 $0x380, s19;
	v1 =	vld [tilespmem:s23+$0x0]  }
0x1af: {  	s11 =	sor.u32 s24, s11;
	s22 =	rddreg [dreg:$0xd];
	s6 =	spop (v2sf)  }
0x1b0: {  	s29 =	sadd.s32 $0x10000, s11;
	s25 =	sor.u32 $0x6080, s16;
	s28 =	sadd.s32 s0, s22  }
0x1b1: {  	s19 =	sshll.u32 s6, $0xA;
	s22 =	simm.s32 $0x100;
	s21 =	sadd.s32 s2, s28;
	[tilespmem:s25+$0x0] =	vst.add.f32.msk $0xffff, v0  }
0x1b2: {  	s24 =	sadd.s32 s13, s29;
	s20 =	rddreg [dreg:$0xb];
	s23 =	sor.u32 $0x6200, s14;
	v0 =	vld [tilespmem:s21+$0x0]  }
0x1b3: {  	s22 =	sand.u32 $0x1C00, s22;
	s28 =	sadd.s32 s12, s24;
	s25 =	simm.s32 $0x20;
	[tilespmem:s23+$0x0] =	vst.add.f32.msk $0xffff, v1  }
0x1b4: {  	s6 =	sshll.u32 s6, $0x7;
	s18 =	sadd.s32 s22, s20;
	s24 =	sand.u32 $0x70, s25;
	v1 =	vld [tilespmem:s28+$0x0]  }
0x1b5: {  	s6 =	sand.u32 $0x380, s6;
	s20 =	sand.u32 $0xFFFFE000, s19;
	s18 =	sadd.s32 s24, s18  }
0x1b6: {  	s6 =	sor.u32 s6, s20;
	s21 =	sor.u32 $0x6100, s16;
	v2 =	vld [tilespmem:s18+$0x0];
	s23 =	sadd.s32 s0, s1  }
0x1b7: {  	s20 =	sor.u32 $0x6280, s14;
	s18 =	sadd.s32 $0x10000, s6;
	s25 =	sadd.s32 s2, s23;
	[tilespmem:s21+$0x0] =	vst.add.f32.msk $0xffff, v0  }
0x1b8: {  	s31 =	sor.u32 s24, s22;
	s6 =	rddreg [dreg:$0xc];
	s21 =	sadd.s32 s13, s18;
	v0 =	vld [tilespmem:s25+$0x0]  }
0x1b9: {  	s28 =	spop (v2sf);
	s6 =	sadd.s32 s22, s6;
	s25 =	sadd.s32 s12, s21;
	[tilespmem:s20+$0x0] =	vst.add.f32.msk $0xffff, v1  }
0x1ba: {  	s23 =	sshll.u32 s28, $0xA;
	s19 =	sshll.u32 s28, $0x7;
	s28 =	sor.u32 $0x6000, s31;
	v3 =	vld [tilespmem:s25+$0x0]  }
0x1bb: {  	s6 =	sadd.s32 s24, s6;
	s23 =	sand.u32 $0xFFFFE000, s23;
	s19 =	sand.u32 $0x380, s19;
	[tilespmem:s28+$0x0] =	vst.add.f32.msk $0xffff, v2  }
0x1bc: {  	s11 =	sor.u32 s19, s23;
	s28 =	sadd.s32 s0, s26;
	v2 =	vld [tilespmem:s6+$0x0];
	s25 =	sor.u32 $0x6180, s16  }
0x1bd: {  	s11 =	sadd.s32 $0x10000, s11;
	s21 =	sadd.s32 s2, s28;
	[tilespmem:s25+$0x0] =	vst.add.f32.msk $0xffff, v0  }
0x1be: {  	s23 =	sor.u32 $0x6300, s14;
	s13 =	sadd.s32 s13, s11;
	v1 =	vld [tilespmem:s21+$0x0]  }
0x1bf: {  	s20 =	rddreg [dreg:$0xd];
	s6 =	simm.s32 $0x30;
	s13 =	sadd.s32 s12, s13;
	[tilespmem:s23+$0x0] =	vst.add.f32.msk $0xffff, v3  }
0x1c0: {  	s28 =	sadd.s32 s22, s20;
	s12 =	simm.s32 $0x180;
	s25 =	sor.u32 $0x6080, s31;
	v0 =	vld [tilespmem:s13+$0x0]  }
0x1c1: {  	s20 =	rddreg [dreg:$0xb];
	s21 =	sadd.s32 s24, s28;
	[tilespmem:s25+$0x0] =	vst.add.f32.msk $0xffff, v2;
	s13 =	simm.s32 $0x40  }
.LBB2_9:
0x1c2: {  	v2 =	vld [tilespmem:s21+$0x0];
	s19 =	sor.u32 $0x6200, s16;
	s28 =	sadd.s32 s0, s29  }
0x1c3: {  	s23 =	sand.u32 $0x1C00, s12;
	s21 =	smov.u32 s24;
	s25 =	sadd.s32 s2, s28;
	[tilespmem:s19+$0x0] =	vst.add.f32.msk $0xffff, v1  }
0x1c4: {  	s24 =	sand.u32 $0x70, s6;
	s14 =	sor.u32 $0x6380, s14;
	s28 =	sadd.s32 s23, s20;
	v1 =	vld [tilespmem:s25+$0x0]  }
0x1c5: {  	s6 =	sadd.s32 s24, s28;
	[tilespmem:s14+$0x0] =	vst.add.f32.msk $0xffff, v0;
	s14 =	smov.u32 s16;
	s16 =	smov.u32 s31  }
0x1c6: {  	s28 =	sadd.s32 s22, s1;
	v0 =	vld [tilespmem:s6+$0x0];
	s20 =	sor.u32 $0x6100, s16  }
0x1c7: {  	s28 =	sadd.s32 s21, s28;
	[tilespmem:s20+$0x0] =	vst.add.f32.msk $0xffff, v2  }
0x1c8: {  	s20 =	sor.u32 $0x6280, s14;
	v2 =	vld [tilespmem:s28+$0x0];
	s28 =	sadd.s32 s0, s18  }
0x1c9: {  	s25 =	rddreg [dreg:$0xc];
	s31 =	sor.u32 s24, s23;
	[tilespmem:s20+$0x0] =	vst.add.f32.msk $0xffff, v1;
	s20 =	sadd.s32 s2, s28  }
0x1ca: {  	s25 =	sadd.s32 s23, s25;
	s28 =	sor.u32 $0x6000, s31;
	v3 =	vld [tilespmem:s20+$0x0]  }
0x1cb: {  	p1 =	sne.s32 s13, $0x3F0;
	[tilespmem:s28+$0x0] =	vst.add.f32.msk $0xffff, v0;
	s28 =	sadd.s32 s24, s25  }
0x1cc: {  	s12 =	sadd.s32 $0x80, s12;
	s20 =	sor.u32 $0x6180, s16;
	v4 =	vld [tilespmem:s28+$0x0];
	s28 =	sadd.s32 s22, s26  }
.Ltmp3:
0x1cd: {  	s6 =	smov.u32 s13;
	[tilespmem:s20+$0x0] =	vst.add.f32.msk $0xffff, v2;
	s28 =	sadd.s32 s21, s28;
	(pc) =	sbr.rel @p1 .LBB2_9-.Ltmp3, $4  }
0x1ce: {  	s25 =	rddreg [dreg:$0xd];
	s20 =	sor.u32 $0x6300, s14;
	v1 =	vld [tilespmem:s28+$0x0];
	s28 =	sadd.s32 s0, s11  }
0x1cf: {  	s0 =	smov.u32 s22;
	s22 =	smov.u32 s23;
	[tilespmem:s20+$0x0] =	vst.add.f32.msk $0xffff, v3;
	s20 =	sadd.s32 s2, s28  }
0x1d0: {  	s13 =	sadd.s32 $0x10, s13;
	s28 =	sor.u32 $0x6080, s31;
	s23 =	sadd.s32 s22, s25;
	v0 =	vld [tilespmem:s20+$0x0]  }
0x1d1: {  	s2 =	smov.u32 s21;
	s20 =	rddreg [dreg:$0xb];
	s21 =	sadd.s32 s24, s23;
	[tilespmem:s28+$0x0] =	vst.add.f32.msk $0xffff, v4  }
0x1d2: {  	s19 =	sand.u32 $0x1C00, s12  }
0x1d3: {  	s13 =	sand.u32 $0x70, s6;
	s23 =	sadd.s32 s19, s20  }
0x1d4: {  	s6 =	sadd.s32 s13, s23  }
0x1d5: {  	v2 =	vld [tilespmem:s6+$0x0];
	_ =	sdelay $0x2  }
0x1d6: {  	s25 =	rddreg [dreg:$0xc];
	s12 =	sor.u32 s13, s19  }
0x1d7: {  	s28 =	sor.u32 $0x6000, s12;
	s6 =	sadd.s32 s19, s25  }
0x1d8: {  	s6 =	sadd.s32 s13, s6;
	[tilespmem:s28+$0x0] =	vst.add.f32.msk $0xffff, v2  }
0x1d9: {  	v2 =	vld [tilespmem:s6+$0x0];
	_ =	sdelay $0x2  }
0x1da: {  	s20 =	rddreg [dreg:$0xd]  }
0x1db: {  	v3 =	vld [tilespmem:s21+$0x0];
	s23 =	sor.u32 $0x6080, s12;
	s6 =	sadd.s32 s19, s20  }
0x1dc: {  	s6 =	sadd.s32 s13, s6;
	[tilespmem:s23+$0x0] =	vst.add.f32.msk $0xffff, v2  }
0x1dd: {  	v2 =	vld [tilespmem:s6+$0x0];
	_ =	sdelay $0x1  }
0x1de: {  	s25 =	sor.u32 $0x6100, s31;
	s28 =	sadd.s32 s22, s1  }
0x1df: {  	[tilespmem:s25+$0x0] =	vst.add.f32.msk $0xffff, v3;
	s20 =	sadd.s32 s24, s28  }
0x1e0: {  	s21 =	sor.u32 $0x6100, s12;
	v3 =	vld [tilespmem:s20+$0x0];
	s23 =	sadd.s32 s19, s1  }
0x1e1: {  	s1 =	sadd.s32 s13, s23;
	[tilespmem:s21+$0x0] =	vst.add.f32.msk $0xffff, v2  }
0x1e2: {  	v2 =	vld [tilespmem:s1+$0x0];
	_ =	sdelay $0x1  }
0x1e3: {  	s25 =	sor.u32 $0x6180, s31;
	s28 =	sadd.s32 s22, s26  }
0x1e4: {  	s20 =	sadd.s32 s24, s28;
	[tilespmem:s25+$0x0] =	vst.add.f32.msk $0xffff, v3  }
0x1e5: {  	s23 =	sadd.s32 s19, s26;
	v3 =	vld [tilespmem:s20+$0x0];
	s21 =	sor.u32 $0x6180, s12  }
0x1e6: {  	s25 =	sadd.s32 s13, s23;
	[tilespmem:s21+$0x0] =	vst.add.f32.msk $0xffff, v2  }
0x1e7: {  	s28 =	sadd.s32 s0, s29;
	s26 =	sor.u32 $0x6200, s16;
	v2 =	vld [tilespmem:s25+$0x0]  }
0x1e8: {  	[tilespmem:s26+$0x0] =	vst.add.f32.msk $0xffff, v1;
	s20 =	sadd.s32 s2, s28  }
0x1e9: {  	s23 =	sadd.s32 s22, s29;
	v1 =	vld [tilespmem:s20+$0x0];
	s21 =	sor.u32 $0x6200, s31  }
0x1ea: {  	[tilespmem:s21+$0x0] =	vst.add.f32.msk $0xffff, v3;
	s25 =	sadd.s32 s24, s23  }
0x1eb: {  	s26 =	sor.u32 $0x6200, s12;
	s28 =	sadd.s32 s19, s29;
	v3 =	vld [tilespmem:s25+$0x0]  }
0x1ec: {  	s20 =	sadd.s32 s13, s28;
	[tilespmem:s26+$0x0] =	vst.add.f32.msk $0xffff, v2  }
0x1ed: {  	s21 =	sor.u32 $0x6280, s16;
	s23 =	sadd.s32 s0, s18;
	v2 =	vld [tilespmem:s20+$0x0]  }
0x1ee: {  	[tilespmem:s21+$0x0] =	vst.add.f32.msk $0xffff, v1;
	s25 =	sadd.s32 s2, s23  }
0x1ef: {  	s28 =	sadd.s32 s22, s18;
	v1 =	vld [tilespmem:s25+$0x0];
	s26 =	sor.u32 $0x6280, s31  }
0x1f0: {  	[tilespmem:s26+$0x0] =	vst.add.f32.msk $0xffff, v3;
	s20 =	sadd.s32 s24, s28  }
0x1f1: {  	s21 =	sor.u32 $0x6280, s12;
	s23 =	sadd.s32 s19, s18;
	v3 =	vld [tilespmem:s20+$0x0]  }
0x1f2: {  	s25 =	sadd.s32 s13, s23;
	[tilespmem:s21+$0x0] =	vst.add.f32.msk $0xffff, v2  }
0x1f3: {  	s26 =	sor.u32 $0x6300, s16;
	s28 =	sadd.s32 s0, s11;
	v2 =	vld [tilespmem:s25+$0x0]  }
0x1f4: {  	[tilespmem:s26+$0x0] =	vst.add.f32.msk $0xffff, v1;
	s0 =	sadd.s32 s2, s28  }
0x1f5: {  	s18 =	sor.u32 $0x6300, s31;
	s20 =	sadd.s32 s22, s11;
	v1 =	vld [tilespmem:s0+$0x0]  }
0x1f6: {  	s21 =	sadd.s32 s24, s20;
	[tilespmem:s18+$0x0] =	vst.add.f32.msk $0xffff, v3  }
0x1f7: {  	s23 =	sadd.s32 s19, s11;
	s22 =	sor.u32 $0x6300, s12;
	v3 =	vld [tilespmem:s21+$0x0]  }
0x1f8: {  	s24 =	sadd.s32 s13, s23;
	[tilespmem:s22+$0x0] =	vst.add.f32.msk $0xffff, v2  }
0x1f9: {  	v2 =	vld [tilespmem:s24+$0x0]  }
0x1fa: {  	s25 =	sor.u32 $0x6380, s14  }
0x1fb: {  	s26 =	sor.u32 $0x6380, s16;
	[tilespmem:s25+$0x0] =	vst.add.f32.msk $0xffff, v0  }
0x1fc: {  	s28 =	sor.u32 $0x6380, s31;
	[tilespmem:s26+$0x0] =	vst.add.f32.msk $0xffff, v1  }
0x1fd: {  	s1 =	sor.u32 $0x6380, s12;
	[tilespmem:s28+$0x0] =	vst.add.f32.msk $0xffff, v3  }
0x1fe: {  	s6 =	simm.s32 $0x6000;
	s2 =	sadd.s32 s30, s10;
	s11 =	simm.s32 $0x3;
	[tilespmem:s1+$0x0] =	vst.add.f32.msk $0xffff, v2  }
0x1ff: {  	[hbm4b:s2+s4] =	stream.linear.scatter [tilespmem:s6], [sflag:$0x6], $0x2000, $0x38;
	[tilespmem:$0x16000] =	vst v63  }
0x200: {  	_ =	swait.ge [sflag:s11], $0x4000  }
0x201: {  	[sflag:s11] =	ssyncset.done $0x0  }
0x202: {  	s0 =	simm.s32 @!p0 $0x6;
	[sflag:s11] =	ssyncadd.s32 $0xFFFFC000  }
0x203: {  	s14 =	sor.u32 $0x2, s9;
	_ =	swait.ge @!p0 [sflag:s0], $0x4000  }
0x204: {  	s12 =	sshll.u32 s14, $0x9;
	[sflag:s0] =	ssyncset.done @!p0 $0x0  }
0x205: {  	s9 =	sshrl.u32 s12, $0x2;
	[sflag:s0] =	ssyncadd.s32 @!p0 $0xFFFFC000;
	s0 =	rddreg [dreg:$0x1f]  }
0x206: {  	s1 =	simm.s32 @!p0 $0x0;
	s2 =	simm.s32 @!p0 $0x4000;
	s0 =	sadd.s32 @!p0 s8, s0  }
0x207: {  	[tilespmem:s2], [sflag:$0x2] =	stream.linear.gather @!p0 [hbm4b:s0+s1], $0x4000, $0x38;
	[tilespmem:$0x16000] =	vst v63  }
0x208: {  	v0 =	vld [tilespmem:s9+$0x14000];
	_ =	sdelay $0x4  }
0x209: {  	(v2sf) =	vpush v0, $0x0;
	_ =	sdelay $0x1  }
0x20a: {  	(v2sf) =	vpush v0, $0x1;
	_ =	sdelay $0x1  }
0x20b: {  	(v2sf) =	vpush v0, $0x2;
	_ =	sdelay $0xa  }
0x20c: {  	s25 =	simm.s32 $0x0;
	s13 =	spop (v2sf)  }
0x20d: {  	s12 =	sand.u32 $0x70, s25;
	s16 =	sshll.u32 s13, $0xA  }
0x20e: {  	s18 =	spop (v2sf);
	s0 =	sshll.u32 s13, $0x7;
	s1 =	sand.u32 $0xFFFFE000, s16  }
0x20f: {  	s0 =	sand.u32 $0x380, s0;
	s19 =	sshll.u32 s18, $0xA;
	s2 =	sshll.u32 s18, $0x7  }
0x210: {  	s21 =	spop (v2sf);
	s0 =	sor.u32 s0, s1;
	s20 =	sand.u32 $0xFFFFE000, s19  }
0x211: {  	s2 =	sand.u32 $0x380, s2;
	s23 =	sshll.u32 s21, $0xA;
	s0 =	sadd.s32 $0x10000, s0  }
0x212: {  	s1 =	sor.u32 s2, s20;
	s2 =	sshll.u32 s21, $0x7;
	[dreg:$0xe] =	wrdreg s0  }
0x213: {  	(v2sf) =	vpush v0, $0x3;
	s22 =	sadd.s32 $0x10000, s1;
	s1 =	sand.u32 $0xFFFFE000, s23;
	s2 =	sand.u32 $0x380, s2  }
0x214: {  	s13 =	sand.u32 $0x1C00, s25;
	s24 =	rddreg [dreg:$0xe];
	s26 =	sor.u32 s2, s1  }
0x215: {  	[dreg:$0xf] =	wrdreg s22;
	s0 =	sadd.s32 $0x10000, s26;
	s28 =	sadd.s32 s13, s24  }
0x216: {  	[dreg:$0x10] =	wrdreg s0;
	s1 =	sadd.s32 s12, s28  }
0x217: {  	v1 =	vld [tilespmem:s1+$0x0];
	_ =	sdelay $0x1  }
0x218: {  	(v2sf) =	vpush v0, $0x4  }
0x219: {  	s30 =	sor.u32 s12, s13;
	s2 =	rddreg [dreg:$0xf]  }
0x21a: {  	s6 =	sor.u32 $0x8000, s30;
	s0 =	sadd.s32 s13, s2  }
0x21b: {  	s0 =	sadd.s32 s12, s0;
	[tilespmem:s6+$0x0] =	vst.add.f32.msk $0xffff, v1  }
0x21c: {  	v1 =	vld [tilespmem:s0+$0x0]  }
0x21d: {  	(v2sf) =	vpush v0, $0x5;
	_ =	sdelay $0x1  }
0x21e: {  	s11 =	rddreg [dreg:$0x10]  }
0x21f: {  	s18 =	sor.u32 $0x8080, s30;
	s23 =	simm.s32 $0x10;
	s0 =	sadd.s32 s13, s11  }
0x220: {  	s20 =	rddreg [dreg:$0xe];
	s16 =	spop (v2sf);
	(v2sf) =	vpush v0, $0x6;
	s0 =	sadd.s32 s12, s0;
	[tilespmem:s18+$0x0] =	vst.add.f32.msk $0xffff, v1  }
0x221: {  	s22 =	simm.s32 $0x80;
	s19 =	sshll.u32 s16, $0xA;
	s1 =	sshll.u32 s16, $0x7;
	v1 =	vld [tilespmem:s0+$0x0]  }
0x222: {  	s21 =	sand.u32 $0xFFFFE000, s19;
	s1 =	sand.u32 $0x380, s1;
	s0 =	sand.u32 $0x1C00, s22  }
0x223: {  	s2 =	sand.u32 $0x70, s23;
	s1 =	sor.u32 s1, s21;
	s6 =	sadd.s32 s0, s20  }
0x224: {  	s1 =	sadd.s32 $0x10000, s1;
	s6 =	sadd.s32 s2, s6  }
0x225: {  	s24 =	sor.u32 $0x8100, s30;
	s25 =	sadd.s32 s13, s1;
	v2 =	vld [tilespmem:s6+$0x0]  }
0x226: {  	s26 =	spop (v2sf);
	s19 =	sadd.s32 s12, s25;
	[tilespmem:s24+$0x0] =	vst.add.f32.msk $0xffff, v1  }
0x227: {  	s28 =	rddreg [dreg:$0xf];
	s16 =	sshll.u32 s26, $0x7;
	s20 =	sshll.u32 s26, $0xA;
	v1 =	vld [tilespmem:s19+$0x0]  }
0x228: {  	(v2sf) =	vpush v0, $0x7;
	s22 =	sand.u32 $0x380, s16;
	s16 =	sor.u32 s2, s0;
	s21 =	sand.u32 $0xFFFFE000, s20  }
0x229: {  	s18 =	sadd.s32 s0, s28;
	s23 =	sor.u32 $0x8000, s16;
	s6 =	sor.u32 s22, s21  }
0x22a: {  	s25 =	sadd.s32 s2, s18;
	s26 =	sadd.s32 $0x10000, s6;
	[tilespmem:s23+$0x0] =	vst.add.f32.msk $0xffff, v2  }
0x22b: {  	s20 =	sor.u32 $0x8180, s30;
	s24 =	spop (v2sf);
	s21 =	sadd.s32 s13, s26;
	v0 =	vld [tilespmem:s25+$0x0]  }
0x22c: {  	s28 =	sshll.u32 s24, $0xA;
	s19 =	sshll.u32 s24, $0x7;
	s23 =	sadd.s32 s12, s21;
	[tilespmem:s20+$0x0] =	vst.add.f32.msk $0xffff, v1  }
0x22d: {  	s11 =	sand.u32 $0xFFFFE000, s28;
	s24 =	sand.u32 $0x380, s19;
	v1 =	vld [tilespmem:s23+$0x0]  }
0x22e: {  	s11 =	sor.u32 s24, s11;
	s24 =	sor.u32 $0x8200, s30;
	s22 =	rddreg [dreg:$0x10]  }
0x22f: {  	s6 =	spop (v2sf);
	s25 =	sor.u32 $0x8080, s16;
	s28 =	sadd.s32 s0, s22  }
0x230: {  	s29 =	sadd.s32 $0x10000, s11;
	s19 =	sshll.u32 s6, $0xA;
	s21 =	sadd.s32 s2, s28;
	[tilespmem:s25+$0x0] =	vst.add.f32.msk $0xffff, v0  }
0x231: {  	s22 =	simm.s32 $0x100;
	s20 =	rddreg [dreg:$0xe];
	s25 =	sadd.s32 s13, s29;
	v0 =	vld [tilespmem:s21+$0x0]  }
0x232: {  	s22 =	sand.u32 $0x1C00, s22;
	s23 =	simm.s32 $0x20;
	s28 =	sadd.s32 s12, s25;
	[tilespmem:s24+$0x0] =	vst.add.f32.msk $0xffff, v1  }
0x233: {  	s6 =	sshll.u32 s6, $0x7;
	s18 =	sadd.s32 s22, s20;
	s24 =	sand.u32 $0x70, s23;
	v1 =	vld [tilespmem:s28+$0x0]  }
0x234: {  	s6 =	sand.u32 $0x380, s6;
	s20 =	sand.u32 $0xFFFFE000, s19;
	s18 =	sadd.s32 s24, s18  }
0x235: {  	s6 =	sor.u32 s6, s20;
	s21 =	sor.u32 $0x8100, s16;
	s23 =	sadd.s32 s0, s1;
	v2 =	vld [tilespmem:s18+$0x0]  }
0x236: {  	s20 =	sor.u32 $0x8280, s30;
	s25 =	sadd.s32 s2, s23;
	s18 =	sadd.s32 $0x10000, s6;
	[tilespmem:s21+$0x0] =	vst.add.f32.msk $0xffff, v0  }
0x237: {  	s28 =	spop (v2sf);
	s31 =	sor.u32 s24, s22;
	s21 =	sadd.s32 s13, s18;
	v0 =	vld [tilespmem:s25+$0x0]  }
0x238: {  	s6 =	rddreg [dreg:$0xf];
	s23 =	sshll.u32 s28, $0xA;
	s25 =	sadd.s32 s12, s21;
	[tilespmem:s20+$0x0] =	vst.add.f32.msk $0xffff, v1  }
0x239: {  	s19 =	sshll.u32 s28, $0x7;
	s28 =	sor.u32 $0x8000, s31;
	s6 =	sadd.s32 s22, s6;
	v3 =	vld [tilespmem:s25+$0x0]  }
0x23a: {  	s23 =	sand.u32 $0xFFFFE000, s23;
	s19 =	sand.u32 $0x380, s19;
	s6 =	sadd.s32 s24, s6;
	[tilespmem:s28+$0x0] =	vst.add.f32.msk $0xffff, v2  }
0x23b: {  	s11 =	sor.u32 s19, s23;
	s25 =	sor.u32 $0x8180, s16;
	s28 =	sadd.s32 s0, s26;
	v2 =	vld [tilespmem:s6+$0x0]  }
0x23c: {  	s11 =	sadd.s32 $0x10000, s11;
	s21 =	sadd.s32 s2, s28;
	[tilespmem:s25+$0x0] =	vst.add.f32.msk $0xffff, v0  }
0x23d: {  	s23 =	sor.u32 $0x8300, s30;
	s13 =	sadd.s32 s13, s11;
	v1 =	vld [tilespmem:s21+$0x0]  }
0x23e: {  	s13 =	sadd.s32 s12, s13;
	s12 =	simm.s32 $0x180;
	s20 =	rddreg [dreg:$0x10];
	[tilespmem:s23+$0x0] =	vst.add.f32.msk $0xffff, v3  }
0x23f: {  	s6 =	simm.s32 $0x30;
	s25 =	sor.u32 $0x8080, s31;
	s28 =	sadd.s32 s22, s20;
	v0 =	vld [tilespmem:s13+$0x0]  }
0x240: {  	s20 =	rddreg [dreg:$0xe];
	s21 =	sadd.s32 s24, s28;
	s13 =	simm.s32 $0x40;
	[tilespmem:s25+$0x0] =	vst.add.f32.msk $0xffff, v2  }
.LBB2_11:
0x241: {  	v2 =	vld [tilespmem:s21+$0x0];
	s19 =	sor.u32 $0x8200, s16;
	s25 =	sadd.s32 s0, s29  }
0x242: {  	s23 =	sand.u32 $0x1C00, s12;
	s21 =	smov.u32 s24;
	s28 =	sadd.s32 s2, s25;
	[tilespmem:s19+$0x0] =	vst.add.f32.msk $0xffff, v1  }
0x243: {  	s24 =	sand.u32 $0x70, s6;
	s25 =	sadd.s32 s23, s20;
	v1 =	vld [tilespmem:s28+$0x0];
	s28 =	sor.u32 $0x8380, s30  }
0x244: {  	s6 =	sadd.s32 s24, s25;
	s30 =	smov.u32 s16;
	s16 =	smov.u32 s31;
	[tilespmem:s28+$0x0] =	vst.add.f32.msk $0xffff, v0  }
0x245: {  	s20 =	sor.u32 $0x8100, s16;
	s28 =	sadd.s32 s22, s1;
	v0 =	vld [tilespmem:s6+$0x0]  }
0x246: {  	[tilespmem:s20+$0x0] =	vst.add.f32.msk $0xffff, v2;
	s28 =	sadd.s32 s21, s28  }
0x247: {  	s20 =	sor.u32 $0x8280, s30;
	v2 =	vld [tilespmem:s28+$0x0];
	s28 =	sadd.s32 s0, s18  }
0x248: {  	s25 =	rddreg [dreg:$0xf];
	s31 =	sor.u32 s24, s23;
	[tilespmem:s20+$0x0] =	vst.add.f32.msk $0xffff, v1;
	s20 =	sadd.s32 s2, s28  }
0x249: {  	s25 =	sadd.s32 s23, s25;
	s28 =	sor.u32 $0x8000, s31;
	v3 =	vld [tilespmem:s20+$0x0]  }
0x24a: {  	p1 =	sne.s32 s13, $0x3F0;
	[tilespmem:s28+$0x0] =	vst.add.f32.msk $0xffff, v0;
	s28 =	sadd.s32 s24, s25  }
0x24b: {  	s12 =	sadd.s32 $0x80, s12;
	s20 =	sor.u32 $0x8180, s16;
	v4 =	vld [tilespmem:s28+$0x0];
	s28 =	sadd.s32 s22, s26  }
.Ltmp4:
0x24c: {  	s6 =	smov.u32 s13;
	[tilespmem:s20+$0x0] =	vst.add.f32.msk $0xffff, v2;
	s28 =	sadd.s32 s21, s28;
	(pc) =	sbr.rel @p1 .LBB2_11-.Ltmp4, $4  }
0x24d: {  	s25 =	rddreg [dreg:$0x10];
	s20 =	sor.u32 $0x8300, s30;
	v1 =	vld [tilespmem:s28+$0x0];
	s28 =	sadd.s32 s0, s11  }
0x24e: {  	s0 =	smov.u32 s22;
	s22 =	smov.u32 s23;
	[tilespmem:s20+$0x0] =	vst.add.f32.msk $0xffff, v3;
	s20 =	sadd.s32 s2, s28  }
0x24f: {  	s13 =	sadd.s32 $0x10, s13;
	s28 =	sor.u32 $0x8080, s31;
	s23 =	sadd.s32 s22, s25;
	v0 =	vld [tilespmem:s20+$0x0]  }
0x250: {  	s2 =	smov.u32 s21;
	s20 =	rddreg [dreg:$0xe];
	s21 =	sadd.s32 s24, s23;
	[tilespmem:s28+$0x0] =	vst.add.f32.msk $0xffff, v4  }
0x251: {  	s19 =	sand.u32 $0x1C00, s12  }
0x252: {  	s13 =	sand.u32 $0x70, s6;
	s12 =	sadd.s32 s19, s20  }
0x253: {  	s6 =	sadd.s32 s13, s12  }
0x254: {  	v2 =	vld [tilespmem:s6+$0x0];
	_ =	sdelay $0x2  }
0x255: {  	s20 =	rddreg [dreg:$0xf];
	s12 =	sor.u32 s13, s19  }
0x256: {  	s23 =	sor.u32 $0x8000, s12;
	s6 =	sadd.s32 s19, s20  }
0x257: {  	s6 =	sadd.s32 s13, s6;
	[tilespmem:s23+$0x0] =	vst.add.f32.msk $0xffff, v2  }
0x258: {  	v2 =	vld [tilespmem:s6+$0x0];
	_ =	sdelay $0x2  }
0x259: {  	s25 =	rddreg [dreg:$0x10]  }
0x25a: {  	v3 =	vld [tilespmem:s21+$0x0];
	s28 =	sor.u32 $0x8080, s12;
	s6 =	sadd.s32 s19, s25  }
0x25b: {  	s6 =	sadd.s32 s13, s6;
	[tilespmem:s28+$0x0] =	vst.add.f32.msk $0xffff, v2  }
0x25c: {  	v2 =	vld [tilespmem:s6+$0x0];
	_ =	sdelay $0x1  }
0x25d: {  	s21 =	sadd.s32 s22, s1;
	s20 =	sor.u32 $0x8100, s31  }
0x25e: {  	[tilespmem:s20+$0x0] =	vst.add.f32.msk $0xffff, v3;
	s23 =	sadd.s32 s24, s21  }
0x25f: {  	v3 =	vld [tilespmem:s23+$0x0];
	s25 =	sor.u32 $0x8100, s12;
	s28 =	sadd.s32 s19, s1  }
0x260: {  	s1 =	sadd.s32 s13, s28;
	[tilespmem:s25+$0x0] =	vst.add.f32.msk $0xffff, v2  }
0x261: {  	v2 =	vld [tilespmem:s1+$0x0];
	_ =	sdelay $0x1  }
0x262: {  	s20 =	sor.u32 $0x8180, s31;
	s21 =	sadd.s32 s22, s26  }
0x263: {  	s23 =	sadd.s32 s24, s21;
	[tilespmem:s20+$0x0] =	vst.add.f32.msk $0xffff, v3  }
0x264: {  	v3 =	vld [tilespmem:s23+$0x0];
	s28 =	sadd.s32 s19, s26;
	s25 =	sor.u32 $0x8180, s12  }
0x265: {  	s20 =	sadd.s32 s13, s28;
	[tilespmem:s25+$0x0] =	vst.add.f32.msk $0xffff, v2  }
0x266: {  	s21 =	sor.u32 $0x8200, s16;
	s23 =	sadd.s32 s0, s29;
	v2 =	vld [tilespmem:s20+$0x0]  }
0x267: {  	[tilespmem:s21+$0x0] =	vst.add.f32.msk $0xffff, v1;
	s25 =	sadd.s32 s2, s23  }
0x268: {  	s26 =	sor.u32 $0x8200, s31;
	s28 =	sadd.s32 s22, s29;
	v1 =	vld [tilespmem:s25+$0x0]  }
0x269: {  	s6 =	sadd.s32 s24, s28;
	[tilespmem:s26+$0x0] =	vst.add.f32.msk $0xffff, v3  }
0x26a: {  	s21 =	sadd.s32 s19, s29;
	v3 =	vld [tilespmem:s6+$0x0];
	s20 =	sor.u32 $0x8200, s12  }
0x26b: {  	s23 =	sadd.s32 s13, s21;
	[tilespmem:s20+$0x0] =	vst.add.f32.msk $0xffff, v2  }
0x26c: {  	s26 =	sadd.s32 s0, s18;
	s25 =	sor.u32 $0x8280, s16;
	v2 =	vld [tilespmem:s23+$0x0]  }
0x26d: {  	s28 =	sadd.s32 s2, s26;
	[tilespmem:s25+$0x0] =	vst.add.f32.msk $0xffff, v1  }
0x26e: {  	s6 =	sor.u32 $0x8280, s31;
	s20 =	sadd.s32 s22, s18;
	v1 =	vld [tilespmem:s28+$0x0]  }
0x26f: {  	[tilespmem:s6+$0x0] =	vst.add.f32.msk $0xffff, v3;
	s21 =	sadd.s32 s24, s20  }
0x270: {  	s25 =	sadd.s32 s19, s18;
	s23 =	sor.u32 $0x8280, s12;
	v3 =	vld [tilespmem:s21+$0x0]  }
0x271: {  	s26 =	sadd.s32 s13, s25;
	[tilespmem:s23+$0x0] =	vst.add.f32.msk $0xffff, v2  }
0x272: {  	s18 =	sadd.s32 s0, s11;
	s28 =	sor.u32 $0x8300, s16;
	v2 =	vld [tilespmem:s26+$0x0]  }
0x273: {  	s0 =	sadd.s32 s2, s18;
	[tilespmem:s28+$0x0] =	vst.add.f32.msk $0xffff, v1  }
0x274: {  	s20 =	sor.u32 $0x8300, s31;
	s21 =	sadd.s32 s22, s11;
	v1 =	vld [tilespmem:s0+$0x0]  }
0x275: {  	s22 =	sadd.s32 s24, s21;
	[tilespmem:s20+$0x0] =	vst.add.f32.msk $0xffff, v3  }
0x276: {  	s24 =	sadd.s32 s19, s11;
	s23 =	sor.u32 $0x8300, s12;
	v3 =	vld [tilespmem:s22+$0x0]  }
0x277: {  	s25 =	sadd.s32 s13, s24;
	[tilespmem:s23+$0x0] =	vst.add.f32.msk $0xffff, v2  }
0x278: {  	v2 =	vld [tilespmem:s25+$0x0]  }
0x279: {  	s26 =	sor.u32 $0x8380, s30  }
0x27a: {  	s28 =	sor.u32 $0x8380, s16;
	[tilespmem:s26+$0x0] =	vst.add.f32.msk $0xffff, v0  }
0x27b: {  	s1 =	sor.u32 $0x8380, s31;
	s2 =	sshll.u32 s14, $0xB;
	[tilespmem:s28+$0x0] =	vst.add.f32.msk $0xffff, v1  }
0x27c: {  	s6 =	sor.u32 $0x8380, s12;
	s14 =	sadd.s32 s5, s2;
	[tilespmem:s1+$0x0] =	vst.add.f32.msk $0xffff, v3  }
0x27d: {  	s11 =	sadd.s32 s3, s14;
	s13 =	simm.s32 $0x8000;
	s12 =	simm.s32 $0x0;
	[tilespmem:s6+$0x0] =	vst.add.f32.msk $0xffff, v2  }
0x27e: {  	[hbm4b:s11+s12] =	stream.linear.scatter [tilespmem:s13], [sflag:$0x7], $0x2000, $0x38;
	[tilespmem:$0x16000] =	vst v63  }
0x27f: {  	v0 =	vld [tilespmem:s9+$0x14000];
	_ =	sdelay $0x4  }
0x280: {  	(v2sf) =	vpush v0, $0x8  }
0x281: {  	(v2sf) =	vpush v0, $0x9;
	_ =	sdelay $0x1  }
0x282: {  	(v2sf) =	vpush v0, $0xA;
	_ =	sdelay $0xb  }
0x283: {  	s13 =	sand.u32 $0x1C00, s12;
	s12 =	sand.u32 $0x70, s12;
	s16 =	spop (v2sf)  }
0x284: {  	s18 =	sshll.u32 s16, $0xA;
	s0 =	sshll.u32 s16, $0x7;
	s19 =	spop (v2sf)  }
0x285: {  	s2 =	sand.u32 $0xFFFFE000, s18;
	s0 =	sand.u32 $0x380, s0;
	s20 =	sshll.u32 s19, $0xA  }
0x286: {  	s6 =	sshll.u32 s19, $0x7;
	s21 =	spop (v2sf);
	s0 =	sor.u32 s0, s2  }
0x287: {  	s2 =	sand.u32 $0xFFFFE000, s20;
	s6 =	sand.u32 $0x380, s6;
	s23 =	sshll.u32 s21, $0xA  }
0x288: {  	s24 =	sshll.u32 s21, $0x7;
	s0 =	sadd.s32 $0x10000, s0;
	s22 =	sor.u32 s6, s2  }
0x289: {  	(v2sf) =	vpush v0, $0xB;
	s2 =	sand.u32 $0xFFFFE000, s23;
	s6 =	sand.u32 $0x380, s24;
	[dreg:$0x11] =	wrdreg s0  }
0x28a: {  	s0 =	sadd.s32 $0x10000, s22;
	s26 =	sor.u32 s6, s2;
	s25 =	rddreg [dreg:$0x11]  }
0x28b: {  	[dreg:$0x12] =	wrdreg s0;
	s0 =	sadd.s32 $0x10000, s26;
	s28 =	sadd.s32 s13, s25  }
0x28c: {  	[dreg:$0x13] =	wrdreg s0;
	s31 =	sadd.s32 s12, s28  }
0x28d: {  	v1 =	vld [tilespmem:s31+$0x0];
	_ =	sdelay $0x1  }
0x28e: {  	(v2sf) =	vpush v0, $0xC  }
0x28f: {  	s9 =	sor.u32 s12, s13;
	s1 =	rddreg [dreg:$0x12]  }
0x290: {  	s2 =	sor.u32 $0xA000, s9;
	s0 =	sadd.s32 s13, s1  }
0x291: {  	s0 =	sadd.s32 s12, s0;
	[tilespmem:s2+$0x0] =	vst.add.f32.msk $0xffff, v1  }
0x292: {  	v1 =	vld [tilespmem:s0+$0x0]  }
0x293: {  	(v2sf) =	vpush v0, $0xD;
	_ =	sdelay $0x1  }
0x294: {  	s6 =	rddreg [dreg:$0x13]  }
0x295: {  	s16 =	sor.u32 $0xA080, s9;
	s21 =	simm.s32 $0x80;
	s0 =	sadd.s32 s13, s6  }
0x296: {  	s22 =	simm.s32 $0x10;
	s11 =	spop (v2sf);
	s0 =	sadd.s32 s12, s0;
	[tilespmem:s16+$0x0] =	vst.add.f32.msk $0xffff, v1  }
0x297: {  	s19 =	rddreg [dreg:$0x11];
	(v2sf) =	vpush v0, $0xE;
	s18 =	sshll.u32 s11, $0xA;
	s1 =	sshll.u32 s11, $0x7;
	v1 =	vld [tilespmem:s0+$0x0]  }
0x298: {  	s20 =	sand.u32 $0xFFFFE000, s18;
	s1 =	sand.u32 $0x380, s1;
	s0 =	sand.u32 $0x1C00, s21  }
0x299: {  	s2 =	sand.u32 $0x70, s22;
	s1 =	sor.u32 s1, s20;
	s6 =	sadd.s32 s0, s19  }
0x29a: {  	s1 =	sadd.s32 $0x10000, s1;
	s6 =	sadd.s32 s2, s6  }
0x29b: {  	s23 =	sor.u32 $0xA100, s9;
	s24 =	sadd.s32 s13, s1;
	v2 =	vld [tilespmem:s6+$0x0]  }
0x29c: {  	s25 =	spop (v2sf);
	s28 =	sadd.s32 s12, s24;
	[tilespmem:s23+$0x0] =	vst.add.f32.msk $0xffff, v1  }
0x29d: {  	s26 =	rddreg [dreg:$0x12];
	s31 =	sshll.u32 s25, $0xA;
	s16 =	sshll.u32 s25, $0x7;
	v1 =	vld [tilespmem:s28+$0x0]  }
0x29e: {  	(v2sf) =	vpush v0, $0xF;
	s20 =	sand.u32 $0x380, s16;
	s19 =	sand.u32 $0xFFFFE000, s31;
	s16 =	sor.u32 s2, s0  }
0x29f: {  	s18 =	sadd.s32 s0, s26;
	s21 =	sor.u32 $0xA000, s16;
	s6 =	sor.u32 s20, s19  }
0x2a0: {  	s26 =	sadd.s32 $0x10000, s6;
	s23 =	sadd.s32 s2, s18;
	[tilespmem:s21+$0x0] =	vst.add.f32.msk $0xffff, v2  }
0x2a1: {  	s22 =	spop (v2sf);
	s25 =	sor.u32 $0xA180, s9;
	s28 =	sadd.s32 s13, s26;
	v0 =	vld [tilespmem:s23+$0x0]  }
0x2a2: {  	s24 =	sshll.u32 s22, $0xA;
	s18 =	sadd.s32 s12, s28;
	[tilespmem:s25+$0x0] =	vst.add.f32.msk $0xffff, v1  }
0x2a3: {  	s11 =	sand.u32 $0xFFFFE000, s24;
	s19 =	sshll.u32 s22, $0x7;
	s20 =	rddreg [dreg:$0x11];
	v1 =	vld [tilespmem:s18+$0x0]  }
0x2a4: {  	s24 =	simm.s32 $0x100;
	s19 =	sand.u32 $0x380, s19;
	s31 =	rddreg [dreg:$0x13]  }
0x2a5: {  	s11 =	sor.u32 s19, s11;
	s21 =	sor.u32 $0xA080, s16;
	s22 =	sadd.s32 s0, s31  }
0x2a6: {  	s29 =	sadd.s32 $0x10000, s11;
	s6 =	spop (v2sf);
	s23 =	sadd.s32 s2, s22;
	[tilespmem:s21+$0x0] =	vst.add.f32.msk $0xffff, v0  }
0x2a7: {  	s28 =	sadd.s32 s13, s29;
	s19 =	sshll.u32 s6, $0xA;
	s25 =	sor.u32 $0xA200, s9;
	v0 =	vld [tilespmem:s23+$0x0]  }
0x2a8: {  	s31 =	sadd.s32 s12, s28;
	s22 =	sand.u32 $0x1C00, s24;
	s23 =	simm.s32 $0x20;
	[tilespmem:s25+$0x0] =	vst.add.f32.msk $0xffff, v1  }
0x2a9: {  	s6 =	sshll.u32 s6, $0x7;
	s18 =	sadd.s32 s22, s20;
	s24 =	sand.u32 $0x70, s23;
	v1 =	vld [tilespmem:s31+$0x0]  }
0x2aa: {  	s6 =	sand.u32 $0x380, s6;
	s21 =	sand.u32 $0xFFFFE000, s19;
	s18 =	sadd.s32 s24, s18  }
0x2ab: {  	s6 =	sor.u32 s6, s21;
	s23 =	sor.u32 $0xA100, s16;
	s25 =	sadd.s32 s0, s1;
	v2 =	vld [tilespmem:s18+$0x0]  }
0x2ac: {  	s20 =	sor.u32 $0xA280, s9;
	s18 =	sadd.s32 $0x10000, s6;
	s28 =	sadd.s32 s2, s25;
	[tilespmem:s23+$0x0] =	vst.add.f32.msk $0xffff, v0  }
0x2ad: {  	s30 =	sor.u32 s24, s22;
	s31 =	spop (v2sf);
	s21 =	sadd.s32 s13, s18;
	v0 =	vld [tilespmem:s28+$0x0]  }
0x2ae: {  	s6 =	rddreg [dreg:$0x12];
	s19 =	sshll.u32 s31, $0x7;
	s25 =	sadd.s32 s12, s21;
	[tilespmem:s20+$0x0] =	vst.add.f32.msk $0xffff, v1  }
0x2af: {  	s6 =	sadd.s32 s22, s6;
	s23 =	sshll.u32 s31, $0xA;
	s28 =	sor.u32 $0xA000, s30;
	v3 =	vld [tilespmem:s25+$0x0]  }
0x2b0: {  	s19 =	sand.u32 $0x380, s19;
	s6 =	sadd.s32 s24, s6;
	s31 =	sand.u32 $0xFFFFE000, s23;
	[tilespmem:s28+$0x0] =	vst.add.f32.msk $0xffff, v2  }
0x2b1: {  	s21 =	sadd.s32 s0, s26;
	s11 =	sor.u32 s19, s31;
	s19 =	sor.u32 $0xA180, s16;
	v2 =	vld [tilespmem:s6+$0x0]  }
0x2b2: {  	s23 =	sadd.s32 s2, s21;
	s11 =	sadd.s32 $0x10000, s11;
	[tilespmem:s19+$0x0] =	vst.add.f32.msk $0xffff, v0  }
0x2b3: {  	s25 =	sor.u32 $0xA300, s9;
	s13 =	sadd.s32 s13, s11;
	v1 =	vld [tilespmem:s23+$0x0]  }
0x2b4: {  	s28 =	sor.u32 $0xA080, s30;
	s20 =	rddreg [dreg:$0x13];
	s13 =	sadd.s32 s12, s13;
	[tilespmem:s25+$0x0] =	vst.add.f32.msk $0xffff, v3  }
0x2b5: {  	s6 =	simm.s32 $0x30;
	s31 =	sadd.s32 s22, s20;
	s12 =	simm.s32 $0x180;
	v0 =	vld [tilespmem:s13+$0x0]  }
0x2b6: {  	s20 =	rddreg [dreg:$0x11];
	s21 =	sadd.s32 s24, s31;
	[tilespmem:s28+$0x0] =	vst.add.f32.msk $0xffff, v2;
	s13 =	simm.s32 $0x40  }
.LBB2_13:
0x2b7: {  	v2 =	vld [tilespmem:s21+$0x0];
	s19 =	sor.u32 $0xA200, s16;
	s28 =	sadd.s32 s0, s29  }
0x2b8: {  	s23 =	sand.u32 $0x1C00, s12;
	s21 =	smov.u32 s24;
	s31 =	sadd.s32 s2, s28;
	[tilespmem:s19+$0x0] =	vst.add.f32.msk $0xffff, v1  }
0x2b9: {  	s24 =	sand.u32 $0x70, s6;
	s9 =	sor.u32 $0xA380, s9;
	s25 =	sadd.s32 s23, s20;
	v1 =	vld [tilespmem:s31+$0x0]  }
0x2ba: {  	s6 =	sadd.s32 s24, s25;
	[tilespmem:s9+$0x0] =	vst.add.f32.msk $0xffff, v0;
	s9 =	smov.u32 s16;
	s16 =	smov.u32 s30  }
0x2bb: {  	s31 =	sadd.s32 s22, s1;
	v0 =	vld [tilespmem:s6+$0x0];
	s28 =	sor.u32 $0xA100, s16  }
0x2bc: {  	s20 =	sadd.s32 s21, s31;
	[tilespmem:s28+$0x0] =	vst.add.f32.msk $0xffff, v2  }
0x2bd: {  	s31 =	sadd.s32 s0, s18;
	s28 =	sor.u32 $0xA280, s9;
	v2 =	vld [tilespmem:s20+$0x0]  }
0x2be: {  	s25 =	rddreg [dreg:$0x12];
	s30 =	sor.u32 s24, s23;
	[tilespmem:s28+$0x0] =	vst.add.f32.msk $0xffff, v1;
	s28 =	sadd.s32 s2, s31  }
0x2bf: {  	s25 =	sadd.s32 s23, s25;
	s31 =	sor.u32 $0xA000, s30;
	v3 =	vld [tilespmem:s28+$0x0]  }
0x2c0: {  	p1 =	sne.s32 s13, $0x3F0;
	s25 =	sadd.s32 s24, s25;
	[tilespmem:s31+$0x0] =	vst.add.f32.msk $0xffff, v0  }
0x2c1: {  	s12 =	sadd.s32 $0x80, s12;
	s28 =	sor.u32 $0xA180, s16;
	s31 =	sadd.s32 s22, s26;
	v4 =	vld [tilespmem:s25+$0x0]  }
.Ltmp5:
0x2c2: {  	s6 =	smov.u32 s13;
	s20 =	sadd.s32 s21, s31;
	[tilespmem:s28+$0x0] =	vst.add.f32.msk $0xffff, v2;
	(pc) =	sbr.rel @p1 .LBB2_13-.Ltmp5, $4  }
0x2c3: {  	s25 =	rddreg [dreg:$0x13];
	s31 =	sadd.s32 s0, s11;
	s28 =	sor.u32 $0xA300, s9;
	v1 =	vld [tilespmem:s20+$0x0]  }
0x2c4: {  	s0 =	smov.u32 s22;
	s22 =	smov.u32 s23;
	[tilespmem:s28+$0x0] =	vst.add.f32.msk $0xffff, v3;
	s28 =	sadd.s32 s2, s31  }
0x2c5: {  	s13 =	sadd.s32 $0x10, s13;
	s23 =	sadd.s32 s22, s25;
	s31 =	sor.u32 $0xA080, s30;
	v0 =	vld [tilespmem:s28+$0x0]  }
0x2c6: {  	s20 =	rddreg [dreg:$0x11];
	s2 =	smov.u32 s21;
	s21 =	sadd.s32 s24, s23;
	[tilespmem:s31+$0x0] =	vst.add.f32.msk $0xffff, v4  }
0x2c7: {  	s19 =	sand.u32 $0x1C00, s12  }
0x2c8: {  	s13 =	sand.u32 $0x70, s6;
	s20 =	sadd.s32 s19, s20  }
0x2c9: {  	s6 =	sadd.s32 s13, s20  }
0x2ca: {  	v2 =	vld [tilespmem:s6+$0x0];
	_ =	sdelay $0x2  }
0x2cb: {  	s23 =	rddreg [dreg:$0x12];
	s12 =	sor.u32 s13, s19  }
0x2cc: {  	s25 =	sor.u32 $0xA000, s12;
	s6 =	sadd.s32 s19, s23  }
0x2cd: {  	s6 =	sadd.s32 s13, s6;
	[tilespmem:s25+$0x0] =	vst.add.f32.msk $0xffff, v2  }
0x2ce: {  	v2 =	vld [tilespmem:s6+$0x0];
	_ =	sdelay $0x2  }
0x2cf: {  	s28 =	rddreg [dreg:$0x13]  }
0x2d0: {  	v3 =	vld [tilespmem:s21+$0x0];
	s31 =	sor.u32 $0xA080, s12;
	s6 =	sadd.s32 s19, s28  }
0x2d1: {  	s6 =	sadd.s32 s13, s6;
	[tilespmem:s31+$0x0] =	vst.add.f32.msk $0xffff, v2  }
0x2d2: {  	v2 =	vld [tilespmem:s6+$0x0];
	_ =	sdelay $0x1  }
0x2d3: {  	s21 =	sor.u32 $0xA100, s30;
	s23 =	sadd.s32 s22, s1  }
0x2d4: {  	[tilespmem:s21+$0x0] =	vst.add.f32.msk $0xffff, v3;
	s25 =	sadd.s32 s24, s23  }
0x2d5: {  	v3 =	vld [tilespmem:s25+$0x0];
	s28 =	sor.u32 $0xA100, s12;
	s31 =	sadd.s32 s19, s1  }
0x2d6: {  	s1 =	sadd.s32 s13, s31;
	[tilespmem:s28+$0x0] =	vst.add.f32.msk $0xffff, v2  }
0x2d7: {  	v2 =	vld [tilespmem:s1+$0x0];
	_ =	sdelay $0x1  }
0x2d8: {  	s20 =	sadd.s32 s22, s26;
	s6 =	sor.u32 $0xA180, s30  }
0x2d9: {  	s21 =	sadd.s32 s24, s20;
	[tilespmem:s6+$0x0] =	vst.add.f32.msk $0xffff, v3  }
0x2da: {  	s23 =	sor.u32 $0xA180, s12;
	s25 =	sadd.s32 s19, s26;
	v3 =	vld [tilespmem:s21+$0x0]  }
0x2db: {  	s26 =	sadd.s32 s13, s25;
	[tilespmem:s23+$0x0] =	vst.add.f32.msk $0xffff, v2  }
0x2dc: {  	s31 =	sadd.s32 s0, s29;
	s28 =	sor.u32 $0xA200, s16;
	v2 =	vld [tilespmem:s26+$0x0]  }
0x2dd: {  	s6 =	sadd.s32 s2, s31;
	[tilespmem:s28+$0x0] =	vst.add.f32.msk $0xffff, v1  }
0x2de: {  	s20 =	sor.u32 $0xA200, s30;
	s21 =	sadd.s32 s22, s29;
	v1 =	vld [tilespmem:s6+$0x0]  }
0x2df: {  	[tilespmem:s20+$0x0] =	vst.add.f32.msk $0xffff, v3;
	s23 =	sadd.s32 s24, s21  }
0x2e0: {  	s25 =	sor.u32 $0xA200, s12;
	v3 =	vld [tilespmem:s23+$0x0];
	s26 =	sadd.s32 s19, s29  }
0x2e1: {  	s28 =	sadd.s32 s13, s26;
	[tilespmem:s25+$0x0] =	vst.add.f32.msk $0xffff, v2  }
0x2e2: {  	s31 =	sadd.s32 s0, s18;
	s29 =	sor.u32 $0xA280, s16;
	v2 =	vld [tilespmem:s28+$0x0]  }
0x2e3: {  	s6 =	sadd.s32 s2, s31;
	[tilespmem:s29+$0x0] =	vst.add.f32.msk $0xffff, v1  }
0x2e4: {  	s20 =	sor.u32 $0xA280, s30;
	s21 =	sadd.s32 s22, s18;
	v1 =	vld [tilespmem:s6+$0x0]  }
0x2e5: {  	s23 =	sadd.s32 s24, s21;
	[tilespmem:s20+$0x0] =	vst.add.f32.msk $0xffff, v3  }
0x2e6: {  	s26 =	sadd.s32 s19, s18;
	s25 =	sor.u32 $0xA280, s12;
	v3 =	vld [tilespmem:s23+$0x0]  }
0x2e7: {  	s28 =	sadd.s32 s13, s26;
	[tilespmem:s25+$0x0] =	vst.add.f32.msk $0xffff, v2  }
0x2e8: {  	s31 =	sadd.s32 s0, s11;
	s29 =	sor.u32 $0xA300, s16;
	v2 =	vld [tilespmem:s28+$0x0]  }
0x2e9: {  	s0 =	sadd.s32 s2, s31;
	[tilespmem:s29+$0x0] =	vst.add.f32.msk $0xffff, v1  }
0x2ea: {  	s18 =	sor.u32 $0xA300, s30;
	s20 =	sadd.s32 s22, s11;
	v1 =	vld [tilespmem:s0+$0x0]  }
0x2eb: {  	s21 =	sadd.s32 s24, s20;
	[tilespmem:s18+$0x0] =	vst.add.f32.msk $0xffff, v3  }
0x2ec: {  	s22 =	sor.u32 $0xA300, s12;
	s23 =	sadd.s32 s19, s11;
	v3 =	vld [tilespmem:s21+$0x0]  }
0x2ed: {  	s24 =	sadd.s32 s13, s23;
	[tilespmem:s22+$0x0] =	vst.add.f32.msk $0xffff, v2  }
0x2ee: {  	v2 =	vld [tilespmem:s24+$0x0]  }
0x2ef: {  	s25 =	sor.u32 $0xA380, s9  }
0x2f0: {  	s26 =	sor.u32 $0xA380, s16;
	[tilespmem:s25+$0x0] =	vst.add.f32.msk $0xffff, v0  }
0x2f1: {  	s28 =	sor.u32 $0xA380, s30;
	[tilespmem:s26+$0x0] =	vst.add.f32.msk $0xffff, v1  }
0x2f2: {  	s29 =	sor.u32 $0xA380, s12;
	[tilespmem:s28+$0x0] =	vst.add.f32.msk $0xffff, v3  }
0x2f3: {  	s1 =	simm.s32 $0x4;
	s31 =	simm.s32 $0xA000;
	s30 =	sadd.s32 s14, s10;
	[tilespmem:s29+$0x0] =	vst.add.f32.msk $0xffff, v2  }
0x2f4: {  	[hbm4b:s30+s4] =	stream.linear.scatter [tilespmem:s31], [sflag:$0x7], $0x2000, $0x38;
	[tilespmem:$0x16000] =	vst v63  }
0x2f5: {  	_ =	swait.ge [sflag:s1], $0x4000  }
0x2f6: {  	[sflag:s1] =	ssyncset.done $0x0  }
0x2f7: {  	s0 =	simm.s32 @!p0 $0x7;
	[sflag:s1] =	ssyncadd.s32 $0xFFFFC000  }
0x2f8: {  	_ =	swait.ge @!p0 [sflag:s0], $0x4000  }
0x2f9: {  	[sflag:s0] =	ssyncset.done @!p0 $0x0  }
0x2fa: {  	[sflag:s0] =	ssyncadd.s32 @!p0 $0xFFFFC000;
	s0 =	sld [smem:$0x7FC];
	_ =	sdelay $0x2  }
0x2fb: {  	s2 =	simm.s32 @!p0 $0x8000;
	s1 =	simm.s32 @!p0 $0x0;
	s0 =	sadd.s32 @!p0 s8, s0  }
0x2fc: {  	[tilespmem:s2], [sflag:$0x3] =	stream.linear.gather @!p0 [hbm4b:s0+s1], $0x4000, $0x38;
	[tilespmem:$0x16000] =	vst v63  }
0x2fd: {  	s2 =	sshll.u32 s7, $0x9  }
0x2fe: {  	s7 =	sshrl.u32 s2, $0x2  }
0x2ff: {  	v0 =	vld [tilespmem:s7+$0x14000];
	_ =	sdelay $0x4  }
0x300: {  	(v2sf) =	vpush v0, $0x0;
	_ =	sdelay $0x1  }
0x301: {  	(v2sf) =	vpush v0, $0x1  }
0x302: {  	(v2sf) =	vpush v0, $0x2;
	_ =	sdelay $0xb  }
0x303: {  	s6 =	spop (v2sf)  }
0x304: {  	s19 =	simm.s32 $0x0;
	s8 =	sshll.u32 s6, $0xA;
	s0 =	sshll.u32 s6, $0x7  }
0x305: {  	s9 =	spop (v2sf);
	s1 =	sand.u32 $0xFFFFE000, s8;
	s0 =	sand.u32 $0x380, s0  }
0x306: {  	s11 =	sshll.u32 s9, $0xA;
	s2 =	sshll.u32 s9, $0x7;
	s13 =	spop (v2sf)  }
0x307: {  	s0 =	sor.u32 s0, s1;
	s12 =	sand.u32 $0xFFFFE000, s11;
	s2 =	sand.u32 $0x380, s2  }
0x308: {  	s16 =	sshll.u32 s13, $0xA;
	s0 =	sadd.s32 $0x10000, s0;
	s1 =	sor.u32 s2, s12  }
0x309: {  	s2 =	sshll.u32 s13, $0x7;
	s13 =	sand.u32 $0x1C00, s19;
	[dreg:$0x14] =	wrdreg s0  }
0x30a: {  	(v2sf) =	vpush v0, $0x3;
	s14 =	sadd.s32 $0x10000, s1;
	s1 =	sand.u32 $0xFFFFE000, s16;
	s2 =	sand.u32 $0x380, s2  }
0x30b: {  	s12 =	sand.u32 $0x70, s19;
	s18 =	rddreg [dreg:$0x14];
	s20 =	sor.u32 s2, s1  }
0x30c: {  	[dreg:$0x15] =	wrdreg s14;
	s0 =	sadd.s32 $0x10000, s20;
	s21 =	sadd.s32 s13, s18  }
0x30d: {  	[dreg:$0x16] =	wrdreg s0;
	s22 =	sadd.s32 s12, s21  }
0x30e: {  	v1 =	vld [tilespmem:s22+$0x0];
	_ =	sdelay $0x1  }
0x30f: {  	(v2sf) =	vpush v0, $0x4  }
0x310: {  	s8 =	sor.u32 s12, s13;
	s23 =	rddreg [dreg:$0x15]  }
0x311: {  	s24 =	sor.u32 $0xC000, s8;
	s0 =	sadd.s32 s13, s23  }
0x312: {  	s0 =	sadd.s32 s12, s0;
	[tilespmem:s24+$0x0] =	vst.add.f32.msk $0xffff, v1  }
0x313: {  	v1 =	vld [tilespmem:s0+$0x0]  }
0x314: {  	(v2sf) =	vpush v0, $0x5;
	_ =	sdelay $0x1  }
0x315: {  	s25 =	rddreg [dreg:$0x16]  }
0x316: {  	s11 =	simm.s32 $0x80;
	s28 =	sor.u32 $0xC080, s8;
	s0 =	sadd.s32 s13, s25  }
0x317: {  	s30 =	rddreg [dreg:$0x14];
	s26 =	spop (v2sf);
	s0 =	sadd.s32 s12, s0;
	[tilespmem:s28+$0x0] =	vst.add.f32.msk $0xffff, v1  }
0x318: {  	s14 =	simm.s32 $0x10;
	(v2sf) =	vpush v0, $0x6;
	s29 =	sshll.u32 s26, $0xA;
	s1 =	sshll.u32 s26, $0x7;
	v1 =	vld [tilespmem:s0+$0x0]  }
0x319: {  	s31 =	sand.u32 $0xFFFFE000, s29;
	s1 =	sand.u32 $0x380, s1;
	s0 =	sand.u32 $0x1C00, s11  }
0x31a: {  	s2 =	sand.u32 $0x70, s14;
	s1 =	sor.u32 s1, s31;
	s6 =	sadd.s32 s0, s30  }
0x31b: {  	s1 =	sadd.s32 $0x10000, s1;
	s6 =	sadd.s32 s2, s6  }
0x31c: {  	s16 =	sor.u32 $0xC100, s8;
	s18 =	sadd.s32 s13, s1;
	v2 =	vld [tilespmem:s6+$0x0]  }
0x31d: {  	s19 =	spop (v2sf);
	s21 =	sadd.s32 s12, s18;
	[tilespmem:s16+$0x0] =	vst.add.f32.msk $0xffff, v1  }
0x31e: {  	s20 =	rddreg [dreg:$0x15];
	(v2sf) =	vpush v0, $0x7;
	s22 =	sshll.u32 s19, $0xA;
	s11 =	sshll.u32 s19, $0x7;
	v1 =	vld [tilespmem:s21+$0x0]  }
0x31f: {  	s23 =	sand.u32 $0xFFFFE000, s22;
	s11 =	sand.u32 $0x380, s11;
	s9 =	sor.u32 s2, s0  }
0x320: {  	s14 =	sadd.s32 s0, s20;
	s24 =	sor.u32 $0xC000, s9;
	s6 =	sor.u32 s11, s23  }
0x321: {  	s26 =	sadd.s32 s2, s14;
	s22 =	sadd.s32 $0x10000, s6;
	[tilespmem:s24+$0x0] =	vst.add.f32.msk $0xffff, v2  }
0x322: {  	s25 =	spop (v2sf);
	s29 =	sor.u32 $0xC180, s8;
	s30 =	sadd.s32 s13, s22;
	v0 =	vld [tilespmem:s26+$0x0]  }
0x323: {  	s28 =	sshll.u32 s25, $0xA;
	s14 =	sadd.s32 s12, s30;
	[tilespmem:s29+$0x0] =	vst.add.f32.msk $0xffff, v1  }
0x324: {  	s11 =	sand.u32 $0xFFFFE000, s28;
	s28 =	sor.u32 $0xC080, s9;
	s16 =	sshll.u32 s25, $0x7;
	v1 =	vld [tilespmem:s14+$0x0]  }
0x325: {  	s23 =	simm.s32 $0x100;
	s19 =	sand.u32 $0x380, s16;
	s31 =	rddreg [dreg:$0x16]  }
0x326: {  	s25 =	sor.u32 $0xC200, s8;
	s11 =	sor.u32 s19, s11;
	s29 =	sadd.s32 s0, s31  }
0x327: {  	s24 =	sadd.s32 $0x10000, s11;
	s20 =	spop (v2sf);
	s21 =	sadd.s32 s2, s29;
	[tilespmem:s28+$0x0] =	vst.add.f32.msk $0xffff, v0  }
0x328: {  	s26 =	sadd.s32 s13, s24;
	s30 =	sshll.u32 s20, $0xA;
	s31 =	rddreg [dreg:$0x14];
	v0 =	vld [tilespmem:s21+$0x0]  }
0x329: {  	s14 =	sand.u32 $0x1C00, s23;
	s29 =	sadd.s32 s12, s26;
	s28 =	simm.s32 $0x20;
	[tilespmem:s25+$0x0] =	vst.add.f32.msk $0xffff, v1  }
0x32a: {  	s6 =	sshll.u32 s20, $0x7;
	s19 =	sadd.s32 s14, s31;
	s16 =	sand.u32 $0x70, s28;
	v1 =	vld [tilespmem:s29+$0x0]  }
0x32b: {  	s30 =	sand.u32 $0xFFFFE000, s30;
	s6 =	sand.u32 $0x380, s6;
	s31 =	sadd.s32 s16, s19  }
0x32c: {  	s20 =	sadd.s32 s0, s1;
	s6 =	sor.u32 s6, s30;
	s19 =	sor.u32 $0xC100, s9;
	v2 =	vld [tilespmem:s31+$0x0]  }
0x32d: {  	s23 =	spop (v2sf);
	s18 =	sadd.s32 $0x10000, s6;
	s21 =	sadd.s32 s2, s20;
	[tilespmem:s19+$0x0] =	vst.add.f32.msk $0xffff, v0  }
0x32e: {  	s6 =	rddreg [dreg:$0x15];
	s28 =	sadd.s32 s13, s18;
	s25 =	sor.u32 $0xC280, s8;
	v0 =	vld [tilespmem:s21+$0x0]  }
0x32f: {  	s6 =	sadd.s32 s14, s6;
	s26 =	sor.u32 s16, s14;
	s30 =	sadd.s32 s12, s28;
	[tilespmem:s25+$0x0] =	vst.add.f32.msk $0xffff, v1  }
0x330: {  	s31 =	sor.u32 $0xC000, s26;
	s29 =	sshll.u32 s23, $0xA;
	s19 =	sshll.u32 s23, $0x7;
	v3 =	vld [tilespmem:s30+$0x0]  }
0x331: {  	s6 =	sadd.s32 s16, s6;
	s21 =	sand.u32 $0xFFFFE000, s29;
	s19 =	sand.u32 $0x380, s19;
	[tilespmem:s31+$0x0] =	vst.add.f32.msk $0xffff, v2  }
0x332: {  	s23 =	sor.u32 $0xC180, s9;
	s11 =	sor.u32 s19, s21;
	v2 =	vld [tilespmem:s6+$0x0];
	s25 =	sadd.s32 s0, s22  }
0x333: {  	s11 =	sadd.s32 $0x10000, s11;
	s28 =	sadd.s32 s2, s25;
	[tilespmem:s23+$0x0] =	vst.add.f32.msk $0xffff, v0  }
0x334: {  	s29 =	sor.u32 $0xC300, s8;
	s13 =	sadd.s32 s13, s11;
	v1 =	vld [tilespmem:s28+$0x0]  }
0x335: {  	s20 =	rddreg [dreg:$0x16];
	s6 =	simm.s32 $0x30;
	s13 =	sadd.s32 s12, s13;
	[tilespmem:s29+$0x0] =	vst.add.f32.msk $0xffff, v3  }
0x336: {  	s30 =	sor.u32 $0xC080, s26;
	s31 =	sadd.s32 s14, s20;
	s20 =	rddreg [dreg:$0x14];
	v0 =	vld [tilespmem:s13+$0x0]  }
0x337: {  	s12 =	simm.s32 $0x180;
	s21 =	sadd.s32 s16, s31;
	[tilespmem:s30+$0x0] =	vst.add.f32.msk $0xffff, v2;
	s13 =	simm.s32 $0x40  }
.LBB2_15:
0x338: {  	v2 =	vld [tilespmem:s21+$0x0];
	s19 =	sor.u32 $0xC200, s9;
	s30 =	sadd.s32 s0, s24  }
0x339: {  	s23 =	sand.u32 $0x1C00, s12;
	s21 =	smov.u32 s16;
	s31 =	sadd.s32 s2, s30;
	[tilespmem:s19+$0x0] =	vst.add.f32.msk $0xffff, v1  }
0x33a: {  	s16 =	sand.u32 $0x70, s6;
	s8 =	sor.u32 $0xC380, s8;
	s25 =	sadd.s32 s23, s20;
	v1 =	vld [tilespmem:s31+$0x0]  }
0x33b: {  	s6 =	sadd.s32 s16, s25;
	[tilespmem:s8+$0x0] =	vst.add.f32.msk $0xffff, v0;
	s8 =	smov.u32 s9;
	s9 =	smov.u32 s26  }
0x33c: {  	s28 =	sadd.s32 s14, s1;
	v0 =	vld [tilespmem:s6+$0x0];
	s26 =	sor.u32 $0xC100, s9  }
0x33d: {  	s29 =	sadd.s32 s21, s28;
	[tilespmem:s26+$0x0] =	vst.add.f32.msk $0xffff, v2  }
0x33e: {  	s31 =	sadd.s32 s0, s18;
	s30 =	sor.u32 $0xC280, s8;
	v2 =	vld [tilespmem:s29+$0x0]  }
0x33f: {  	s25 =	rddreg [dreg:$0x15];
	s20 =	sadd.s32 s2, s31;
	s26 =	sor.u32 s16, s23;
	[tilespmem:s30+$0x0] =	vst.add.f32.msk $0xffff, v1  }
0x340: {  	s25 =	sadd.s32 s23, s25;
	s28 =	sor.u32 $0xC000, s26;
	v3 =	vld [tilespmem:s20+$0x0]  }
0x341: {  	p0 =	sne.s32 s13, $0x3F0;
	s29 =	sadd.s32 s16, s25;
	[tilespmem:s28+$0x0] =	vst.add.f32.msk $0xffff, v0  }
0x342: {  	s12 =	sadd.s32 $0x80, s12;
	s31 =	sadd.s32 s14, s22;
	s30 =	sor.u32 $0xC180, s9;
	v4 =	vld [tilespmem:s29+$0x0]  }
.Ltmp6:
0x343: {  	s6 =	smov.u32 s13;
	s20 =	sadd.s32 s21, s31;
	[tilespmem:s30+$0x0] =	vst.add.f32.msk $0xffff, v2;
	(pc) =	sbr.rel @p0 .LBB2_15-.Ltmp6, $4  }
0x344: {  	s25 =	rddreg [dreg:$0x16];
	s28 =	sor.u32 $0xC300, s8;
	s29 =	sadd.s32 s0, s11;
	v1 =	vld [tilespmem:s20+$0x0]  }
0x345: {  	s0 =	smov.u32 s14;
	s14 =	smov.u32 s23;
	s30 =	sadd.s32 s2, s29;
	[tilespmem:s28+$0x0] =	vst.add.f32.msk $0xffff, v3  }
0x346: {  	s13 =	sadd.s32 $0x10, s13;
	s31 =	sor.u32 $0xC080, s26;
	s23 =	sadd.s32 s14, s25;
	v0 =	vld [tilespmem:s30+$0x0]  }
0x347: {  	s2 =	smov.u32 s21;
	s20 =	rddreg [dreg:$0x14];
	s21 =	sadd.s32 s16, s23;
	[tilespmem:s31+$0x0] =	vst.add.f32.msk $0xffff, v4  }
0x348: {  	s19 =	sand.u32 $0x1C00, s12  }
0x349: {  	s13 =	sand.u32 $0x70, s6;
	s29 =	sadd.s32 s19, s20  }
0x34a: {  	s6 =	sadd.s32 s13, s29  }
0x34b: {  	v2 =	vld [tilespmem:s6+$0x0];
	_ =	sdelay $0x2  }
0x34c: {  	s30 =	rddreg [dreg:$0x15];
	s12 =	sor.u32 s13, s19  }
0x34d: {  	v3 =	vld [tilespmem:s21+$0x0];
	s31 =	sor.u32 $0xC000, s12;
	s6 =	sadd.s32 s19, s30  }
0x34e: {  	s6 =	sadd.s32 s13, s6;
	[tilespmem:s31+$0x0] =	vst.add.f32.msk $0xffff, v2  }
0x34f: {  	v2 =	vld [tilespmem:s6+$0x0];
	_ =	sdelay $0x1  }
0x350: {  	s25 =	sor.u32 $0xC100, s26;
	s28 =	sadd.s32 s14, s1  }
0x351: {  	s29 =	sadd.s32 s16, s28;
	[tilespmem:s25+$0x0] =	vst.add.f32.msk $0xffff, v3;
	s20 =	rddreg [dreg:$0x16]  }
0x352: {  	s23 =	sor.u32 $0xC080, s12;
	v3 =	vld [tilespmem:s29+$0x0];
	s6 =	sadd.s32 s19, s20  }
0x353: {  	s6 =	sadd.s32 s13, s6;
	[tilespmem:s23+$0x0] =	vst.add.f32.msk $0xffff, v2  }
0x354: {  	v2 =	vld [tilespmem:s6+$0x0];
	_ =	sdelay $0x1  }
0x355: {  	s21 =	sadd.s32 s14, s22;
	s20 =	sor.u32 $0xC180, s26  }
0x356: {  	[tilespmem:s20+$0x0] =	vst.add.f32.msk $0xffff, v3;
	s23 =	sadd.s32 s16, s21  }
0x357: {  	s30 =	sor.u32 $0xC100, s12;
	s31 =	sadd.s32 s19, s1;
	v3 =	vld [tilespmem:s23+$0x0]  }
0x358: {  	s1 =	sadd.s32 s13, s31;
	[tilespmem:s30+$0x0] =	vst.add.f32.msk $0xffff, v2  }
0x359: {  	v2 =	vld [tilespmem:s1+$0x0];
	_ =	sdelay $0x1  }
0x35a: {  	s28 =	sadd.s32 s19, s22;
	s22 =	sadd.s32 s14, s24;
	s21 =	sor.u32 $0xC200, s26  }
0x35b: {  	s23 =	sadd.s32 s16, s22;
	[tilespmem:s21+$0x0] =	vst.add.f32.msk $0xffff, v3  }
0x35c: {  	s25 =	sor.u32 $0xC180, s12;
	v3 =	vld [tilespmem:s23+$0x0]  }
0x35d: {  	s29 =	sadd.s32 s13, s28;
	[tilespmem:s25+$0x0] =	vst.add.f32.msk $0xffff, v2  }
0x35e: {  	s31 =	sadd.s32 s0, s24;
	s30 =	sor.u32 $0xC200, s9;
	v2 =	vld [tilespmem:s29+$0x0]  }
0x35f: {  	s20 =	sadd.s32 s2, s31;
	[tilespmem:s30+$0x0] =	vst.add.f32.msk $0xffff, v1  }
0x360: {  	v1 =	vld [tilespmem:s20+$0x0]  }
0x361: {  	s22 =	sor.u32 $0xC280, s26  }
0x362: {  	s28 =	sadd.s32 s19, s24;
	s25 =	sor.u32 $0xC200, s12;
	[tilespmem:s22+$0x0] =	vst.add.f32.msk $0xffff, v3  }
0x363: {  	s29 =	sadd.s32 s13, s28;
	[tilespmem:s25+$0x0] =	vst.add.f32.msk $0xffff, v2  }
0x364: {  	s30 =	sor.u32 $0xC280, s9;
	s23 =	sadd.s32 s14, s18;
	v2 =	vld [tilespmem:s29+$0x0]  }
0x365: {  	s31 =	sadd.s32 s0, s18;
	s24 =	sadd.s32 s16, s23;
	[tilespmem:s30+$0x0] =	vst.add.f32.msk $0xffff, v1  }
0x366: {  	s21 =	sadd.s32 s2, s31;
	v3 =	vld [tilespmem:s24+$0x0]  }
0x367: {  	v1 =	vld [tilespmem:s21+$0x0]  }
0x368: {  	s28 =	sadd.s32 s19, s18;
	s25 =	sor.u32 $0xC280, s12  }
0x369: {  	s29 =	sadd.s32 s13, s28;
	[tilespmem:s25+$0x0] =	vst.add.f32.msk $0xffff, v2  }
0x36a: {  	s6 =	sor.u32 $0xC300, s26;
	v2 =	vld [tilespmem:s29+$0x0]  }
0x36b: {  	s30 =	sor.u32 $0xC300, s9;
	s18 =	sadd.s32 s14, s11;
	[tilespmem:s6+$0x0] =	vst.add.f32.msk $0xffff, v3  }
0x36c: {  	s31 =	sadd.s32 s0, s11;
	s20 =	sadd.s32 s16, s18;
	[tilespmem:s30+$0x0] =	vst.add.f32.msk $0xffff, v1  }
0x36d: {  	s0 =	sadd.s32 s2, s31;
	v3 =	vld [tilespmem:s20+$0x0]  }
0x36e: {  	s22 =	sadd.s32 s19, s11;
	s21 =	sor.u32 $0xC300, s12;
	v1 =	vld [tilespmem:s0+$0x0]  }
0x36f: {  	s23 =	sadd.s32 s13, s22;
	[tilespmem:s21+$0x0] =	vst.add.f32.msk $0xffff, v2  }
0x370: {  	v2 =	vld [tilespmem:s23+$0x0]  }
0x371: {  	s24 =	sor.u32 $0xC380, s8  }
0x372: {  	[tilespmem:s24+$0x0] =	vst.add.f32.msk $0xffff, v0;
	s28 =	sor.u32 $0xC380, s26  }
0x373: {  	s25 =	sor.u32 $0xC380, s9;
	[tilespmem:s28+$0x0] =	vst.add.f32.msk $0xffff, v3  }
0x374: {  	s8 =	sadd.s32 s5, s17;
	[tilespmem:s25+$0x0] =	vst.add.f32.msk $0xffff, v1;
	s29 =	sor.u32 $0xC380, s12  }
0x375: {  	s31 =	simm.s32 $0x0;
	s30 =	sadd.s32 s3, s8;
	s26 =	simm.s32 $0xC000;
	[tilespmem:s29+$0x0] =	vst.add.f32.msk $0xffff, v2  }
0x376: {  	[hbm4b:s30+s31] =	stream.linear.scatter [tilespmem:s26], [sflag:$0x8], $0x2000, $0x38;
	[tilespmem:$0x16000] =	vst v63  }
0x377: {  	v0 =	vld [tilespmem:s7+$0x14000];
	_ =	sdelay $0x4  }
0x378: {  	(v2sf) =	vpush v0, $0x8;
	_ =	sdelay $0x1  }
0x379: {  	(v2sf) =	vpush v0, $0x9  }
0x37a: {  	(v2sf) =	vpush v0, $0xA;
	_ =	sdelay $0xb  }
0x37b: {  	s7 =	spop (v2sf)  }
0x37c: {  	s9 =	sshll.u32 s7, $0xA;
	s0 =	sshll.u32 s7, $0x7  }
0x37d: {  	s11 =	spop (v2sf);
	s2 =	sand.u32 $0xFFFFE000, s9;
	s0 =	sand.u32 $0x380, s0  }
0x37e: {  	s12 =	sshll.u32 s11, $0xA;
	s6 =	sshll.u32 s11, $0x7;
	s13 =	spop (v2sf)  }
0x37f: {  	s0 =	sor.u32 s0, s2;
	s2 =	sand.u32 $0xFFFFE000, s12;
	s6 =	sand.u32 $0x380, s6  }
0x380: {  	s16 =	sshll.u32 s13, $0xA;
	s17 =	sshll.u32 s13, $0x7;
	s13 =	sand.u32 $0x1C00, s31  }
0x381: {  	s12 =	sand.u32 $0x70, s31;
	s0 =	sadd.s32 $0x10000, s0;
	s14 =	sor.u32 s6, s2  }
0x382: {  	(v2sf) =	vpush v0, $0xB;
	s2 =	sand.u32 $0xFFFFE000, s16;
	s6 =	sand.u32 $0x380, s17;
	[dreg:$0x17] =	wrdreg s0  }
0x383: {  	s0 =	sadd.s32 $0x10000, s14;
	s19 =	sor.u32 s6, s2;
	s18 =	rddreg [dreg:$0x17]  }
0x384: {  	[dreg:$0x18] =	wrdreg s0;
	s0 =	sadd.s32 $0x10000, s19;
	s20 =	sadd.s32 s13, s18  }
0x385: {  	[dreg:$0x19] =	wrdreg s0;
	s21 =	sadd.s32 s12, s20  }
0x386: {  	v1 =	vld [tilespmem:s21+$0x0];
	_ =	sdelay $0x1  }
0x387: {  	(v2sf) =	vpush v0, $0xC  }
0x388: {  	s7 =	sor.u32 s12, s13;
	s22 =	rddreg [dreg:$0x18]  }
0x389: {  	s23 =	sor.u32 $0xE000, s7;
	s0 =	sadd.s32 s13, s22  }
0x38a: {  	s0 =	sadd.s32 s12, s0;
	[tilespmem:s23+$0x0] =	vst.add.f32.msk $0xffff, v1  }
0x38b: {  	v1 =	vld [tilespmem:s0+$0x0]  }
0x38c: {  	(v2sf) =	vpush v0, $0xD;
	_ =	sdelay $0x1  }
0x38d: {  	s24 =	rddreg [dreg:$0x19]  }
0x38e: {  	s11 =	simm.s32 $0x80;
	s28 =	sor.u32 $0xE080, s7;
	s0 =	sadd.s32 s13, s24  }
0x38f: {  	s14 =	simm.s32 $0x10;
	s25 =	spop (v2sf);
	s0 =	sadd.s32 s12, s0;
	[tilespmem:s28+$0x0] =	vst.add.f32.msk $0xffff, v1  }
0x390: {  	s30 =	rddreg [dreg:$0x17];
	(v2sf) =	vpush v0, $0xE;
	s29 =	sshll.u32 s25, $0xA;
	s1 =	sshll.u32 s25, $0x7;
	v1 =	vld [tilespmem:s0+$0x0]  }
0x391: {  	s31 =	sand.u32 $0xFFFFE000, s29;
	s1 =	sand.u32 $0x380, s1;
	s0 =	sand.u32 $0x1C00, s11  }
0x392: {  	s2 =	sand.u32 $0x70, s14;
	s1 =	sor.u32 s1, s31;
	s6 =	sadd.s32 s0, s30  }
0x393: {  	s1 =	sadd.s32 $0x10000, s1;
	s6 =	sadd.s32 s2, s6  }
0x394: {  	s16 =	sor.u32 $0xE100, s7;
	s17 =	sadd.s32 s13, s1;
	v2 =	vld [tilespmem:s6+$0x0]  }
0x395: {  	s18 =	spop (v2sf);
	s20 =	sadd.s32 s12, s17;
	[tilespmem:s16+$0x0] =	vst.add.f32.msk $0xffff, v1  }
0x396: {  	s19 =	rddreg [dreg:$0x18];
	(v2sf) =	vpush v0, $0xF;
	s21 =	sshll.u32 s18, $0xA;
	s11 =	sshll.u32 s18, $0x7;
	v1 =	vld [tilespmem:s20+$0x0]  }
0x397: {  	s22 =	sand.u32 $0xFFFFE000, s21;
	s11 =	sand.u32 $0x380, s11;
	s9 =	sor.u32 s2, s0  }
0x398: {  	s14 =	sadd.s32 s0, s19;
	s23 =	sor.u32 $0xE000, s9;
	s6 =	sor.u32 s11, s22  }
0x399: {  	s25 =	sadd.s32 s2, s14;
	s17 =	sadd.s32 $0x10000, s6;
	[tilespmem:s23+$0x0] =	vst.add.f32.msk $0xffff, v2  }
0x39a: {  	s24 =	spop (v2sf);
	s29 =	sor.u32 $0xE180, s7;
	s30 =	sadd.s32 s13, s17;
	v0 =	vld [tilespmem:s25+$0x0]  }
0x39b: {  	s28 =	sshll.u32 s24, $0xA;
	s16 =	sshll.u32 s24, $0x7;
	s14 =	sadd.s32 s12, s30;
	[tilespmem:s29+$0x0] =	vst.add.f32.msk $0xffff, v1  }
0x39c: {  	s11 =	sand.u32 $0xFFFFE000, s28;
	s19 =	sand.u32 $0x380, s16;
	v1 =	vld [tilespmem:s14+$0x0]  }
0x39d: {  	s28 =	sor.u32 $0xE080, s9;
	s11 =	sor.u32 s19, s11;
	s31 =	rddreg [dreg:$0x19]  }
0x39e: {  	s24 =	sor.u32 $0xE200, s7;
	s22 =	sadd.s32 $0x10000, s11;
	s29 =	sadd.s32 s0, s31  }
0x39f: {  	s23 =	simm.s32 $0x100;
	s20 =	spop (v2sf);
	s21 =	sadd.s32 s2, s29;
	[tilespmem:s28+$0x0] =	vst.add.f32.msk $0xffff, v0  }
0x3a0: {  	s25 =	sadd.s32 s13, s22;
	s30 =	sshll.u32 s20, $0xA;
	s31 =	rddreg [dreg:$0x17];
	v0 =	vld [tilespmem:s21+$0x0]  }
0x3a1: {  	s14 =	sand.u32 $0x1C00, s23;
	s29 =	sadd.s32 s12, s25;
	s28 =	simm.s32 $0x20;
	[tilespmem:s24+$0x0] =	vst.add.f32.msk $0xffff, v1  }
0x3a2: {  	s6 =	sshll.u32 s20, $0x7;
	s19 =	sadd.s32 s14, s31;
	s16 =	sand.u32 $0x70, s28;
	v1 =	vld [tilespmem:s29+$0x0]  }
0x3a3: {  	s30 =	sand.u32 $0xFFFFE000, s30;
	s6 =	sand.u32 $0x380, s6;
	s31 =	sadd.s32 s16, s19  }
0x3a4: {  	s20 =	sadd.s32 s0, s1;
	s6 =	sor.u32 s6, s30;
	s19 =	sor.u32 $0xE100, s9;
	v2 =	vld [tilespmem:s31+$0x0]  }
0x3a5: {  	s23 =	spop (v2sf);
	s18 =	sadd.s32 $0x10000, s6;
	s21 =	sadd.s32 s2, s20;
	[tilespmem:s19+$0x0] =	vst.add.f32.msk $0xffff, v0  }
0x3a6: {  	s25 =	sor.u32 $0xE280, s7;
	s6 =	rddreg [dreg:$0x18];
	s28 =	sadd.s32 s13, s18;
	v0 =	vld [tilespmem:s21+$0x0]  }
0x3a7: {  	s6 =	sadd.s32 s14, s6;
	s30 =	sadd.s32 s12, s28;
	s24 =	sor.u32 s16, s14;
	[tilespmem:s25+$0x0] =	vst.add.f32.msk $0xffff, v1  }
0x3a8: {  	s29 =	sshll.u32 s23, $0xA;
	s31 =	sor.u32 $0xE000, s24;
	s19 =	sshll.u32 s23, $0x7;
	v3 =	vld [tilespmem:s30+$0x0]  }
0x3a9: {  	s6 =	sadd.s32 s16, s6;
	s21 =	sand.u32 $0xFFFFE000, s29;
	s19 =	sand.u32 $0x380, s19;
	[tilespmem:s31+$0x0] =	vst.add.f32.msk $0xffff, v2  }
0x3aa: {  	s23 =	sor.u32 $0xE180, s9;
	s11 =	sor.u32 s19, s21;
	v2 =	vld [tilespmem:s6+$0x0];
	s25 =	sadd.s32 s0, s17  }
0x3ab: {  	s11 =	sadd.s32 $0x10000, s11;
	s28 =	sadd.s32 s2, s25;
	[tilespmem:s23+$0x0] =	vst.add.f32.msk $0xffff, v0  }
0x3ac: {  	s29 =	sor.u32 $0xE300, s7;
	s13 =	sadd.s32 s13, s11;
	v1 =	vld [tilespmem:s28+$0x0]  }
0x3ad: {  	s20 =	rddreg [dreg:$0x19];
	s6 =	simm.s32 $0x30;
	s13 =	sadd.s32 s12, s13;
	[tilespmem:s29+$0x0] =	vst.add.f32.msk $0xffff, v3  }
0x3ae: {  	s30 =	sor.u32 $0xE080, s24;
	s31 =	sadd.s32 s14, s20;
	s20 =	rddreg [dreg:$0x17];
	v0 =	vld [tilespmem:s13+$0x0]  }
0x3af: {  	s12 =	simm.s32 $0x180;
	s21 =	sadd.s32 s16, s31;
	[tilespmem:s30+$0x0] =	vst.add.f32.msk $0xffff, v2;
	s13 =	simm.s32 $0x40  }
.LBB2_17:
0x3b0: {  	v2 =	vld [tilespmem:s21+$0x0];
	s19 =	sor.u32 $0xE200, s9;
	s30 =	sadd.s32 s0, s22  }
0x3b1: {  	s23 =	sand.u32 $0x1C00, s12;
	s21 =	smov.u32 s16;
	s31 =	sadd.s32 s2, s30;
	[tilespmem:s19+$0x0] =	vst.add.f32.msk $0xffff, v1  }
0x3b2: {  	s16 =	sand.u32 $0x70, s6;
	s7 =	sor.u32 $0xE380, s7;
	s20 =	sadd.s32 s23, s20;
	v1 =	vld [tilespmem:s31+$0x0]  }
0x3b3: {  	s6 =	sadd.s32 s16, s20;
	[tilespmem:s7+$0x0] =	vst.add.f32.msk $0xffff, v0;
	s7 =	smov.u32 s9;
	s9 =	smov.u32 s24  }
0x3b4: {  	s28 =	sadd.s32 s14, s1;
	v0 =	vld [tilespmem:s6+$0x0];
	s24 =	sor.u32 $0xE100, s9  }
0x3b5: {  	s29 =	sadd.s32 s21, s28;
	[tilespmem:s24+$0x0] =	vst.add.f32.msk $0xffff, v2  }
0x3b6: {  	s31 =	sadd.s32 s0, s18;
	s30 =	sor.u32 $0xE280, s7;
	v2 =	vld [tilespmem:s29+$0x0]  }
0x3b7: {  	s25 =	rddreg [dreg:$0x18];
	s20 =	sadd.s32 s2, s31;
	s24 =	sor.u32 s16, s23;
	[tilespmem:s30+$0x0] =	vst.add.f32.msk $0xffff, v1  }
0x3b8: {  	s25 =	sadd.s32 s23, s25;
	s28 =	sor.u32 $0xE000, s24;
	v3 =	vld [tilespmem:s20+$0x0]  }
0x3b9: {  	p0 =	sne.s32 s13, $0x3F0;
	s29 =	sadd.s32 s16, s25;
	[tilespmem:s28+$0x0] =	vst.add.f32.msk $0xffff, v0  }
0x3ba: {  	s12 =	sadd.s32 $0x80, s12;
	s31 =	sadd.s32 s14, s17;
	s30 =	sor.u32 $0xE180, s9;
	v4 =	vld [tilespmem:s29+$0x0]  }
.Ltmp7:
0x3bb: {  	s6 =	smov.u32 s13;
	s20 =	sadd.s32 s21, s31;
	[tilespmem:s30+$0x0] =	vst.add.f32.msk $0xffff, v2;
	(pc) =	sbr.rel @p0 .LBB2_17-.Ltmp7, $4  }
0x3bc: {  	s25 =	rddreg [dreg:$0x19];
	s28 =	sor.u32 $0xE300, s7;
	s29 =	sadd.s32 s0, s11;
	v1 =	vld [tilespmem:s20+$0x0]  }
0x3bd: {  	s0 =	smov.u32 s14;
	s14 =	smov.u32 s23;
	s30 =	sadd.s32 s2, s29;
	[tilespmem:s28+$0x0] =	vst.add.f32.msk $0xffff, v3  }
0x3be: {  	s13 =	sadd.s32 $0x10, s13;
	s31 =	sor.u32 $0xE080, s24;
	s23 =	sadd.s32 s14, s25;
	v0 =	vld [tilespmem:s30+$0x0]  }
0x3bf: {  	s2 =	smov.u32 s21;
	s20 =	rddreg [dreg:$0x17];
	s21 =	sadd.s32 s16, s23;
	[tilespmem:s31+$0x0] =	vst.add.f32.msk $0xffff, v4  }
0x3c0: {  	s19 =	sand.u32 $0x1C00, s12  }
0x3c1: {  	s13 =	sand.u32 $0x70, s6;
	s29 =	sadd.s32 s19, s20  }
0x3c2: {  	s6 =	sadd.s32 s13, s29  }
0x3c3: {  	v2 =	vld [tilespmem:s6+$0x0];
	_ =	sdelay $0x2  }
0x3c4: {  	s30 =	rddreg [dreg:$0x18];
	s12 =	sor.u32 s13, s19  }
0x3c5: {  	v3 =	vld [tilespmem:s21+$0x0];
	s31 =	sor.u32 $0xE000, s12;
	s6 =	sadd.s32 s19, s30  }
0x3c6: {  	s6 =	sadd.s32 s13, s6;
	[tilespmem:s31+$0x0] =	vst.add.f32.msk $0xffff, v2  }
0x3c7: {  	v2 =	vld [tilespmem:s6+$0x0];
	_ =	sdelay $0x1  }
0x3c8: {  	s25 =	sor.u32 $0xE100, s24;
	s28 =	sadd.s32 s14, s1  }
0x3c9: {  	s29 =	sadd.s32 s16, s28;
	[tilespmem:s25+$0x0] =	vst.add.f32.msk $0xffff, v3;
	s20 =	rddreg [dreg:$0x19]  }
0x3ca: {  	s23 =	sor.u32 $0xE080, s12;
	v3 =	vld [tilespmem:s29+$0x0];
	s6 =	sadd.s32 s19, s20  }
0x3cb: {  	s6 =	sadd.s32 s13, s6;
	[tilespmem:s23+$0x0] =	vst.add.f32.msk $0xffff, v2  }
0x3cc: {  	v2 =	vld [tilespmem:s6+$0x0];
	_ =	sdelay $0x1  }
0x3cd: {  	s21 =	sadd.s32 s14, s17;
	s20 =	sor.u32 $0xE180, s24  }
0x3ce: {  	[tilespmem:s20+$0x0] =	vst.add.f32.msk $0xffff, v3;
	s23 =	sadd.s32 s16, s21  }
0x3cf: {  	s30 =	sor.u32 $0xE100, s12;
	s31 =	sadd.s32 s19, s1;
	v3 =	vld [tilespmem:s23+$0x0]  }
0x3d0: {  	s1 =	sadd.s32 s13, s31;
	[tilespmem:s30+$0x0] =	vst.add.f32.msk $0xffff, v2  }
0x3d1: {  	v2 =	vld [tilespmem:s1+$0x0];
	_ =	sdelay $0x1  }
0x3d2: {  	s20 =	sor.u32 $0xE200, s24;
	s21 =	sadd.s32 s14, s22  }
0x3d3: {  	s23 =	sadd.s32 s16, s21;
	[tilespmem:s20+$0x0] =	vst.add.f32.msk $0xffff, v3  }
0x3d4: {  	s28 =	sadd.s32 s19, s17;
	s25 =	sor.u32 $0xE180, s12;
	v3 =	vld [tilespmem:s23+$0x0]  }
0x3d5: {  	s29 =	sadd.s32 s13, s28;
	[tilespmem:s25+$0x0] =	vst.add.f32.msk $0xffff, v2  }
0x3d6: {  	s31 =	sadd.s32 s0, s22;
	s30 =	sor.u32 $0xE200, s9;
	v2 =	vld [tilespmem:s29+$0x0]  }
0x3d7: {  	s17 =	sadd.s32 s2, s31;
	[tilespmem:s30+$0x0] =	vst.add.f32.msk $0xffff, v1  }
0x3d8: {  	v1 =	vld [tilespmem:s17+$0x0]  }
0x3d9: {  	s21 =	sor.u32 $0xE280, s24  }
0x3da: {  	s28 =	sadd.s32 s19, s22;
	s25 =	sor.u32 $0xE200, s12;
	[tilespmem:s21+$0x0] =	vst.add.f32.msk $0xffff, v3  }
0x3db: {  	s29 =	sadd.s32 s13, s28;
	[tilespmem:s25+$0x0] =	vst.add.f32.msk $0xffff, v2  }
0x3dc: {  	s22 =	sadd.s32 s14, s18;
	s30 =	sor.u32 $0xE280, s9;
	v2 =	vld [tilespmem:s29+$0x0]  }
0x3dd: {  	s31 =	sadd.s32 s0, s18;
	s23 =	sadd.s32 s16, s22;
	[tilespmem:s30+$0x0] =	vst.add.f32.msk $0xffff, v1  }
0x3de: {  	s20 =	sadd.s32 s2, s31;
	v3 =	vld [tilespmem:s23+$0x0]  }
0x3df: {  	v1 =	vld [tilespmem:s20+$0x0]  }
0x3e0: {  	s28 =	sadd.s32 s19, s18;
	s25 =	sor.u32 $0xE280, s12  }
0x3e1: {  	s29 =	sadd.s32 s13, s28;
	[tilespmem:s25+$0x0] =	vst.add.f32.msk $0xffff, v2  }
0x3e2: {  	s6 =	sor.u32 $0xE300, s24;
	v2 =	vld [tilespmem:s29+$0x0]  }
0x3e3: {  	s17 =	sadd.s32 s14, s11;
	s30 =	sor.u32 $0xE300, s9;
	[tilespmem:s6+$0x0] =	vst.add.f32.msk $0xffff, v3  }
0x3e4: {  	s31 =	sadd.s32 s0, s11;
	s18 =	sadd.s32 s16, s17;
	[tilespmem:s30+$0x0] =	vst.add.f32.msk $0xffff, v1  }
0x3e5: {  	s0 =	sadd.s32 s2, s31;
	v3 =	vld [tilespmem:s18+$0x0]  }
0x3e6: {  	s21 =	sadd.s32 s19, s11;
	s20 =	sor.u32 $0xE300, s12;
	v1 =	vld [tilespmem:s0+$0x0]  }
0x3e7: {  	s22 =	sadd.s32 s13, s21;
	[tilespmem:s20+$0x0] =	vst.add.f32.msk $0xffff, v2  }
0x3e8: {  	s15 =	sadd.s32 $0x1, s15;
	v2 =	vld [tilespmem:s22+$0x0]  }
0x3e9: {  	p0 =	sne.s32 s15, $0x10;
	s23 =	sor.u32 $0xE380, s7  }
.Ltmp8:
0x3ea: {  	[tilespmem:s23+$0x0] =	vst.add.f32.msk $0xffff, v0;
	s28 =	sor.u32 $0xE380, s24;
	(pc) =	sbr.rel @p0 .LBB2_2-.Ltmp8, $4  }
0x3eb: {  	s25 =	sor.u32 $0xE380, s9;
	[tilespmem:s28+$0x0] =	vst.add.f32.msk $0xffff, v3  }
0x3ec: {  	[tilespmem:s25+$0x0] =	vst.add.f32.msk $0xffff, v1;
	s29 =	sor.u32 $0xE380, s12  }
0x3ed: {  	s31 =	simm.s32 $0xE000;
	s30 =	sadd.s32 s8, s10;
	[tilespmem:s29+$0x0] =	vst.add.f32.msk $0xffff, v2  }
0x3ee: {  	[hbm4b:s30+s4] =	stream.linear.scatter [tilespmem:s31], [sflag:$0x8], $0x2000, $0x38;
	[tilespmem:$0x16000] =	vst v63  }
0x3ef: {  	s0 =	simm.s32 $0x5  }
0x3f0: {  	_ =	swait.ge [sflag:s0], $0x4000  }
0x3f1: {  	[sflag:s0] =	ssyncset.done $0x0  }
0x3f2: {  	s29 =	simm.s32 $0x6;
	[sflag:s0] =	ssyncadd.s32 $0xFFFFC000  }
0x3f3: {  	_ =	swait.ge [sflag:s29], $0x4000  }
0x3f4: {  	[sflag:s29] =	ssyncset.done $0x0  }
0x3f5: {  	s30 =	simm.s32 $0x7;
	[sflag:s29] =	ssyncadd.s32 $0xFFFFC000  }
0x3f6: {  	_ =	swait.ge [sflag:s30], $0x4000  }
0x3f7: {  	[sflag:s30] =	ssyncset.done $0x0  }
0x3f8: {  	s1 =	simm.s32 $0x8;
	[sflag:s30] =	ssyncadd.s32 $0xFFFFC000  }
0x3f9: {  	_ =	swait.ge [sflag:s1], $0x4000  }
0x3fa: {  	s2 =	sld [smem:$0x7FB]  }
0x3fb: {  	s31 =	sld [smem:$0x7FD];
	_ =	sdelay $0x1  }
0x3fc: {  	s2 =	sadd.s32 $0x1, s2  }
0x3fd: {  	p0 =	sne.s32 s2, s31  }
.Ltmp9:
0x3fe: {  	_ = 	snop;
	(pc) =	sbr.rel @p0 .LBB2_1-.Ltmp9, $3  }
0x3ff: {  	_ =	sdelay $0x1  }
0x400: {  	[sflag:s1] =	ssyncset.done $0x0  }
0x401: {  	[sflag:s1] =	ssyncadd.s32 $0xFFFFC000  }
0x402: {  	_ =	sfence.sel $0x180000  }
0x403: {  	[bflag:$0x0] =	sbarrier.arrive $0xFFFF  }
0x404: {  	_ =	strace $0x90000047  }
0x405: {  	s0 =	stileid.u32;
	[bflag:$0x2] =	sbarrier.arrive $0xFFFF  }
0x406: {  	p0 =	sne.s32 s0, $0x0;
	s0 =	rddreg [dreg:$0x4]  }
0x407: {  	s0 =	sadd.s32 @!p0 $0x100000, s0  }
0x408: {  	[sflag:s0] =	ssyncadd.tile.s32 @!p0 $0x1;
	_ =	shalt  }
.Lfunc_end2:
_tile_overlayer_lowered:
.L_overlay_start_2:
0x409: {  	(tag) =	ssettag $0x2  }
0x40a: {  	s0 =	rddreg [dreg:$0x0];
	s2 =	stileid.u32  }
0x40b: {  	s1 =	rddreg [dreg:$0x1];
	p0 =	sne.s32 s2, $0x0  }
0x40c: {  	s3 =	rddreg [dreg:$0x2];
	[bflag:$0x3] =	sbarrier.arrive $0xFFFF;
	s2 =	simm.s32 @!p0 $0x1C09  }
0x40d: {  	[timem:s3], [sflag:s2] =	dma.local @!p0 [hbm:s0], s1  }
0x40e: {  	s0 =	simm.s32 @!p0 $0x9  }
0x40f: {  	_ =	swait.ge @!p0 [sflag:s0], s1  }
0x410: {  	s1 =	ssub.s32 @!p0 $0x0, s1;
	[sflag:s0] =	ssyncset.done @!p0 $0x0  }
0x411: {  	[sflag:s0] =	ssyncadd.s32 @!p0 s1  }
0x412: {  	[bflag:$0x3] =	sbarrier.arrive $0xFFFF  }
0x413: {  	_ =	shalt  }

</sc_bundles>
